<compile_context>
chip_gen: v7x
topology: tpu7x:2x2x1
jax: 0.10.2.dev20260603
libtpu: 0.0.44.dev20260713+nightly
codegen_flags: <defaults>
</compile_context>

<pallas_src>
import functools
import jax
import jax.numpy as jnp
from jax import lax
from jax.experimental import pallas as pl
from jax.experimental.pallas import tpu as pltpu
from jax.experimental.pallas import tpu_sc as plsc

N_CLASSES = 1000
BATCH = 16384
NW = 32
COLS = BATCH // NW
C_CHUNK = 40
N_CHUNK = N_CLASSES // C_CHUNK
VECS = COLS // 16

_mesh = plsc.VectorSubcoreMesh(core_axis_name="c", subcore_axis_name="s")


@functools.partial(
    pl.kernel,
    out_type=jax.ShapeDtypeStruct((N_CLASSES, BATCH), jnp.float32),
    mesh=_mesh,
    scratch_types=[
        pltpu.VMEM((COLS,), jnp.int32),
        pltpu.VMEM((C_CHUNK, COLS), jnp.float32),
        pltpu.VMEM((C_CHUNK, COLS), jnp.float32),
        pltpu.SemaphoreType.DMA,
        pltpu.SemaphoreType.DMA,
        pltpu.SemaphoreType.DMA,
    ],
    compiler_params=pltpu.CompilerParams(needs_layout_passes=False),
)
def _onehot_sc(idx_hbm, zeros_hbm, out_hbm, idx_v, buf0, buf1, sem0, sem1, semz):
    wid = lax.axis_index("s") * 2 + lax.axis_index("c")
    wbase = wid * COLS

    z0 = pltpu.async_copy(zeros_hbm, buf0, semz)
    z1 = pltpu.async_copy(zeros_hbm, buf1, semz)
    pltpu.sync_copy(idx_hbm.at[pl.ds(wbase, COLS)], idx_v)

    bufs = (buf0, buf1)
    sems = (sem0, sem1)
    one = jnp.full((16,), 1.0, jnp.float32)
    zero = jnp.full((16,), 0.0, jnp.float32)

    def scan_scatter(buf, set_lo, clear_lo):
        def body(v, _):
            idx = idx_v[pl.ds(v * 16, 16)]
            cols = lax.iota(jnp.int32, 16) + v * 16
            set_m = (idx >= set_lo) & (idx < set_lo + C_CHUNK)
            if clear_lo is None:
                rows = idx - set_lo
                mask = set_m
                vals = one
            else:
                clear_m = (idx >= clear_lo) & (idx < clear_lo + C_CHUNK)
                rows = idx - jnp.where(set_m, set_lo, clear_lo)
                mask = set_m | clear_m
                vals = jnp.where(set_m, one, zero)
            plsc.store_scatter(buf, [rows, cols], vals, mask=mask)
            return ()

        lax.fori_loop(0, VECS, body, (), unroll=2)

    copies = [None, None]
    for c in range(N_CHUNK):
        slot = c % 2
        if c >= 2:
            copies[slot].wait()
            scan_scatter(bufs[slot], c * C_CHUNK, (c - 2) * C_CHUNK)
        else:
            (z0 if c == 0 else z1).wait()
            scan_scatter(bufs[slot], c * C_CHUNK, None)
        copies[slot] = pltpu.async_copy(
            bufs[slot],
            out_hbm.at[pl.ds(c * C_CHUNK, C_CHUNK), pl.ds(wbase, COLS)],
            sems[slot],
        )
    copies[(N_CHUNK - 2) % 2].wait()
    copies[(N_CHUNK - 1) % 2].wait()


def kernel(inputs):
    idx = inputs.astype(jnp.int32)
    zeros = jnp.zeros((C_CHUNK, COLS), jnp.float32)
    out_t = _onehot_sc(idx, zeros)
    return out_t.T

# --- scband reference (transcript-rebuilt; emitter-appended) ---
"""Pipeline reference for scband-one-hot-1331439861822 (READ-ONLY COPY).

The authoritative reference and input builder live on the scoring server;
editing this copy changes nothing except your own understanding.
"""

import jax, jax.numpy as jnp
import numpy as np

N_CLASSES = 1000
BATCH = 16384


def setup_inputs(seed: int = 0) -> dict:
    key = jax.random.key(seed)
    inputs = jax.random.randint(key, (BATCH,), 0, N_CLASSES, dtype=jnp.int64)
    return {"inputs": inputs}


def reference(inputs) -> jnp.ndarray:
    # Faithful translation of torch.nn.functional.one_hot(inputs, n_classes).to(float32)
    out = jax.nn.one_hot(inputs, N_CLASSES, dtype=jnp.float32)
    return out

if __name__ == "__main__":
    import jax
    _d = setup_inputs()
    print(jax.jit(kernel)(*tuple(_d.values())))

</pallas_src>

<mosaic_0001>
#map = affine_map<(d0, d1) -> (0)>
#map1 = affine_map<(d0, d1) -> (0, 0)>
module attributes {stable_mosaic.version = 14 : i64} {
  func.func @_onehot_sc(%arg0: i32, %arg1: i32, %arg2: memref<16384xi32, #tpu.memory_space<hbm>>, %arg3: memref<40x512xf32, #tpu.memory_space<hbm>>, %arg4: memref<1000x16384xf32, #tpu.memory_space<hbm>>, %arg5: memref<512xi32, #tpu.memory_space<vmem>>, %arg6: memref<40x512xf32, #tpu.memory_space<vmem>>, %arg7: memref<40x512xf32, #tpu.memory_space<vmem>>, %arg8: memref<!tpu.dma_semaphore, #tpu.memory_space<semaphore_mem>>, %arg9: memref<!tpu.dma_semaphore, #tpu.memory_space<semaphore_mem>>, %arg10: memref<!tpu.dma_semaphore, #tpu.memory_space<semaphore_mem>>) attributes {dimension_semantics = [#tpu.dimension_semantics<core_parallel>, #tpu.dimension_semantics<subcore_parallel>], iteration_bounds = array<i64: 2, 16>, scalar_prefetch = 0 : i64, scratch_operands = 6 : i64, tpu.core_type = #tpu.core_type<sc_vector_subcore>, window_params = [{transform_indices = #map}, {transform_indices = #map1}, {transform_indices = #map1}]} {
    %mul3A = arith.constant 2 : i32
    %mul3A_0 = arith.muli %arg1, %mul3A : i32
    %add3A = arith.addi %mul3A_0, %arg0 : i32
    %mul3A_1 = arith.constant 512 : i32
    %mul3A_2 = arith.muli %add3A, %mul3A_1 : i32
    tpu.enqueue_dma source(%arg3 : memref<40x512xf32, #tpu.memory_space<hbm>>) target(%arg6 : memref<40x512xf32, #tpu.memory_space<vmem>>) target_semaphore(%arg10 : memref<!tpu.dma_semaphore, #tpu.memory_space<semaphore_mem>>)
    tpu.enqueue_dma source(%arg3 : memref<40x512xf32, #tpu.memory_space<hbm>>) target(%arg7 : memref<40x512xf32, #tpu.memory_space<vmem>>) target_semaphore(%arg10 : memref<!tpu.dma_semaphore, #tpu.memory_space<semaphore_mem>>)
    "tpu.region"() ({
      %run_scoped3A = tpu.sem_alloc : memref<!tpu.dma_semaphore, #tpu.memory_space<semaphore_mem>>
      %dma_start3A_328 = tpu.memref_slice %arg2[%mul3A_2] : memref<16384xi32, #tpu.memory_space<hbm>> -> memref<512xi32, #tpu.memory_space<hbm>>
      %dma_start3A_329 = tpu.memref_slice %arg2[%mul3A_2] : memref<16384xi32, #tpu.memory_space<hbm>> -> memref<512xi32, #tpu.memory_space<hbm>>
      tpu.enqueue_dma source(%dma_start3A_329 : memref<512xi32, #tpu.memory_space<hbm>>) target(%arg5 : memref<512xi32, #tpu.memory_space<vmem>>) target_semaphore(%run_scoped3A : memref<!tpu.dma_semaphore, #tpu.memory_space<semaphore_mem>>)
      %dma_wait3A_330 = tpu.memref_slice %arg2[%mul3A_2] : memref<16384xi32, #tpu.memory_space<hbm>> -> memref<512xi32, #tpu.memory_space<hbm>>
      %dma_wait3A_331 = tpu.memref_slice %arg2[%mul3A_2] : memref<16384xi32, #tpu.memory_space<hbm>> -> memref<512xi32, #tpu.memory_space<hbm>>
      tpu.wait_dma2 semaphore(%run_scoped3A : memref<!tpu.dma_semaphore, #tpu.memory_space<semaphore_mem>>) src(%dma_wait3A_331 : memref<512xi32, #tpu.memory_space<hbm>>) dst(%arg5 : memref<512xi32, #tpu.memory_space<vmem>>)
      tpu.yield
    }) : () -> ()
    %broadcast_in_dim3A = arith.constant 1.000000e+00 : f32
    %broadcast_in_dim3A_3 = vector.broadcast %broadcast_in_dim3A : f32 to vector<16xf32>
    %broadcast_in_dim3A_4 = arith.constant 0.000000e+00 : f32
    %broadcast_in_dim3A_5 = vector.broadcast %broadcast_in_dim3A_4 : f32 to vector<16xf32>
    tpu.wait_dma2 semaphore(%arg10 : memref<!tpu.dma_semaphore, #tpu.memory_space<semaphore_mem>>) src(%arg3 : memref<40x512xf32, #tpu.memory_space<hbm>>) dst(%arg6 : memref<40x512xf32, #tpu.memory_space<vmem>>)
    %scan3A = arith.constant 0 : i32
    %scan3A_6 = arith.constant 32 : i32
    %scan3A_7 = arith.addi %scan3A, %scan3A_6 : i32
    %scan3A_8 = arith.constant 2 : i32
    scf.for %scan3A_328 = %scan3A to %scan3A_7 step %scan3A_8  : i32 {
      %mul3A_329 = arith.constant 16 : i32
      %mul3A_330 = arith.muli %scan3A_328, %mul3A_329 : i32
      %get3A = arith.index_cast %mul3A_330 : i32 to index
      %get3A_331 = tpu.vector_load %arg5[%get3A] {strides = array<i32>} : memref<512xi32, #tpu.memory_space<vmem>>, vector<16xi32>,
      %iota3A = tpu.iota {dimensions = array<i32: 0>} : vector<16xi32>
      %mul3A_332 = arith.constant 16 : i32
      %mul3A_333 = arith.muli %scan3A_328, %mul3A_332 : i32
      %add3A_334 = vector.broadcast %mul3A_333 : i32 to vector<16xi32>
      %add3A_335 = arith.addi %iota3A, %add3A_334 : vector<16xi32>
      %ge3A = arith.constant 0 : i32
      %ge3A_336 = vector.broadcast %ge3A : i32 to vector<16xi32>
      %ge3A_337 = arith.cmpi sge, %get3A_331, %ge3A_336 : vector<16xi32>
      %lt3A = arith.constant 40 : i32
      %lt3A_338 = vector.broadcast %lt3A : i32 to vector<16xi32>
      %lt3A_339 = arith.cmpi slt, %get3A_331, %lt3A_338 : vector<16xi32>
      %and3A = arith.andi %ge3A_337, %lt3A_339 : vector<16xi1>
      %sub3A = arith.constant 0 : i32
      %sub3A_340 = vector.broadcast %sub3A : i32 to vector<16xi32>
      %sub3A_341 = arith.subi %get3A_331, %sub3A_340 : vector<16xi32>
      tpu.vector_store_idx %arg6[%sub3A_341, %add3A_335], %broadcast_in_dim3A_3 masked %and3A : memref<40x512xf32, #tpu.memory_space<vmem>>[vector<16xi32>, vector<16xi32>], vector<16xf32>, vector<16xi1>
      %scan3A_342 = arith.constant 1 : i32
      %scan3A_343 = arith.addi %scan3A_328, %scan3A_342 : i32
      %mul3A_344 = arith.constant 16 : i32
      %mul3A_345 = arith.muli %scan3A_343, %mul3A_344 : i32
      %get3A_346 = arith.index_cast %mul3A_345 : i32 to index
      %get3A_347 = tpu.vector_load %arg5[%get3A_346] {strides = array<i32>} : memref<512xi32, #tpu.memory_space<vmem>>, vector<16xi32>,
      %iota3A_348 = tpu.iota {dimensions = array<i32: 0>} : vector<16xi32>
      %mul3A_349 = arith.constant 16 : i32
      %mul3A_350 = arith.muli %scan3A_343, %mul3A_349 : i32
      %add3A_351 = vector.broadcast %mul3A_350 : i32 to vector<16xi32>
      %add3A_352 = arith.addi %iota3A_348, %add3A_351 : vector<16xi32>
      %ge3A_353 = arith.constant 0 : i32
      %ge3A_354 = vector.broadcast %ge3A_353 : i32 to vector<16xi32>
      %ge3A_355 = arith.cmpi sge, %get3A_347, %ge3A_354 : vector<16xi32>
      %lt3A_356 = arith.constant 40 : i32
      %lt3A_357 = vector.broadcast %lt3A_356 : i32 to vector<16xi32>
      %lt3A_358 = arith.cmpi slt, %get3A_347, %lt3A_357 : vector<16xi32>
      %and3A_359 = arith.andi %ge3A_355, %lt3A_358 : vector<16xi1>
      %sub3A_360 = arith.constant 0 : i32
      %sub3A_361 = vector.broadcast %sub3A_360 : i32 to vector<16xi32>
      %sub3A_362 = arith.subi %get3A_347, %sub3A_361 : vector<16xi32>
      tpu.vector_store_idx %arg6[%sub3A_362, %add3A_352], %broadcast_in_dim3A_3 masked %and3A_359 : memref<40x512xf32, #tpu.memory_space<vmem>>[vector<16xi32>, vector<16xi32>], vector<16xf32>, vector<16xi1>
    }
    %scan3A_9 = arith.constant 32 : i32
    %dma_start3A = arith.constant 0 : i32
    %dma_start3A_10 = tpu.memref_slice %arg4[%dma_start3A, %mul3A_2] : memref<1000x16384xf32, #tpu.memory_space<hbm>> -> memref<40x512xf32, #tpu.memory_space<hbm>>
    %dma_start3A_11 = arith.constant 0 : i32
    %dma_start3A_12 = tpu.memref_slice %arg4[%dma_start3A_11, %mul3A_2] : memref<1000x16384xf32, #tpu.memory_space<hbm>> -> memref<40x512xf32, #tpu.memory_space<hbm>>
    tpu.enqueue_dma source(%arg6 : memref<40x512xf32, #tpu.memory_space<vmem>>) target(%dma_start3A_12 : memref<40x512xf32, #tpu.memory_space<hbm>>) target_semaphore(%arg8 : memref<!tpu.dma_semaphore, #tpu.memory_space<semaphore_mem>>)
    tpu.wait_dma2 semaphore(%arg10 : memref<!tpu.dma_semaphore, #tpu.memory_space<semaphore_mem>>) src(%arg3 : memref<40x512xf32, #tpu.memory_space<hbm>>) dst(%arg7 : memref<40x512xf32, #tpu.memory_space<vmem>>)
    %scan3A_13 = arith.constant 0 : i32
    %scan3A_14 = arith.constant 32 : i32
    %scan3A_15 = arith.addi %scan3A_13, %scan3A_14 : i32
    %scan3A_16 = arith.constant 2 : i32
    scf.for %scan3A_328 = %scan3A_13 to %scan3A_15 step %scan3A_16  : i32 {
      %mul3A_329 = arith.constant 16 : i32
      %mul3A_330 = arith.muli %scan3A_328, %mul3A_329 : i32
      %get3A = arith.index_cast %mul3A_330 : i32 to index
      %get3A_331 = tpu.vector_load %arg5[%get3A] {strides = array<i32>} : memref<512xi32, #tpu.memory_space<vmem>>, vector<16xi32>,
      %iota3A = tpu.iota {dimensions = array<i32: 0>} : vector<16xi32>
      %mul3A_332 = arith.constant 16 : i32
      %mul3A_333 = arith.muli %scan3A_328, %mul3A_332 : i32
      %add3A_334 = vector.broadcast %mul3A_333 : i32 to vector<16xi32>
      %add3A_335 = arith.addi %iota3A, %add3A_334 : vector<16xi32>
      %ge3A = arith.constant 40 : i32
      %ge3A_336 = vector.broadcast %ge3A : i32 to vector<16xi32>
      %ge3A_337 = arith.cmpi sge, %get3A_331, %ge3A_336 : vector<16xi32>
      %lt3A = arith.constant 80 : i32
      %lt3A_338 = vector.broadcast %lt3A : i32 to vector<16xi32>
      %lt3A_339 = arith.cmpi slt, %get3A_331, %lt3A_338 : vector<16xi32>
      %and3A = arith.andi %ge3A_337, %lt3A_339 : vector<16xi1>
      %sub3A = arith.constant 40 : i32
      %sub3A_340 = vector.broadcast %sub3A : i32 to vector<16xi32>
      %sub3A_341 = arith.subi %get3A_331, %sub3A_340 : vector<16xi32>
      tpu.vector_store_idx %arg7[%sub3A_341, %add3A_335], %broadcast_in_dim3A_3 masked %and3A : memref<40x512xf32, #tpu.memory_space<vmem>>[vector<16xi32>, vector<16xi32>], vector<16xf32>, vector<16xi1>
      %scan3A_342 = arith.constant 1 : i32
      %scan3A_343 = arith.addi %scan3A_328, %scan3A_342 : i32
      %mul3A_344 = arith.constant 16 : i32
      %mul3A_345 = arith.muli %scan3A_343, %mul3A_344 : i32
      %get3A_346 = arith.index_cast %mul3A_345 : i32 to index
      %get3A_347 = tpu.vector_load %arg5[%get3A_346] {strides = array<i32>} : memref<512xi32, #tpu.memory_space<vmem>>, vector<16xi32>,
      %iota3A_348 = tpu.iota {dimensions = array<i32: 0>} : vector<16xi32>
      %mul3A_349 = arith.constant 16 : i32
      %mul3A_350 = arith.muli %scan3A_343, %mul3A_349 : i32
      %add3A_351 = vector.broadcast %mul3A_350 : i32 to vector<16xi32>
      %add3A_352 = arith.addi %iota3A_348, %add3A_351 : vector<16xi32>
      %ge3A_353 = arith.constant 40 : i32
      %ge3A_354 = vector.broadcast %ge3A_353 : i32 to vector<16xi32>
      %ge3A_355 = arith.cmpi sge, %get3A_347, %ge3A_354 : vector<16xi32>
      %lt3A_356 = arith.constant 80 : i32
      %lt3A_357 = vector.broadcast %lt3A_356 : i32 to vector<16xi32>
      %lt3A_358 = arith.cmpi slt, %get3A_347, %lt3A_357 : vector<16xi32>
      %and3A_359 = arith.andi %ge3A_355, %lt3A_358 : vector<16xi1>
      %sub3A_360 = arith.constant 40 : i32
      %sub3A_361 = vector.broadcast %sub3A_360 : i32 to vector<16xi32>
      %sub3A_362 = arith.subi %get3A_347, %sub3A_361 : vector<16xi32>
      tpu.vector_store_idx %arg7[%sub3A_362, %add3A_352], %broadcast_in_dim3A_3 masked %and3A_359 : memref<40x512xf32, #tpu.memory_space<vmem>>[vector<16xi32>, vector<16xi32>], vector<16xf32>, vector<16xi1>
    }
    %scan3A_17 = arith.constant 32 : i32
    %dma_start3A_18 = arith.constant 40 : i32
    %dma_start3A_19 = tpu.memref_slice %arg4[%dma_start3A_18, %mul3A_2] : memref<1000x16384xf32, #tpu.memory_space<hbm>> -> memref<40x512xf32, #tpu.memory_space<hbm>>
    %dma_start3A_20 = arith.constant 40 : i32
    %dma_start3A_21 = tpu.memref_slice %arg4[%dma_start3A_20, %mul3A_2] : memref<1000x16384xf32, #tpu.memory_space<hbm>> -> memref<40x512xf32, #tpu.memory_space<hbm>>
    tpu.enqueue_dma source(%arg7 : memref<40x512xf32, #tpu.memory_space<vmem>>) target(%dma_start3A_21 : memref<40x512xf32, #tpu.memory_space<hbm>>) target_semaphore(%arg9 : memref<!tpu.dma_semaphore, #tpu.memory_space<semaphore_mem>>)
    %dma_wait3A = arith.constant 0 : i32
    %dma_wait3A_22 = tpu.memref_slice %arg4[%dma_wait3A, %mul3A_2] : memref<1000x16384xf32, #tpu.memory_space<hbm>> -> memref<40x512xf32, #tpu.memory_space<hbm>>
    %dma_wait3A_23 = arith.constant 0 : i32
    %dma_wait3A_24 = tpu.memref_slice %arg4[%dma_wait3A_23, %mul3A_2] : memref<1000x16384xf32, #tpu.memory_space<hbm>> -> memref<40x512xf32, #tpu.memory_space<hbm>>
    tpu.wait_dma2 semaphore(%arg8 : memref<!tpu.dma_semaphore, #tpu.memory_space<semaphore_mem>>) src(%arg6 : memref<40x512xf32, #tpu.memory_space<vmem>>) dst(%dma_wait3A_24 : memref<40x512xf32, #tpu.memory_space<hbm>>)
    %scan3A_25 = arith.constant 0 : i32
    %scan3A_26 = arith.constant 32 : i32
    %scan3A_27 = arith.addi %scan3A_25, %scan3A_26 : i32
    %scan3A_28 = arith.constant 2 : i32
    scf.for %scan3A_328 = %scan3A_25 to %scan3A_27 step %scan3A_28  : i32 {
      %mul3A_329 = arith.constant 16 : i32
      %mul3A_330 = arith.muli %scan3A_328, %mul3A_329 : i32
      %get3A = arith.index_cast %mul3A_330 : i32 to index
      %get3A_331 = tpu.vector_load %arg5[%get3A] {strides = array<i32>} : memref<512xi32, #tpu.memory_space<vmem>>, vector<16xi32>,
      %iota3A = tpu.iota {dimensions = array<i32: 0>} : vector<16xi32>
      %mul3A_332 = arith.constant 16 : i32
      %mul3A_333 = arith.muli %scan3A_328, %mul3A_332 : i32
      %add3A_334 = vector.broadcast %mul3A_333 : i32 to vector<16xi32>
      %add3A_335 = arith.addi %iota3A, %add3A_334 : vector<16xi32>
      %ge3A = arith.constant 80 : i32
      %ge3A_336 = vector.broadcast %ge3A : i32 to vector<16xi32>
      %ge3A_337 = arith.cmpi sge, %get3A_331, %ge3A_336 : vector<16xi32>
      %lt3A = arith.constant 120 : i32
      %lt3A_338 = vector.broadcast %lt3A : i32 to vector<16xi32>
      %lt3A_339 = arith.cmpi slt, %get3A_331, %lt3A_338 : vector<16xi32>
      %and3A = arith.andi %ge3A_337, %lt3A_339 : vector<16xi1>
      %ge3A_340 = arith.constant 0 : i32
      %ge3A_341 = vector.broadcast %ge3A_340 : i32 to vector<16xi32>
      %ge3A_342 = arith.cmpi sge, %get3A_331, %ge3A_341 : vector<16xi32>
      %lt3A_343 = arith.constant 40 : i32
      %lt3A_344 = vector.broadcast %lt3A_343 : i32 to vector<16xi32>
      %lt3A_345 = arith.cmpi slt, %get3A_331, %lt3A_344 : vector<16xi32>
      %and3A_346 = arith.andi %ge3A_342, %lt3A_345 : vector<16xi1>
      %jit3A = arith.constant 80 : i32
      %jit3A_347 = arith.constant 0 : i32
      %broadcast_in_dim3A_348 = vector.broadcast %jit3A : i32 to vector<16xi32>
      %broadcast_in_dim3A_349 = vector.broadcast %jit3A_347 : i32 to vector<16xi32>
      %select_n3A = arith.select %and3A, %broadcast_in_dim3A_348, %broadcast_in_dim3A_349 : vector<16xi1>, vector<16xi32>
      %sub3A = arith.subi %get3A_331, %select_n3A : vector<16xi32>
      %or3A = arith.ori %and3A, %and3A_346 : vector<16xi1>
      %select_n3A_350 = arith.select %and3A, %broadcast_in_dim3A_3, %broadcast_in_dim3A_5 : vector<16xi1>, vector<16xf32>
      tpu.vector_store_idx %arg6[%sub3A, %add3A_335], %select_n3A_350 masked %or3A : memref<40x512xf32, #tpu.memory_space<vmem>>[vector<16xi32>, vector<16xi32>], vector<16xf32>, vector<16xi1>
      %scan3A_351 = arith.constant 1 : i32
      %scan3A_352 = arith.addi %scan3A_328, %scan3A_351 : i32
      %mul3A_353 = arith.constant 16 : i32
      %mul3A_354 = arith.muli %scan3A_352, %mul3A_353 : i32
      %get3A_355 = arith.index_cast %mul3A_354 : i32 to index
      %get3A_356 = tpu.vector_load %arg5[%get3A_355] {strides = array<i32>} : memref<512xi32, #tpu.memory_space<vmem>>, vector<16xi32>,
      %iota3A_357 = tpu.iota {dimensions = array<i32: 0>} : vector<16xi32>
      %mul3A_358 = arith.constant 16 : i32
      %mul3A_359 = arith.muli %scan3A_352, %mul3A_358 : i32
      %add3A_360 = vector.broadcast %mul3A_359 : i32 to vector<16xi32>
      %add3A_361 = arith.addi %iota3A_357, %add3A_360 : vector<16xi32>
      %ge3A_362 = arith.constant 80 : i32
      %ge3A_363 = vector.broadcast %ge3A_362 : i32 to vector<16xi32>
      %ge3A_364 = arith.cmpi sge, %get3A_356, %ge3A_363 : vector<16xi32>
      %lt3A_365 = arith.constant 120 : i32
      %lt3A_366 = vector.broadcast %lt3A_365 : i32 to vector<16xi32>
      %lt3A_367 = arith.cmpi slt, %get3A_356, %lt3A_366 : vector<16xi32>
      %and3A_368 = arith.andi %ge3A_364, %lt3A_367 : vector<16xi1>
      %ge3A_369 = arith.constant 0 : i32
      %ge3A_370 = vector.broadcast %ge3A_369 : i32 to vector<16xi32>
      %ge3A_371 = arith.cmpi sge, %get3A_356, %ge3A_370 : vector<16xi32>
      %lt3A_372 = arith.constant 40 : i32
      %lt3A_373 = vector.broadcast %lt3A_372 : i32 to vector<16xi32>
      %lt3A_374 = arith.cmpi slt, %get3A_356, %lt3A_373 : vector<16xi32>
      %and3A_375 = arith.andi %ge3A_371, %lt3A_374 : vector<16xi1>
      %jit3A_376 = arith.constant 80 : i32
      %jit3A_377 = arith.constant 0 : i32
      %broadcast_in_dim3A_378 = vector.broadcast %jit3A_376 : i32 to vector<16xi32>
      %broadcast_in_dim3A_379 = vector.broadcast %jit3A_377 : i32 to vector<16xi32>
      %select_n3A_380 = arith.select %and3A_368, %broadcast_in_dim3A_378, %broadcast_in_dim3A_379 : vector<16xi1>, vector<16xi32>
      %sub3A_381 = arith.subi %get3A_356, %select_n3A_380 : vector<16xi32>
      %or3A_382 = arith.ori %and3A_368, %and3A_375 : vector<16xi1>
      %select_n3A_383 = arith.select %and3A_368, %broadcast_in_dim3A_3, %broadcast_in_dim3A_5 : vector<16xi1>, vector<16xf32>
      tpu.vector_store_idx %arg6[%sub3A_381, %add3A_361], %select_n3A_383 masked %or3A_382 : memref<40x512xf32, #tpu.memory_space<vmem>>[vector<16xi32>, vector<16xi32>], vector<16xf32>, vector<16xi1>
    }
    %scan3A_29 = arith.constant 32 : i32
    %dma_start3A_30 = arith.constant 80 : i32
    %dma_start3A_31 = tpu.memref_slice %arg4[%dma_start3A_30, %mul3A_2] : memref<1000x16384xf32, #tpu.memory_space<hbm>> -> memref<40x512xf32, #tpu.memory_space<hbm>>
    %dma_start3A_32 = arith.constant 80 : i32
    %dma_start3A_33 = tpu.memref_slice %arg4[%dma_start3A_32, %mul3A_2] : memref<1000x16384xf32, #tpu.memory_space<hbm>> -> memref<40x512xf32, #tpu.memory_space<hbm>>
    tpu.enqueue_dma source(%arg6 : memref<40x512xf32, #tpu.memory_space<vmem>>) target(%dma_start3A_33 : memref<40x512xf32, #tpu.memory_space<hbm>>) target_semaphore(%arg8 : memref<!tpu.dma_semaphore, #tpu.memory_space<semaphore_mem>>)
    %dma_wait3A_34 = arith.constant 40 : i32
    %dma_wait3A_35 = tpu.memref_slice %arg4[%dma_wait3A_34, %mul3A_2] : memref<1000x16384xf32, #tpu.memory_space<hbm>> -> memref<40x512xf32, #tpu.memory_space<hbm>>
    %dma_wait3A_36 = arith.constant 40 : i32
    %dma_wait3A_37 = tpu.memref_slice %arg4[%dma_wait3A_36, %mul3A_2] : memref<1000x16384xf32, #tpu.memory_space<hbm>> -> memref<40x512xf32, #tpu.memory_space<hbm>>
    tpu.wait_dma2 semaphore(%arg9 : memref<!tpu.dma_semaphore, #tpu.memory_space<semaphore_mem>>) src(%arg7 : memref<40x512xf32, #tpu.memory_space<vmem>>) dst(%dma_wait3A_37 : memref<40x512xf32, #tpu.memory_space<hbm>>)
    %scan3A_38 = arith.constant 0 : i32
    %scan3A_39 = arith.constant 32 : i32
    %scan3A_40 = arith.addi %scan3A_38, %scan3A_39 : i32
    %scan3A_41 = arith.constant 2 : i32
    scf.for %scan3A_328 = %scan3A_38 to %scan3A_40 step %scan3A_41  : i32 {
      %mul3A_329 = arith.constant 16 : i32
      %mul3A_330 = arith.muli %scan3A_328, %mul3A_329 : i32
      %get3A = arith.index_cast %mul3A_330 : i32 to index
      %get3A_331 = tpu.vector_load %arg5[%get3A] {strides = array<i32>} : memref<512xi32, #tpu.memory_space<vmem>>, vector<16xi32>,
      %iota3A = tpu.iota {dimensions = array<i32: 0>} : vector<16xi32>
      %mul3A_332 = arith.constant 16 : i32
      %mul3A_333 = arith.muli %scan3A_328, %mul3A_332 : i32
      %add3A_334 = vector.broadcast %mul3A_333 : i32 to vector<16xi32>
      %add3A_335 = arith.addi %iota3A, %add3A_334 : vector<16xi32>
      %ge3A = arith.constant 120 : i32
      %ge3A_336 = vector.broadcast %ge3A : i32 to vector<16xi32>
      %ge3A_337 = arith.cmpi sge, %get3A_331, %ge3A_336 : vector<16xi32>
      %lt3A = arith.constant 160 : i32
      %lt3A_338 = vector.broadcast %lt3A : i32 to vector<16xi32>
      %lt3A_339 = arith.cmpi slt, %get3A_331, %lt3A_338 : vector<16xi32>
      %and3A = arith.andi %ge3A_337, %lt3A_339 : vector<16xi1>
      %ge3A_340 = arith.constant 40 : i32
      %ge3A_341 = vector.broadcast %ge3A_340 : i32 to vector<16xi32>
      %ge3A_342 = arith.cmpi sge, %get3A_331, %ge3A_341 : vector<16xi32>
      %lt3A_343 = arith.constant 80 : i32
      %lt3A_344 = vector.broadcast %lt3A_343 : i32 to vector<16xi32>
      %lt3A_345 = arith.cmpi slt, %get3A_331, %lt3A_344 : vector<16xi32>
      %and3A_346 = arith.andi %ge3A_342, %lt3A_345 : vector<16xi1>
      %jit3A = arith.constant 120 : i32
      %jit3A_347 = arith.constant 40 : i32
      %broadcast_in_dim3A_348 = vector.broadcast %jit3A : i32 to vector<16xi32>
      %broadcast_in_dim3A_349 = vector.broadcast %jit3A_347 : i32 to vector<16xi32>
      %select_n3A = arith.select %and3A, %broadcast_in_dim3A_348, %broadcast_in_dim3A_349 : vector<16xi1>, vector<16xi32>
      %sub3A = arith.subi %get3A_331, %select_n3A : vector<16xi32>
      %or3A = arith.ori %and3A, %and3A_346 : vector<16xi1>
      %select_n3A_350 = arith.select %and3A, %broadcast_in_dim3A_3, %broadcast_in_dim3A_5 : vector<16xi1>, vector<16xf32>
      tpu.vector_store_idx %arg7[%sub3A, %add3A_335], %select_n3A_350 masked %or3A : memref<40x512xf32, #tpu.memory_space<vmem>>[vector<16xi32>, vector<16xi32>], vector<16xf32>, vector<16xi1>
      %scan3A_351 = arith.constant 1 : i32
      %scan3A_352 = arith.addi %scan3A_328, %scan3A_351 : i32
      %mul3A_353 = arith.constant 16 : i32
      %mul3A_354 = arith.muli %scan3A_352, %mul3A_353 : i32
      %get3A_355 = arith.index_cast %mul3A_354 : i32 to index
      %get3A_356 = tpu.vector_load %arg5[%get3A_355] {strides = array<i32>} : memref<512xi32, #tpu.memory_space<vmem>>, vector<16xi32>,
      %iota3A_357 = tpu.iota {dimensions = array<i32: 0>} : vector<16xi32>
      %mul3A_358 = arith.constant 16 : i32
      %mul3A_359 = arith.muli %scan3A_352, %mul3A_358 : i32
      %add3A_360 = vector.broadcast %mul3A_359 : i32 to vector<16xi32>
      %add3A_361 = arith.addi %iota3A_357, %add3A_360 : vector<16xi32>
      %ge3A_362 = arith.constant 120 : i32
      %ge3A_363 = vector.broadcast %ge3A_362 : i32 to vector<16xi32>
      %ge3A_364 = arith.cmpi sge, %get3A_356, %ge3A_363 : vector<16xi32>
      %lt3A_365 = arith.constant 160 : i32
      %lt3A_366 = vector.broadcast %lt3A_365 : i32 to vector<16xi32>
      %lt3A_367 = arith.cmpi slt, %get3A_356, %lt3A_366 : vector<16xi32>
      %and3A_368 = arith.andi %ge3A_364, %lt3A_367 : vector<16xi1>
      %ge3A_369 = arith.constant 40 : i32
      %ge3A_370 = vector.broadcast %ge3A_369 : i32 to vector<16xi32>
      %ge3A_371 = arith.cmpi sge, %get3A_356, %ge3A_370 : vector<16xi32>
      %lt3A_372 = arith.constant 80 : i32
      %lt3A_373 = vector.broadcast %lt3A_372 : i32 to vector<16xi32>
      %lt3A_374 = arith.cmpi slt, %get3A_356, %lt3A_373 : vector<16xi32>
      %and3A_375 = arith.andi %ge3A_371, %lt3A_374 : vector<16xi1>
      %jit3A_376 = arith.constant 120 : i32
      %jit3A_377 = arith.constant 40 : i32
      %broadcast_in_dim3A_378 = vector.broadcast %jit3A_376 : i32 to vector<16xi32>
      %broadcast_in_dim3A_379 = vector.broadcast %jit3A_377 : i32 to vector<16xi32>
      %select_n3A_380 = arith.select %and3A_368, %broadcast_in_dim3A_378, %broadcast_in_dim3A_379 : vector<16xi1>, vector<16xi32>
      %sub3A_381 = arith.subi %get3A_356, %select_n3A_380 : vector<16xi32>
      %or3A_382 = arith.ori %and3A_368, %and3A_375 : vector<16xi1>
      %select_n3A_383 = arith.select %and3A_368, %broadcast_in_dim3A_3, %broadcast_in_dim3A_5 : vector<16xi1>, vector<16xf32>
      tpu.vector_store_idx %arg7[%sub3A_381, %add3A_361], %select_n3A_383 masked %or3A_382 : memref<40x512xf32, #tpu.memory_space<vmem>>[vector<16xi32>, vector<16xi32>], vector<16xf32>, vector<16xi1>
    }
    %scan3A_42 = arith.constant 32 : i32
    %dma_start3A_43 = arith.constant 120 : i32
    %dma_start3A_44 = tpu.memref_slice %arg4[%dma_start3A_43, %mul3A_2] : memref<1000x16384xf32, #tpu.memory_space<hbm>> -> memref<40x512xf32, #tpu.memory_space<hbm>>
    %dma_start3A_45 = arith.constant 120 : i32
    %dma_start3A_46 = tpu.memref_slice %arg4[%dma_start3A_45, %mul3A_2] : memref<1000x16384xf32, #tpu.memory_space<hbm>> -> memref<40x512xf32, #tpu.memory_space<hbm>>
    tpu.enqueue_dma source(%arg7 : memref<40x512xf32, #tpu.memory_space<vmem>>) target(%dma_start3A_46 : memref<40x512xf32, #tpu.memory_space<hbm>>) target_semaphore(%arg9 : memref<!tpu.dma_semaphore, #tpu.memory_space<semaphore_mem>>)
    %dma_wait3A_47 = arith.constant 80 : i32
    %dma_wait3A_48 = tpu.memref_slice %arg4[%dma_wait3A_47, %mul3A_2] : memref<1000x16384xf32, #tpu.memory_space<hbm>> -> memref<40x512xf32, #tpu.memory_space<hbm>>
    %dma_wait3A_49 = arith.constant 80 : i32
    %dma_wait3A_50 = tpu.memref_slice %arg4[%dma_wait3A_49, %mul3A_2] : memref<1000x16384xf32, #tpu.memory_space<hbm>> -> memref<40x512xf32, #tpu.memory_space<hbm>>
    tpu.wait_dma2 semaphore(%arg8 : memref<!tpu.dma_semaphore, #tpu.memory_space<semaphore_mem>>) src(%arg6 : memref<40x512xf32, #tpu.memory_space<vmem>>) dst(%dma_wait3A_50 : memref<40x512xf32, #tpu.memory_space<hbm>>)
    %scan3A_51 = arith.constant 0 : i32
    %scan3A_52 = arith.constant 32 : i32
    %scan3A_53 = arith.addi %scan3A_51, %scan3A_52 : i32
    %scan3A_54 = arith.constant 2 : i32
    scf.for %scan3A_328 = %scan3A_51 to %scan3A_53 step %scan3A_54  : i32 {
      %mul3A_329 = arith.constant 16 : i32
      %mul3A_330 = arith.muli %scan3A_328, %mul3A_329 : i32
      %get3A = arith.index_cast %mul3A_330 : i32 to index
      %get3A_331 = tpu.vector_load %arg5[%get3A] {strides = array<i32>} : memref<512xi32, #tpu.memory_space<vmem>>, vector<16xi32>,
      %iota3A = tpu.iota {dimensions = array<i32: 0>} : vector<16xi32>
      %mul3A_332 = arith.constant 16 : i32
      %mul3A_333 = arith.muli %scan3A_328, %mul3A_332 : i32
      %add3A_334 = vector.broadcast %mul3A_333 : i32 to vector<16xi32>
      %add3A_335 = arith.addi %iota3A, %add3A_334 : vector<16xi32>
      %ge3A = arith.constant 160 : i32
      %ge3A_336 = vector.broadcast %ge3A : i32 to vector<16xi32>
      %ge3A_337 = arith.cmpi sge, %get3A_331, %ge3A_336 : vector<16xi32>
      %lt3A = arith.constant 200 : i32
      %lt3A_338 = vector.broadcast %lt3A : i32 to vector<16xi32>
      %lt3A_339 = arith.cmpi slt, %get3A_331, %lt3A_338 : vector<16xi32>
      %and3A = arith.andi %ge3A_337, %lt3A_339 : vector<16xi1>
      %ge3A_340 = arith.constant 80 : i32
      %ge3A_341 = vector.broadcast %ge3A_340 : i32 to vector<16xi32>
      %ge3A_342 = arith.cmpi sge, %get3A_331, %ge3A_341 : vector<16xi32>
      %lt3A_343 = arith.constant 120 : i32
      %lt3A_344 = vector.broadcast %lt3A_343 : i32 to vector<16xi32>
      %lt3A_345 = arith.cmpi slt, %get3A_331, %lt3A_344 : vector<16xi32>
      %and3A_346 = arith.andi %ge3A_342, %lt3A_345 : vector<16xi1>
      %jit3A = arith.constant 160 : i32
      %jit3A_347 = arith.constant 80 : i32
      %broadcast_in_dim3A_348 = vector.broadcast %jit3A : i32 to vector<16xi32>
      %broadcast_in_dim3A_349 = vector.broadcast %jit3A_347 : i32 to vector<16xi32>
      %select_n3A = arith.select %and3A, %broadcast_in_dim3A_348, %broadcast_in_dim3A_349 : vector<16xi1>, vector<16xi32>
      %sub3A = arith.subi %get3A_331, %select_n3A : vector<16xi32>
      %or3A = arith.ori %and3A, %and3A_346 : vector<16xi1>
      %select_n3A_350 = arith.select %and3A, %broadcast_in_dim3A_3, %broadcast_in_dim3A_5 : vector<16xi1>, vector<16xf32>
      tpu.vector_store_idx %arg6[%sub3A, %add3A_335], %select_n3A_350 masked %or3A : memref<40x512xf32, #tpu.memory_space<vmem>>[vector<16xi32>, vector<16xi32>], vector<16xf32>, vector<16xi1>
      %scan3A_351 = arith.constant 1 : i32
      %scan3A_352 = arith.addi %scan3A_328, %scan3A_351 : i32
      %mul3A_353 = arith.constant 16 : i32
      %mul3A_354 = arith.muli %scan3A_352, %mul3A_353 : i32
      %get3A_355 = arith.index_cast %mul3A_354 : i32 to index
      %get3A_356 = tpu.vector_load %arg5[%get3A_355] {strides = array<i32>} : memref<512xi32, #tpu.memory_space<vmem>>, vector<16xi32>,
      %iota3A_357 = tpu.iota {dimensions = array<i32: 0>} : vector<16xi32>
      %mul3A_358 = arith.constant 16 : i32
      %mul3A_359 = arith.muli %scan3A_352, %mul3A_358 : i32
      %add3A_360 = vector.broadcast %mul3A_359 : i32 to vector<16xi32>
      %add3A_361 = arith.addi %iota3A_357, %add3A_360 : vector<16xi32>
      %ge3A_362 = arith.constant 160 : i32
      %ge3A_363 = vector.broadcast %ge3A_362 : i32 to vector<16xi32>
      %ge3A_364 = arith.cmpi sge, %get3A_356, %ge3A_363 : vector<16xi32>
      %lt3A_365 = arith.constant 200 : i32
      %lt3A_366 = vector.broadcast %lt3A_365 : i32 to vector<16xi32>
      %lt3A_367 = arith.cmpi slt, %get3A_356, %lt3A_366 : vector<16xi32>
      %and3A_368 = arith.andi %ge3A_364, %lt3A_367 : vector<16xi1>
      %ge3A_369 = arith.constant 80 : i32
      %ge3A_370 = vector.broadcast %ge3A_369 : i32 to vector<16xi32>
      %ge3A_371 = arith.cmpi sge, %get3A_356, %ge3A_370 : vector<16xi32>
      %lt3A_372 = arith.constant 120 : i32
      %lt3A_373 = vector.broadcast %lt3A_372 : i32 to vector<16xi32>
      %lt3A_374 = arith.cmpi slt, %get3A_356, %lt3A_373 : vector<16xi32>
      %and3A_375 = arith.andi %ge3A_371, %lt3A_374 : vector<16xi1>
      %jit3A_376 = arith.constant 160 : i32
      %jit3A_377 = arith.constant 80 : i32
      %broadcast_in_dim3A_378 = vector.broadcast %jit3A_376 : i32 to vector<16xi32>
      %broadcast_in_dim3A_379 = vector.broadcast %jit3A_377 : i32 to vector<16xi32>
      %select_n3A_380 = arith.select %and3A_368, %broadcast_in_dim3A_378, %broadcast_in_dim3A_379 : vector<16xi1>, vector<16xi32>
      %sub3A_381 = arith.subi %get3A_356, %select_n3A_380 : vector<16xi32>
      %or3A_382 = arith.ori %and3A_368, %and3A_375 : vector<16xi1>
      %select_n3A_383 = arith.select %and3A_368, %broadcast_in_dim3A_3, %broadcast_in_dim3A_5 : vector<16xi1>, vector<16xf32>
      tpu.vector_store_idx %arg6[%sub3A_381, %add3A_361], %select_n3A_383 masked %or3A_382 : memref<40x512xf32, #tpu.memory_space<vmem>>[vector<16xi32>, vector<16xi32>], vector<16xf32>, vector<16xi1>
    }
    %scan3A_55 = arith.constant 32 : i32
    %dma_start3A_56 = arith.constant 160 : i32
    %dma_start3A_57 = tpu.memref_slice %arg4[%dma_start3A_56, %mul3A_2] : memref<1000x16384xf32, #tpu.memory_space<hbm>> -> memref<40x512xf32, #tpu.memory_space<hbm>>
    %dma_start3A_58 = arith.constant 160 : i32
    %dma_start3A_59 = tpu.memref_slice %arg4[%dma_start3A_58, %mul3A_2] : memref<1000x16384xf32, #tpu.memory_space<hbm>> -> memref<40x512xf32, #tpu.memory_space<hbm>>
    tpu.enqueue_dma source(%arg6 : memref<40x512xf32, #tpu.memory_space<vmem>>) target(%dma_start3A_59 : memref<40x512xf32, #tpu.memory_space<hbm>>) target_semaphore(%arg8 : memref<!tpu.dma_semaphore, #tpu.memory_space<semaphore_mem>>)
    %dma_wait3A_60 = arith.constant 120 : i32
    %dma_wait3A_61 = tpu.memref_slice %arg4[%dma_wait3A_60, %mul3A_2] : memref<1000x16384xf32, #tpu.memory_space<hbm>> -> memref<40x512xf32, #tpu.memory_space<hbm>>
    %dma_wait3A_62 = arith.constant 120 : i32
    %dma_wait3A_63 = tpu.memref_slice %arg4[%dma_wait3A_62, %mul3A_2] : memref<1000x16384xf32, #tpu.memory_space<hbm>> -> memref<40x512xf32, #tpu.memory_space<hbm>>
    tpu.wait_dma2 semaphore(%arg9 : memref<!tpu.dma_semaphore, #tpu.memory_space<semaphore_mem>>) src(%arg7 : memref<40x512xf32, #tpu.memory_space<vmem>>) dst(%dma_wait3A_63 : memref<40x512xf32, #tpu.memory_space<hbm>>)
    %scan3A_64 = arith.constant 0 : i32
    %scan3A_65 = arith.constant 32 : i32
    %scan3A_66 = arith.addi %scan3A_64, %scan3A_65 : i32
    %scan3A_67 = arith.constant 2 : i32
    scf.for %scan3A_328 = %scan3A_64 to %scan3A_66 step %scan3A_67  : i32 {
      %mul3A_329 = arith.constant 16 : i32
      %mul3A_330 = arith.muli %scan3A_328, %mul3A_329 : i32
      %get3A = arith.index_cast %mul3A_330 : i32 to index
      %get3A_331 = tpu.vector_load %arg5[%get3A] {strides = array<i32>} : memref<512xi32, #tpu.memory_space<vmem>>, vector<16xi32>,
      %iota3A = tpu.iota {dimensions = array<i32: 0>} : vector<16xi32>
      %mul3A_332 = arith.constant 16 : i32
      %mul3A_333 = arith.muli %scan3A_328, %mul3A_332 : i32
      %add3A_334 = vector.broadcast %mul3A_333 : i32 to vector<16xi32>
      %add3A_335 = arith.addi %iota3A, %add3A_334 : vector<16xi32>
      %ge3A = arith.constant 200 : i32
      %ge3A_336 = vector.broadcast %ge3A : i32 to vector<16xi32>
      %ge3A_337 = arith.cmpi sge, %get3A_331, %ge3A_336 : vector<16xi32>
      %lt3A = arith.constant 240 : i32
      %lt3A_338 = vector.broadcast %lt3A : i32 to vector<16xi32>
      %lt3A_339 = arith.cmpi slt, %get3A_331, %lt3A_338 : vector<16xi32>
      %and3A = arith.andi %ge3A_337, %lt3A_339 : vector<16xi1>
      %ge3A_340 = arith.constant 120 : i32
      %ge3A_341 = vector.broadcast %ge3A_340 : i32 to vector<16xi32>
      %ge3A_342 = arith.cmpi sge, %get3A_331, %ge3A_341 : vector<16xi32>
      %lt3A_343 = arith.constant 160 : i32
      %lt3A_344 = vector.broadcast %lt3A_343 : i32 to vector<16xi32>
      %lt3A_345 = arith.cmpi slt, %get3A_331, %lt3A_344 : vector<16xi32>
      %and3A_346 = arith.andi %ge3A_342, %lt3A_345 : vector<16xi1>
      %jit3A = arith.constant 200 : i32
      %jit3A_347 = arith.constant 120 : i32
      %broadcast_in_dim3A_348 = vector.broadcast %jit3A : i32 to vector<16xi32>
      %broadcast_in_dim3A_349 = vector.broadcast %jit3A_347 : i32 to vector<16xi32>
      %select_n3A = arith.select %and3A, %broadcast_in_dim3A_348, %broadcast_in_dim3A_349 : vector<16xi1>, vector<16xi32>
      %sub3A = arith.subi %get3A_331, %select_n3A : vector<16xi32>
      %or3A = arith.ori %and3A, %and3A_346 : vector<16xi1>
      %select_n3A_350 = arith.select %and3A, %broadcast_in_dim3A_3, %broadcast_in_dim3A_5 : vector<16xi1>, vector<16xf32>
      tpu.vector_store_idx %arg7[%sub3A, %add3A_335], %select_n3A_350 masked %or3A : memref<40x512xf32, #tpu.memory_space<vmem>>[vector<16xi32>, vector<16xi32>], vector<16xf32>, vector<16xi1>
      %scan3A_351 = arith.constant 1 : i32
      %scan3A_352 = arith.addi %scan3A_328, %scan3A_351 : i32
      %mul3A_353 = arith.constant 16 : i32
      %mul3A_354 = arith.muli %scan3A_352, %mul3A_353 : i32
      %get3A_355 = arith.index_cast %mul3A_354 : i32 to index
      %get3A_356 = tpu.vector_load %arg5[%get3A_355] {strides = array<i32>} : memref<512xi32, #tpu.memory_space<vmem>>, vector<16xi32>,
      %iota3A_357 = tpu.iota {dimensions = array<i32: 0>} : vector<16xi32>
      %mul3A_358 = arith.constant 16 : i32
      %mul3A_359 = arith.muli %scan3A_352, %mul3A_358 : i32
      %add3A_360 = vector.broadcast %mul3A_359 : i32 to vector<16xi32>
      %add3A_361 = arith.addi %iota3A_357, %add3A_360 : vector<16xi32>
      %ge3A_362 = arith.constant 200 : i32
      %ge3A_363 = vector.broadcast %ge3A_362 : i32 to vector<16xi32>
      %ge3A_364 = arith.cmpi sge, %get3A_356, %ge3A_363 : vector<16xi32>
      %lt3A_365 = arith.constant 240 : i32
      %lt3A_366 = vector.broadcast %lt3A_365 : i32 to vector<16xi32>
      %lt3A_367 = arith.cmpi slt, %get3A_356, %lt3A_366 : vector<16xi32>
      %and3A_368 = arith.andi %ge3A_364, %lt3A_367 : vector<16xi1>
      %ge3A_369 = arith.constant 120 : i32
      %ge3A_370 = vector.broadcast %ge3A_369 : i32 to vector<16xi32>
      %ge3A_371 = arith.cmpi sge, %get3A_356, %ge3A_370 : vector<16xi32>
      %lt3A_372 = arith.constant 160 : i32
      %lt3A_373 = vector.broadcast %lt3A_372 : i32 to vector<16xi32>
      %lt3A_374 = arith.cmpi slt, %get3A_356, %lt3A_373 : vector<16xi32>
      %and3A_375 = arith.andi %ge3A_371, %lt3A_374 : vector<16xi1>
      %jit3A_376 = arith.constant 200 : i32
      %jit3A_377 = arith.constant 120 : i32
      %broadcast_in_dim3A_378 = vector.broadcast %jit3A_376 : i32 to vector<16xi32>
      %broadcast_in_dim3A_379 = vector.broadcast %jit3A_377 : i32 to vector<16xi32>
      %select_n3A_380 = arith.select %and3A_368, %broadcast_in_dim3A_378, %broadcast_in_dim3A_379 : vector<16xi1>, vector<16xi32>
      %sub3A_381 = arith.subi %get3A_356, %select_n3A_380 : vector<16xi32>
      %or3A_382 = arith.ori %and3A_368, %and3A_375 : vector<16xi1>
      %select_n3A_383 = arith.select %and3A_368, %broadcast_in_dim3A_3, %broadcast_in_dim3A_5 : vector<16xi1>, vector<16xf32>
      tpu.vector_store_idx %arg7[%sub3A_381, %add3A_361], %select_n3A_383 masked %or3A_382 : memref<40x512xf32, #tpu.memory_space<vmem>>[vector<16xi32>, vector<16xi32>], vector<16xf32>, vector<16xi1>
    }
    %scan3A_68 = arith.constant 32 : i32
    %dma_start3A_69 = arith.constant 200 : i32
    %dma_start3A_70 = tpu.memref_slice %arg4[%dma_start3A_69, %mul3A_2] : memref<1000x16384xf32, #tpu.memory_space<hbm>> -> memref<40x512xf32, #tpu.memory_space<hbm>>
    %dma_start3A_71 = arith.constant 200 : i32
    %dma_start3A_72 = tpu.memref_slice %arg4[%dma_start3A_71, %mul3A_2] : memref<1000x16384xf32, #tpu.memory_space<hbm>> -> memref<40x512xf32, #tpu.memory_space<hbm>>
    tpu.enqueue_dma source(%arg7 : memref<40x512xf32, #tpu.memory_space<vmem>>) target(%dma_start3A_72 : memref<40x512xf32, #tpu.memory_space<hbm>>) target_semaphore(%arg9 : memref<!tpu.dma_semaphore, #tpu.memory_space<semaphore_mem>>)
    %dma_wait3A_73 = arith.constant 160 : i32
    %dma_wait3A_74 = tpu.memref_slice %arg4[%dma_wait3A_73, %mul3A_2] : memref<1000x16384xf32, #tpu.memory_space<hbm>> -> memref<40x512xf32, #tpu.memory_space<hbm>>
    %dma_wait3A_75 = arith.constant 160 : i32
    %dma_wait3A_76 = tpu.memref_slice %arg4[%dma_wait3A_75, %mul3A_2] : memref<1000x16384xf32, #tpu.memory_space<hbm>> -> memref<40x512xf32, #tpu.memory_space<hbm>>
    tpu.wait_dma2 semaphore(%arg8 : memref<!tpu.dma_semaphore, #tpu.memory_space<semaphore_mem>>) src(%arg6 : memref<40x512xf32, #tpu.memory_space<vmem>>) dst(%dma_wait3A_76 : memref<40x512xf32, #tpu.memory_space<hbm>>)
    %scan3A_77 = arith.constant 0 : i32
    %scan3A_78 = arith.constant 32 : i32
    %scan3A_79 = arith.addi %scan3A_77, %scan3A_78 : i32
    %scan3A_80 = arith.constant 2 : i32
    scf.for %scan3A_328 = %scan3A_77 to %scan3A_79 step %scan3A_80  : i32 {
      %mul3A_329 = arith.constant 16 : i32
      %mul3A_330 = arith.muli %scan3A_328, %mul3A_329 : i32
      %get3A = arith.index_cast %mul3A_330 : i32 to index
      %get3A_331 = tpu.vector_load %arg5[%get3A] {strides = array<i32>} : memref<512xi32, #tpu.memory_space<vmem>>, vector<16xi32>,
      %iota3A = tpu.iota {dimensions = array<i32: 0>} : vector<16xi32>
      %mul3A_332 = arith.constant 16 : i32
      %mul3A_333 = arith.muli %scan3A_328, %mul3A_332 : i32
      %add3A_334 = vector.broadcast %mul3A_333 : i32 to vector<16xi32>
      %add3A_335 = arith.addi %iota3A, %add3A_334 : vector<16xi32>
      %ge3A = arith.constant 240 : i32
      %ge3A_336 = vector.broadcast %ge3A : i32 to vector<16xi32>
      %ge3A_337 = arith.cmpi sge, %get3A_331, %ge3A_336 : vector<16xi32>
      %lt3A = arith.constant 280 : i32
      %lt3A_338 = vector.broadcast %lt3A : i32 to vector<16xi32>
      %lt3A_339 = arith.cmpi slt, %get3A_331, %lt3A_338 : vector<16xi32>
      %and3A = arith.andi %ge3A_337, %lt3A_339 : vector<16xi1>
      %ge3A_340 = arith.constant 160 : i32
      %ge3A_341 = vector.broadcast %ge3A_340 : i32 to vector<16xi32>
      %ge3A_342 = arith.cmpi sge, %get3A_331, %ge3A_341 : vector<16xi32>
      %lt3A_343 = arith.constant 200 : i32
      %lt3A_344 = vector.broadcast %lt3A_343 : i32 to vector<16xi32>
      %lt3A_345 = arith.cmpi slt, %get3A_331, %lt3A_344 : vector<16xi32>
      %and3A_346 = arith.andi %ge3A_342, %lt3A_345 : vector<16xi1>
      %jit3A = arith.constant 240 : i32
      %jit3A_347 = arith.constant 160 : i32
      %broadcast_in_dim3A_348 = vector.broadcast %jit3A : i32 to vector<16xi32>
      %broadcast_in_dim3A_349 = vector.broadcast %jit3A_347 : i32 to vector<16xi32>
      %select_n3A = arith.select %and3A, %broadcast_in_dim3A_348, %broadcast_in_dim3A_349 : vector<16xi1>, vector<16xi32>
      %sub3A = arith.subi %get3A_331, %select_n3A : vector<16xi32>
      %or3A = arith.ori %and3A, %and3A_346 : vector<16xi1>
      %select_n3A_350 = arith.select %and3A, %broadcast_in_dim3A_3, %broadcast_in_dim3A_5 : vector<16xi1>, vector<16xf32>
      tpu.vector_store_idx %arg6[%sub3A, %add3A_335], %select_n3A_350 masked %or3A : memref<40x512xf32, #tpu.memory_space<vmem>>[vector<16xi32>, vector<16xi32>], vector<16xf32>, vector<16xi1>
      %scan3A_351 = arith.constant 1 : i32
      %scan3A_352 = arith.addi %scan3A_328, %scan3A_351 : i32
      %mul3A_353 = arith.constant 16 : i32
      %mul3A_354 = arith.muli %scan3A_352, %mul3A_353 : i32
      %get3A_355 = arith.index_cast %mul3A_354 : i32 to index
      %get3A_356 = tpu.vector_load %arg5[%get3A_355] {strides = array<i32>} : memref<512xi32, #tpu.memory_space<vmem>>, vector<16xi32>,
      %iota3A_357 = tpu.iota {dimensions = array<i32: 0>} : vector<16xi32>
      %mul3A_358 = arith.constant 16 : i32
      %mul3A_359 = arith.muli %scan3A_352, %mul3A_358 : i32
      %add3A_360 = vector.broadcast %mul3A_359 : i32 to vector<16xi32>
      %add3A_361 = arith.addi %iota3A_357, %add3A_360 : vector<16xi32>
      %ge3A_362 = arith.constant 240 : i32
      %ge3A_363 = vector.broadcast %ge3A_362 : i32 to vector<16xi32>
      %ge3A_364 = arith.cmpi sge, %get3A_356, %ge3A_363 : vector<16xi32>
      %lt3A_365 = arith.constant 280 : i32
      %lt3A_366 = vector.broadcast %lt3A_365 : i32 to vector<16xi32>
      %lt3A_367 = arith.cmpi slt, %get3A_356, %lt3A_366 : vector<16xi32>
      %and3A_368 = arith.andi %ge3A_364, %lt3A_367 : vector<16xi1>
      %ge3A_369 = arith.constant 160 : i32
      %ge3A_370 = vector.broadcast %ge3A_369 : i32 to vector<16xi32>
      %ge3A_371 = arith.cmpi sge, %get3A_356, %ge3A_370 : vector<16xi32>
      %lt3A_372 = arith.constant 200 : i32
      %lt3A_373 = vector.broadcast %lt3A_372 : i32 to vector<16xi32>
      %lt3A_374 = arith.cmpi slt, %get3A_356, %lt3A_373 : vector<16xi32>
      %and3A_375 = arith.andi %ge3A_371, %lt3A_374 : vector<16xi1>
      %jit3A_376 = arith.constant 240 : i32
      %jit3A_377 = arith.constant 160 : i32
      %broadcast_in_dim3A_378 = vector.broadcast %jit3A_376 : i32 to vector<16xi32>
      %broadcast_in_dim3A_379 = vector.broadcast %jit3A_377 : i32 to vector<16xi32>
      %select_n3A_380 = arith.select %and3A_368, %broadcast_in_dim3A_378, %broadcast_in_dim3A_379 : vector<16xi1>, vector<16xi32>
      %sub3A_381 = arith.subi %get3A_356, %select_n3A_380 : vector<16xi32>
      %or3A_382 = arith.ori %and3A_368, %and3A_375 : vector<16xi1>
      %select_n3A_383 = arith.select %and3A_368, %broadcast_in_dim3A_3, %broadcast_in_dim3A_5 : vector<16xi1>, vector<16xf32>
      tpu.vector_store_idx %arg6[%sub3A_381, %add3A_361], %select_n3A_383 masked %or3A_382 : memref<40x512xf32, #tpu.memory_space<vmem>>[vector<16xi32>, vector<16xi32>], vector<16xf32>, vector<16xi1>
    }
    %scan3A_81 = arith.constant 32 : i32
    %dma_start3A_82 = arith.constant 240 : i32
    %dma_start3A_83 = tpu.memref_slice %arg4[%dma_start3A_82, %mul3A_2] : memref<1000x16384xf32, #tpu.memory_space<hbm>> -> memref<40x512xf32, #tpu.memory_space<hbm>>
    %dma_start3A_84 = arith.constant 240 : i32
    %dma_start3A_85 = tpu.memref_slice %arg4[%dma_start3A_84, %mul3A_2] : memref<1000x16384xf32, #tpu.memory_space<hbm>> -> memref<40x512xf32, #tpu.memory_space<hbm>>
    tpu.enqueue_dma source(%arg6 : memref<40x512xf32, #tpu.memory_space<vmem>>) target(%dma_start3A_85 : memref<40x512xf32, #tpu.memory_space<hbm>>) target_semaphore(%arg8 : memref<!tpu.dma_semaphore, #tpu.memory_space<semaphore_mem>>)
    %dma_wait3A_86 = arith.constant 200 : i32
    %dma_wait3A_87 = tpu.memref_slice %arg4[%dma_wait3A_86, %mul3A_2] : memref<1000x16384xf32, #tpu.memory_space<hbm>> -> memref<40x512xf32, #tpu.memory_space<hbm>>
    %dma_wait3A_88 = arith.constant 200 : i32
    %dma_wait3A_89 = tpu.memref_slice %arg4[%dma_wait3A_88, %mul3A_2] : memref<1000x16384xf32, #tpu.memory_space<hbm>> -> memref<40x512xf32, #tpu.memory_space<hbm>>
    tpu.wait_dma2 semaphore(%arg9 : memref<!tpu.dma_semaphore, #tpu.memory_space<semaphore_mem>>) src(%arg7 : memref<40x512xf32, #tpu.memory_space<vmem>>) dst(%dma_wait3A_89 : memref<40x512xf32, #tpu.memory_space<hbm>>)
    %scan3A_90 = arith.constant 0 : i32
    %scan3A_91 = arith.constant 32 : i32
    %scan3A_92 = arith.addi %scan3A_90, %scan3A_91 : i32
    %scan3A_93 = arith.constant 2 : i32
    scf.for %scan3A_328 = %scan3A_90 to %scan3A_92 step %scan3A_93  : i32 {
      %mul3A_329 = arith.constant 16 : i32
      %mul3A_330 = arith.muli %scan3A_328, %mul3A_329 : i32
      %get3A = arith.index_cast %mul3A_330 : i32 to index
      %get3A_331 = tpu.vector_load %arg5[%get3A] {strides = array<i32>} : memref<512xi32, #tpu.memory_space<vmem>>, vector<16xi32>,
      %iota3A = tpu.iota {dimensions = array<i32: 0>} : vector<16xi32>
      %mul3A_332 = arith.constant 16 : i32
      %mul3A_333 = arith.muli %scan3A_328, %mul3A_332 : i32
      %add3A_334 = vector.broadcast %mul3A_333 : i32 to vector<16xi32>
      %add3A_335 = arith.addi %iota3A, %add3A_334 : vector<16xi32>
      %ge3A = arith.constant 280 : i32
      %ge3A_336 = vector.broadcast %ge3A : i32 to vector<16xi32>
      %ge3A_337 = arith.cmpi sge, %get3A_331, %ge3A_336 : vector<16xi32>
      %lt3A = arith.constant 320 : i32
      %lt3A_338 = vector.broadcast %lt3A : i32 to vector<16xi32>
      %lt3A_339 = arith.cmpi slt, %get3A_331, %lt3A_338 : vector<16xi32>
      %and3A = arith.andi %ge3A_337, %lt3A_339 : vector<16xi1>
      %ge3A_340 = arith.constant 200 : i32
      %ge3A_341 = vector.broadcast %ge3A_340 : i32 to vector<16xi32>
      %ge3A_342 = arith.cmpi sge, %get3A_331, %ge3A_341 : vector<16xi32>
      %lt3A_343 = arith.constant 240 : i32
      %lt3A_344 = vector.broadcast %lt3A_343 : i32 to vector<16xi32>
      %lt3A_345 = arith.cmpi slt, %get3A_331, %lt3A_344 : vector<16xi32>
      %and3A_346 = arith.andi %ge3A_342, %lt3A_345 : vector<16xi1>
      %jit3A = arith.constant 280 : i32
      %jit3A_347 = arith.constant 200 : i32
      %broadcast_in_dim3A_348 = vector.broadcast %jit3A : i32 to vector<16xi32>
      %broadcast_in_dim3A_349 = vector.broadcast %jit3A_347 : i32 to vector<16xi32>
      %select_n3A = arith.select %and3A, %broadcast_in_dim3A_348, %broadcast_in_dim3A_349 : vector<16xi1>, vector<16xi32>
      %sub3A = arith.subi %get3A_331, %select_n3A : vector<16xi32>
      %or3A = arith.ori %and3A, %and3A_346 : vector<16xi1>
      %select_n3A_350 = arith.select %and3A, %broadcast_in_dim3A_3, %broadcast_in_dim3A_5 : vector<16xi1>, vector<16xf32>
      tpu.vector_store_idx %arg7[%sub3A, %add3A_335], %select_n3A_350 masked %or3A : memref<40x512xf32, #tpu.memory_space<vmem>>[vector<16xi32>, vector<16xi32>], vector<16xf32>, vector<16xi1>
      %scan3A_351 = arith.constant 1 : i32
      %scan3A_352 = arith.addi %scan3A_328, %scan3A_351 : i32
      %mul3A_353 = arith.constant 16 : i32
      %mul3A_354 = arith.muli %scan3A_352, %mul3A_353 : i32
      %get3A_355 = arith.index_cast %mul3A_354 : i32 to index
      %get3A_356 = tpu.vector_load %arg5[%get3A_355] {strides = array<i32>} : memref<512xi32, #tpu.memory_space<vmem>>, vector<16xi32>,
      %iota3A_357 = tpu.iota {dimensions = array<i32: 0>} : vector<16xi32>
      %mul3A_358 = arith.constant 16 : i32
      %mul3A_359 = arith.muli %scan3A_352, %mul3A_358 : i32
      %add3A_360 = vector.broadcast %mul3A_359 : i32 to vector<16xi32>
      %add3A_361 = arith.addi %iota3A_357, %add3A_360 : vector<16xi32>
      %ge3A_362 = arith.constant 280 : i32
      %ge3A_363 = vector.broadcast %ge3A_362 : i32 to vector<16xi32>
      %ge3A_364 = arith.cmpi sge, %get3A_356, %ge3A_363 : vector<16xi32>
      %lt3A_365 = arith.constant 320 : i32
      %lt3A_366 = vector.broadcast %lt3A_365 : i32 to vector<16xi32>
      %lt3A_367 = arith.cmpi slt, %get3A_356, %lt3A_366 : vector<16xi32>
      %and3A_368 = arith.andi %ge3A_364, %lt3A_367 : vector<16xi1>
      %ge3A_369 = arith.constant 200 : i32
      %ge3A_370 = vector.broadcast %ge3A_369 : i32 to vector<16xi32>
      %ge3A_371 = arith.cmpi sge, %get3A_356, %ge3A_370 : vector<16xi32>
      %lt3A_372 = arith.constant 240 : i32
      %lt3A_373 = vector.broadcast %lt3A_372 : i32 to vector<16xi32>
      %lt3A_374 = arith.cmpi slt, %get3A_356, %lt3A_373 : vector<16xi32>
      %and3A_375 = arith.andi %ge3A_371, %lt3A_374 : vector<16xi1>
      %jit3A_376 = arith.constant 280 : i32
      %jit3A_377 = arith.constant 200 : i32
      %broadcast_in_dim3A_378 = vector.broadcast %jit3A_376 : i32 to vector<16xi32>
      %broadcast_in_dim3A_379 = vector.broadcast %jit3A_377 : i32 to vector<16xi32>
      %select_n3A_380 = arith.select %and3A_368, %broadcast_in_dim3A_378, %broadcast_in_dim3A_379 : vector<16xi1>, vector<16xi32>
      %sub3A_381 = arith.subi %get3A_356, %select_n3A_380 : vector<16xi32>
      %or3A_382 = arith.ori %and3A_368, %and3A_375 : vector<16xi1>
      %select_n3A_383 = arith.select %and3A_368, %broadcast_in_dim3A_3, %broadcast_in_dim3A_5 : vector<16xi1>, vector<16xf32>
      tpu.vector_store_idx %arg7[%sub3A_381, %add3A_361], %select_n3A_383 masked %or3A_382 : memref<40x512xf32, #tpu.memory_space<vmem>>[vector<16xi32>, vector<16xi32>], vector<16xf32>, vector<16xi1>
    }
    %scan3A_94 = arith.constant 32 : i32
    %dma_start3A_95 = arith.constant 280 : i32
    %dma_start3A_96 = tpu.memref_slice %arg4[%dma_start3A_95, %mul3A_2] : memref<1000x16384xf32, #tpu.memory_space<hbm>> -> memref<40x512xf32, #tpu.memory_space<hbm>>
    %dma_start3A_97 = arith.constant 280 : i32
    %dma_start3A_98 = tpu.memref_slice %arg4[%dma_start3A_97, %mul3A_2] : memref<1000x16384xf32, #tpu.memory_space<hbm>> -> memref<40x512xf32, #tpu.memory_space<hbm>>
    tpu.enqueue_dma source(%arg7 : memref<40x512xf32, #tpu.memory_space<vmem>>) target(%dma_start3A_98 : memref<40x512xf32, #tpu.memory_space<hbm>>) target_semaphore(%arg9 : memref<!tpu.dma_semaphore, #tpu.memory_space<semaphore_mem>>)
    %dma_wait3A_99 = arith.constant 240 : i32
    %dma_wait3A_100 = tpu.memref_slice %arg4[%dma_wait3A_99, %mul3A_2] : memref<1000x16384xf32, #tpu.memory_space<hbm>> -> memref<40x512xf32, #tpu.memory_space<hbm>>
    %dma_wait3A_101 = arith.constant 240 : i32
    %dma_wait3A_102 = tpu.memref_slice %arg4[%dma_wait3A_101, %mul3A_2] : memref<1000x16384xf32, #tpu.memory_space<hbm>> -> memref<40x512xf32, #tpu.memory_space<hbm>>
    tpu.wait_dma2 semaphore(%arg8 : memref<!tpu.dma_semaphore, #tpu.memory_space<semaphore_mem>>) src(%arg6 : memref<40x512xf32, #tpu.memory_space<vmem>>) dst(%dma_wait3A_102 : memref<40x512xf32, #tpu.memory_space<hbm>>)
    %scan3A_103 = arith.constant 0 : i32
    %scan3A_104 = arith.constant 32 : i32
    %scan3A_105 = arith.addi %scan3A_103, %scan3A_104 : i32
    %scan3A_106 = arith.constant 2 : i32
    scf.for %scan3A_328 = %scan3A_103 to %scan3A_105 step %scan3A_106  : i32 {
      %mul3A_329 = arith.constant 16 : i32
      %mul3A_330 = arith.muli %scan3A_328, %mul3A_329 : i32
      %get3A = arith.index_cast %mul3A_330 : i32 to index
      %get3A_331 = tpu.vector_load %arg5[%get3A] {strides = array<i32>} : memref<512xi32, #tpu.memory_space<vmem>>, vector<16xi32>,
      %iota3A = tpu.iota {dimensions = array<i32: 0>} : vector<16xi32>
      %mul3A_332 = arith.constant 16 : i32
      %mul3A_333 = arith.muli %scan3A_328, %mul3A_332 : i32
      %add3A_334 = vector.broadcast %mul3A_333 : i32 to vector<16xi32>
      %add3A_335 = arith.addi %iota3A, %add3A_334 : vector<16xi32>
      %ge3A = arith.constant 320 : i32
      %ge3A_336 = vector.broadcast %ge3A : i32 to vector<16xi32>
      %ge3A_337 = arith.cmpi sge, %get3A_331, %ge3A_336 : vector<16xi32>
      %lt3A = arith.constant 360 : i32
      %lt3A_338 = vector.broadcast %lt3A : i32 to vector<16xi32>
      %lt3A_339 = arith.cmpi slt, %get3A_331, %lt3A_338 : vector<16xi32>
      %and3A = arith.andi %ge3A_337, %lt3A_339 : vector<16xi1>
      %ge3A_340 = arith.constant 240 : i32
      %ge3A_341 = vector.broadcast %ge3A_340 : i32 to vector<16xi32>
      %ge3A_342 = arith.cmpi sge, %get3A_331, %ge3A_341 : vector<16xi32>
      %lt3A_343 = arith.constant 280 : i32
      %lt3A_344 = vector.broadcast %lt3A_343 : i32 to vector<16xi32>
      %lt3A_345 = arith.cmpi slt, %get3A_331, %lt3A_344 : vector<16xi32>
      %and3A_346 = arith.andi %ge3A_342, %lt3A_345 : vector<16xi1>
      %jit3A = arith.constant 320 : i32
      %jit3A_347 = arith.constant 240 : i32
      %broadcast_in_dim3A_348 = vector.broadcast %jit3A : i32 to vector<16xi32>
      %broadcast_in_dim3A_349 = vector.broadcast %jit3A_347 : i32 to vector<16xi32>
      %select_n3A = arith.select %and3A, %broadcast_in_dim3A_348, %broadcast_in_dim3A_349 : vector<16xi1>, vector<16xi32>
      %sub3A = arith.subi %get3A_331, %select_n3A : vector<16xi32>
      %or3A = arith.ori %and3A, %and3A_346 : vector<16xi1>
      %select_n3A_350 = arith.select %and3A, %broadcast_in_dim3A_3, %broadcast_in_dim3A_5 : vector<16xi1>, vector<16xf32>
      tpu.vector_store_idx %arg6[%sub3A, %add3A_335], %select_n3A_350 masked %or3A : memref<40x512xf32, #tpu.memory_space<vmem>>[vector<16xi32>, vector<16xi32>], vector<16xf32>, vector<16xi1>
      %scan3A_351 = arith.constant 1 : i32
      %scan3A_352 = arith.addi %scan3A_328, %scan3A_351 : i32
      %mul3A_353 = arith.constant 16 : i32
      %mul3A_354 = arith.muli %scan3A_352, %mul3A_353 : i32
      %get3A_355 = arith.index_cast %mul3A_354 : i32 to index
      %get3A_356 = tpu.vector_load %arg5[%get3A_355] {strides = array<i32>} : memref<512xi32, #tpu.memory_space<vmem>>, vector<16xi32>,
      %iota3A_357 = tpu.iota {dimensions = array<i32: 0>} : vector<16xi32>
      %mul3A_358 = arith.constant 16 : i32
      %mul3A_359 = arith.muli %scan3A_352, %mul3A_358 : i32
      %add3A_360 = vector.broadcast %mul3A_359 : i32 to vector<16xi32>
      %add3A_361 = arith.addi %iota3A_357, %add3A_360 : vector<16xi32>
      %ge3A_362 = arith.constant 320 : i32
      %ge3A_363 = vector.broadcast %ge3A_362 : i32 to vector<16xi32>
      %ge3A_364 = arith.cmpi sge, %get3A_356, %ge3A_363 : vector<16xi32>
      %lt3A_365 = arith.constant 360 : i32
      %lt3A_366 = vector.broadcast %lt3A_365 : i32 to vector<16xi32>
      %lt3A_367 = arith.cmpi slt, %get3A_356, %lt3A_366 : vector<16xi32>
      %and3A_368 = arith.andi %ge3A_364, %lt3A_367 : vector<16xi1>
      %ge3A_369 = arith.constant 240 : i32
      %ge3A_370 = vector.broadcast %ge3A_369 : i32 to vector<16xi32>
      %ge3A_371 = arith.cmpi sge, %get3A_356, %ge3A_370 : vector<16xi32>
      %lt3A_372 = arith.constant 280 : i32
      %lt3A_373 = vector.broadcast %lt3A_372 : i32 to vector<16xi32>
      %lt3A_374 = arith.cmpi slt, %get3A_356, %lt3A_373 : vector<16xi32>
      %and3A_375 = arith.andi %ge3A_371, %lt3A_374 : vector<16xi1>
      %jit3A_376 = arith.constant 320 : i32
      %jit3A_377 = arith.constant 240 : i32
      %broadcast_in_dim3A_378 = vector.broadcast %jit3A_376 : i32 to vector<16xi32>
      %broadcast_in_dim3A_379 = vector.broadcast %jit3A_377 : i32 to vector<16xi32>
      %select_n3A_380 = arith.select %and3A_368, %broadcast_in_dim3A_378, %broadcast_in_dim3A_379 : vector<16xi1>, vector<16xi32>
      %sub3A_381 = arith.subi %get3A_356, %select_n3A_380 : vector<16xi32>
      %or3A_382 = arith.ori %and3A_368, %and3A_375 : vector<16xi1>
      %select_n3A_383 = arith.select %and3A_368, %broadcast_in_dim3A_3, %broadcast_in_dim3A_5 : vector<16xi1>, vector<16xf32>
      tpu.vector_store_idx %arg6[%sub3A_381, %add3A_361], %select_n3A_383 masked %or3A_382 : memref<40x512xf32, #tpu.memory_space<vmem>>[vector<16xi32>, vector<16xi32>], vector<16xf32>, vector<16xi1>
    }
    %scan3A_107 = arith.constant 32 : i32
    %dma_start3A_108 = arith.constant 320 : i32
    %dma_start3A_109 = tpu.memref_slice %arg4[%dma_start3A_108, %mul3A_2] : memref<1000x16384xf32, #tpu.memory_space<hbm>> -> memref<40x512xf32, #tpu.memory_space<hbm>>
    %dma_start3A_110 = arith.constant 320 : i32
    %dma_start3A_111 = tpu.memref_slice %arg4[%dma_start3A_110, %mul3A_2] : memref<1000x16384xf32, #tpu.memory_space<hbm>> -> memref<40x512xf32, #tpu.memory_space<hbm>>
    tpu.enqueue_dma source(%arg6 : memref<40x512xf32, #tpu.memory_space<vmem>>) target(%dma_start3A_111 : memref<40x512xf32, #tpu.memory_space<hbm>>) target_semaphore(%arg8 : memref<!tpu.dma_semaphore, #tpu.memory_space<semaphore_mem>>)
    %dma_wait3A_112 = arith.constant 280 : i32
    %dma_wait3A_113 = tpu.memref_slice %arg4[%dma_wait3A_112, %mul3A_2] : memref<1000x16384xf32, #tpu.memory_space<hbm>> -> memref<40x512xf32, #tpu.memory_space<hbm>>
    %dma_wait3A_114 = arith.constant 280 : i32
    %dma_wait3A_115 = tpu.memref_slice %arg4[%dma_wait3A_114, %mul3A_2] : memref<1000x16384xf32, #tpu.memory_space<hbm>> -> memref<40x512xf32, #tpu.memory_space<hbm>>
    tpu.wait_dma2 semaphore(%arg9 : memref<!tpu.dma_semaphore, #tpu.memory_space<semaphore_mem>>) src(%arg7 : memref<40x512xf32, #tpu.memory_space<vmem>>) dst(%dma_wait3A_115 : memref<40x512xf32, #tpu.memory_space<hbm>>)
    %scan3A_116 = arith.constant 0 : i32
    %scan3A_117 = arith.constant 32 : i32
    %scan3A_118 = arith.addi %scan3A_116, %scan3A_117 : i32
    %scan3A_119 = arith.constant 2 : i32
    scf.for %scan3A_328 = %scan3A_116 to %scan3A_118 step %scan3A_119  : i32 {
      %mul3A_329 = arith.constant 16 : i32
      %mul3A_330 = arith.muli %scan3A_328, %mul3A_329 : i32
      %get3A = arith.index_cast %mul3A_330 : i32 to index
      %get3A_331 = tpu.vector_load %arg5[%get3A] {strides = array<i32>} : memref<512xi32, #tpu.memory_space<vmem>>, vector<16xi32>,
      %iota3A = tpu.iota {dimensions = array<i32: 0>} : vector<16xi32>
      %mul3A_332 = arith.constant 16 : i32
      %mul3A_333 = arith.muli %scan3A_328, %mul3A_332 : i32
      %add3A_334 = vector.broadcast %mul3A_333 : i32 to vector<16xi32>
      %add3A_335 = arith.addi %iota3A, %add3A_334 : vector<16xi32>
      %ge3A = arith.constant 360 : i32
      %ge3A_336 = vector.broadcast %ge3A : i32 to vector<16xi32>
      %ge3A_337 = arith.cmpi sge, %get3A_331, %ge3A_336 : vector<16xi32>
      %lt3A = arith.constant 400 : i32
      %lt3A_338 = vector.broadcast %lt3A : i32 to vector<16xi32>
      %lt3A_339 = arith.cmpi slt, %get3A_331, %lt3A_338 : vector<16xi32>
      %and3A = arith.andi %ge3A_337, %lt3A_339 : vector<16xi1>
      %ge3A_340 = arith.constant 280 : i32
      %ge3A_341 = vector.broadcast %ge3A_340 : i32 to vector<16xi32>
      %ge3A_342 = arith.cmpi sge, %get3A_331, %ge3A_341 : vector<16xi32>
      %lt3A_343 = arith.constant 320 : i32
      %lt3A_344 = vector.broadcast %lt3A_343 : i32 to vector<16xi32>
      %lt3A_345 = arith.cmpi slt, %get3A_331, %lt3A_344 : vector<16xi32>
      %and3A_346 = arith.andi %ge3A_342, %lt3A_345 : vector<16xi1>
      %jit3A = arith.constant 360 : i32
      %jit3A_347 = arith.constant 280 : i32
      %broadcast_in_dim3A_348 = vector.broadcast %jit3A : i32 to vector<16xi32>
      %broadcast_in_dim3A_349 = vector.broadcast %jit3A_347 : i32 to vector<16xi32>
      %select_n3A = arith.select %and3A, %broadcast_in_dim3A_348, %broadcast_in_dim3A_349 : vector<16xi1>, vector<16xi32>
      %sub3A = arith.subi %get3A_331, %select_n3A : vector<16xi32>
      %or3A = arith.ori %and3A, %and3A_346 : vector<16xi1>
      %select_n3A_350 = arith.select %and3A, %broadcast_in_dim3A_3, %broadcast_in_dim3A_5 : vector<16xi1>, vector<16xf32>
      tpu.vector_store_idx %arg7[%sub3A, %add3A_335], %select_n3A_350 masked %or3A : memref<40x512xf32, #tpu.memory_space<vmem>>[vector<16xi32>, vector<16xi32>], vector<16xf32>, vector<16xi1>
      %scan3A_351 = arith.constant 1 : i32
      %scan3A_352 = arith.addi %scan3A_328, %scan3A_351 : i32
      %mul3A_353 = arith.constant 16 : i32
      %mul3A_354 = arith.muli %scan3A_352, %mul3A_353 : i32
      %get3A_355 = arith.index_cast %mul3A_354 : i32 to index
      %get3A_356 = tpu.vector_load %arg5[%get3A_355] {strides = array<i32>} : memref<512xi32, #tpu.memory_space<vmem>>, vector<16xi32>,
      %iota3A_357 = tpu.iota {dimensions = array<i32: 0>} : vector<16xi32>
      %mul3A_358 = arith.constant 16 : i32
      %mul3A_359 = arith.muli %scan3A_352, %mul3A_358 : i32
      %add3A_360 = vector.broadcast %mul3A_359 : i32 to vector<16xi32>
      %add3A_361 = arith.addi %iota3A_357, %add3A_360 : vector<16xi32>
      %ge3A_362 = arith.constant 360 : i32
      %ge3A_363 = vector.broadcast %ge3A_362 : i32 to vector<16xi32>
      %ge3A_364 = arith.cmpi sge, %get3A_356, %ge3A_363 : vector<16xi32>
      %lt3A_365 = arith.constant 400 : i32
      %lt3A_366 = vector.broadcast %lt3A_365 : i32 to vector<16xi32>
      %lt3A_367 = arith.cmpi slt, %get3A_356, %lt3A_366 : vector<16xi32>
      %and3A_368 = arith.andi %ge3A_364, %lt3A_367 : vector<16xi1>
      %ge3A_369 = arith.constant 280 : i32
      %ge3A_370 = vector.broadcast %ge3A_369 : i32 to vector<16xi32>
      %ge3A_371 = arith.cmpi sge, %get3A_356, %ge3A_370 : vector<16xi32>
      %lt3A_372 = arith.constant 320 : i32
      %lt3A_373 = vector.broadcast %lt3A_372 : i32 to vector<16xi32>
      %lt3A_374 = arith.cmpi slt, %get3A_356, %lt3A_373 : vector<16xi32>
      %and3A_375 = arith.andi %ge3A_371, %lt3A_374 : vector<16xi1>
      %jit3A_376 = arith.constant 360 : i32
      %jit3A_377 = arith.constant 280 : i32
      %broadcast_in_dim3A_378 = vector.broadcast %jit3A_376 : i32 to vector<16xi32>
      %broadcast_in_dim3A_379 = vector.broadcast %jit3A_377 : i32 to vector<16xi32>
      %select_n3A_380 = arith.select %and3A_368, %broadcast_in_dim3A_378, %broadcast_in_dim3A_379 : vector<16xi1>, vector<16xi32>
      %sub3A_381 = arith.subi %get3A_356, %select_n3A_380 : vector<16xi32>
      %or3A_382 = arith.ori %and3A_368, %and3A_375 : vector<16xi1>
      %select_n3A_383 = arith.select %and3A_368, %broadcast_in_dim3A_3, %broadcast_in_dim3A_5 : vector<16xi1>, vector<16xf32>
      tpu.vector_store_idx %arg7[%sub3A_381, %add3A_361], %select_n3A_383 masked %or3A_382 : memref<40x512xf32, #tpu.memory_space<vmem>>[vector<16xi32>, vector<16xi32>], vector<16xf32>, vector<16xi1>
    }
    %scan3A_120 = arith.constant 32 : i32
    %dma_start3A_121 = arith.constant 360 : i32
    %dma_start3A_122 = tpu.memref_slice %arg4[%dma_start3A_121, %mul3A_2] : memref<1000x16384xf32, #tpu.memory_space<hbm>> -> memref<40x512xf32, #tpu.memory_space<hbm>>
    %dma_start3A_123 = arith.constant 360 : i32
    %dma_start3A_124 = tpu.memref_slice %arg4[%dma_start3A_123, %mul3A_2] : memref<1000x16384xf32, #tpu.memory_space<hbm>> -> memref<40x512xf32, #tpu.memory_space<hbm>>
    tpu.enqueue_dma source(%arg7 : memref<40x512xf32, #tpu.memory_space<vmem>>) target(%dma_start3A_124 : memref<40x512xf32, #tpu.memory_space<hbm>>) target_semaphore(%arg9 : memref<!tpu.dma_semaphore, #tpu.memory_space<semaphore_mem>>)
    %dma_wait3A_125 = arith.constant 320 : i32
    %dma_wait3A_126 = tpu.memref_slice %arg4[%dma_wait3A_125, %mul3A_2] : memref<1000x16384xf32, #tpu.memory_space<hbm>> -> memref<40x512xf32, #tpu.memory_space<hbm>>
    %dma_wait3A_127 = arith.constant 320 : i32
    %dma_wait3A_128 = tpu.memref_slice %arg4[%dma_wait3A_127, %mul3A_2] : memref<1000x16384xf32, #tpu.memory_space<hbm>> -> memref<40x512xf32, #tpu.memory_space<hbm>>
    tpu.wait_dma2 semaphore(%arg8 : memref<!tpu.dma_semaphore, #tpu.memory_space<semaphore_mem>>) src(%arg6 : memref<40x512xf32, #tpu.memory_space<vmem>>) dst(%dma_wait3A_128 : memref<40x512xf32, #tpu.memory_space<hbm>>)
    %scan3A_129 = arith.constant 0 : i32
    %scan3A_130 = arith.constant 32 : i32
    %scan3A_131 = arith.addi %scan3A_129, %scan3A_130 : i32
    %scan3A_132 = arith.constant 2 : i32
    scf.for %scan3A_328 = %scan3A_129 to %scan3A_131 step %scan3A_132  : i32 {
      %mul3A_329 = arith.constant 16 : i32
      %mul3A_330 = arith.muli %scan3A_328, %mul3A_329 : i32
      %get3A = arith.index_cast %mul3A_330 : i32 to index
      %get3A_331 = tpu.vector_load %arg5[%get3A] {strides = array<i32>} : memref<512xi32, #tpu.memory_space<vmem>>, vector<16xi32>,
      %iota3A = tpu.iota {dimensions = array<i32: 0>} : vector<16xi32>
      %mul3A_332 = arith.constant 16 : i32
      %mul3A_333 = arith.muli %scan3A_328, %mul3A_332 : i32
      %add3A_334 = vector.broadcast %mul3A_333 : i32 to vector<16xi32>
      %add3A_335 = arith.addi %iota3A, %add3A_334 : vector<16xi32>
      %ge3A = arith.constant 400 : i32
      %ge3A_336 = vector.broadcast %ge3A : i32 to vector<16xi32>
      %ge3A_337 = arith.cmpi sge, %get3A_331, %ge3A_336 : vector<16xi32>
      %lt3A = arith.constant 440 : i32
      %lt3A_338 = vector.broadcast %lt3A : i32 to vector<16xi32>
      %lt3A_339 = arith.cmpi slt, %get3A_331, %lt3A_338 : vector<16xi32>
      %and3A = arith.andi %ge3A_337, %lt3A_339 : vector<16xi1>
      %ge3A_340 = arith.constant 320 : i32
      %ge3A_341 = vector.broadcast %ge3A_340 : i32 to vector<16xi32>
      %ge3A_342 = arith.cmpi sge, %get3A_331, %ge3A_341 : vector<16xi32>
      %lt3A_343 = arith.constant 360 : i32
      %lt3A_344 = vector.broadcast %lt3A_343 : i32 to vector<16xi32>
      %lt3A_345 = arith.cmpi slt, %get3A_331, %lt3A_344 : vector<16xi32>
      %and3A_346 = arith.andi %ge3A_342, %lt3A_345 : vector<16xi1>
      %jit3A = arith.constant 400 : i32
      %jit3A_347 = arith.constant 320 : i32
      %broadcast_in_dim3A_348 = vector.broadcast %jit3A : i32 to vector<16xi32>
      %broadcast_in_dim3A_349 = vector.broadcast %jit3A_347 : i32 to vector<16xi32>
      %select_n3A = arith.select %and3A, %broadcast_in_dim3A_348, %broadcast_in_dim3A_349 : vector<16xi1>, vector<16xi32>
      %sub3A = arith.subi %get3A_331, %select_n3A : vector<16xi32>
      %or3A = arith.ori %and3A, %and3A_346 : vector<16xi1>
      %select_n3A_350 = arith.select %and3A, %broadcast_in_dim3A_3, %broadcast_in_dim3A_5 : vector<16xi1>, vector<16xf32>
      tpu.vector_store_idx %arg6[%sub3A, %add3A_335], %select_n3A_350 masked %or3A : memref<40x512xf32, #tpu.memory_space<vmem>>[vector<16xi32>, vector<16xi32>], vector<16xf32>, vector<16xi1>
      %scan3A_351 = arith.constant 1 : i32
      %scan3A_352 = arith.addi %scan3A_328, %scan3A_351 : i32
      %mul3A_353 = arith.constant 16 : i32
      %mul3A_354 = arith.muli %scan3A_352, %mul3A_353 : i32
      %get3A_355 = arith.index_cast %mul3A_354 : i32 to index
      %get3A_356 = tpu.vector_load %arg5[%get3A_355] {strides = array<i32>} : memref<512xi32, #tpu.memory_space<vmem>>, vector<16xi32>,
      %iota3A_357 = tpu.iota {dimensions = array<i32: 0>} : vector<16xi32>
      %mul3A_358 = arith.constant 16 : i32
      %mul3A_359 = arith.muli %scan3A_352, %mul3A_358 : i32
      %add3A_360 = vector.broadcast %mul3A_359 : i32 to vector<16xi32>
      %add3A_361 = arith.addi %iota3A_357, %add3A_360 : vector<16xi32>
      %ge3A_362 = arith.constant 400 : i32
      %ge3A_363 = vector.broadcast %ge3A_362 : i32 to vector<16xi32>
      %ge3A_364 = arith.cmpi sge, %get3A_356, %ge3A_363 : vector<16xi32>
      %lt3A_365 = arith.constant 440 : i32
      %lt3A_366 = vector.broadcast %lt3A_365 : i32 to vector<16xi32>
      %lt3A_367 = arith.cmpi slt, %get3A_356, %lt3A_366 : vector<16xi32>
      %and3A_368 = arith.andi %ge3A_364, %lt3A_367 : vector<16xi1>
      %ge3A_369 = arith.constant 320 : i32
      %ge3A_370 = vector.broadcast %ge3A_369 : i32 to vector<16xi32>
      %ge3A_371 = arith.cmpi sge, %get3A_356, %ge3A_370 : vector<16xi32>
      %lt3A_372 = arith.constant 360 : i32
      %lt3A_373 = vector.broadcast %lt3A_372 : i32 to vector<16xi32>
      %lt3A_374 = arith.cmpi slt, %get3A_356, %lt3A_373 : vector<16xi32>
      %and3A_375 = arith.andi %ge3A_371, %lt3A_374 : vector<16xi1>
      %jit3A_376 = arith.constant 400 : i32
      %jit3A_377 = arith.constant 320 : i32
      %broadcast_in_dim3A_378 = vector.broadcast %jit3A_376 : i32 to vector<16xi32>
      %broadcast_in_dim3A_379 = vector.broadcast %jit3A_377 : i32 to vector<16xi32>
      %select_n3A_380 = arith.select %and3A_368, %broadcast_in_dim3A_378, %broadcast_in_dim3A_379 : vector<16xi1>, vector<16xi32>
      %sub3A_381 = arith.subi %get3A_356, %select_n3A_380 : vector<16xi32>
      %or3A_382 = arith.ori %and3A_368, %and3A_375 : vector<16xi1>
      %select_n3A_383 = arith.select %and3A_368, %broadcast_in_dim3A_3, %broadcast_in_dim3A_5 : vector<16xi1>, vector<16xf32>
      tpu.vector_store_idx %arg6[%sub3A_381, %add3A_361], %select_n3A_383 masked %or3A_382 : memref<40x512xf32, #tpu.memory_space<vmem>>[vector<16xi32>, vector<16xi32>], vector<16xf32>, vector<16xi1>
    }
    %scan3A_133 = arith.constant 32 : i32
    %dma_start3A_134 = arith.constant 400 : i32
    %dma_start3A_135 = tpu.memref_slice %arg4[%dma_start3A_134, %mul3A_2] : memref<1000x16384xf32, #tpu.memory_space<hbm>> -> memref<40x512xf32, #tpu.memory_space<hbm>>
    %dma_start3A_136 = arith.constant 400 : i32
    %dma_start3A_137 = tpu.memref_slice %arg4[%dma_start3A_136, %mul3A_2] : memref<1000x16384xf32, #tpu.memory_space<hbm>> -> memref<40x512xf32, #tpu.memory_space<hbm>>
    tpu.enqueue_dma source(%arg6 : memref<40x512xf32, #tpu.memory_space<vmem>>) target(%dma_start3A_137 : memref<40x512xf32, #tpu.memory_space<hbm>>) target_semaphore(%arg8 : memref<!tpu.dma_semaphore, #tpu.memory_space<semaphore_mem>>)
    %dma_wait3A_138 = arith.constant 360 : i32
    %dma_wait3A_139 = tpu.memref_slice %arg4[%dma_wait3A_138, %mul3A_2] : memref<1000x16384xf32, #tpu.memory_space<hbm>> -> memref<40x512xf32, #tpu.memory_space<hbm>>
    %dma_wait3A_140 = arith.constant 360 : i32
    %dma_wait3A_141 = tpu.memref_slice %arg4[%dma_wait3A_140, %mul3A_2] : memref<1000x16384xf32, #tpu.memory_space<hbm>> -> memref<40x512xf32, #tpu.memory_space<hbm>>
    tpu.wait_dma2 semaphore(%arg9 : memref<!tpu.dma_semaphore, #tpu.memory_space<semaphore_mem>>) src(%arg7 : memref<40x512xf32, #tpu.memory_space<vmem>>) dst(%dma_wait3A_141 : memref<40x512xf32, #tpu.memory_space<hbm>>)
    %scan3A_142 = arith.constant 0 : i32
    %scan3A_143 = arith.constant 32 : i32
    %scan3A_144 = arith.addi %scan3A_142, %scan3A_143 : i32
    %scan3A_145 = arith.constant 2 : i32
    scf.for %scan3A_328 = %scan3A_142 to %scan3A_144 step %scan3A_145  : i32 {
      %mul3A_329 = arith.constant 16 : i32
      %mul3A_330 = arith.muli %scan3A_328, %mul3A_329 : i32
      %get3A = arith.index_cast %mul3A_330 : i32 to index
      %get3A_331 = tpu.vector_load %arg5[%get3A] {strides = array<i32>} : memref<512xi32, #tpu.memory_space<vmem>>, vector<16xi32>,
      %iota3A = tpu.iota {dimensions = array<i32: 0>} : vector<16xi32>
      %mul3A_332 = arith.constant 16 : i32
      %mul3A_333 = arith.muli %scan3A_328, %mul3A_332 : i32
      %add3A_334 = vector.broadcast %mul3A_333 : i32 to vector<16xi32>
      %add3A_335 = arith.addi %iota3A, %add3A_334 : vector<16xi32>
      %ge3A = arith.constant 440 : i32
      %ge3A_336 = vector.broadcast %ge3A : i32 to vector<16xi32>
      %ge3A_337 = arith.cmpi sge, %get3A_331, %ge3A_336 : vector<16xi32>
      %lt3A = arith.constant 480 : i32
      %lt3A_338 = vector.broadcast %lt3A : i32 to vector<16xi32>
      %lt3A_339 = arith.cmpi slt, %get3A_331, %lt3A_338 : vector<16xi32>
      %and3A = arith.andi %ge3A_337, %lt3A_339 : vector<16xi1>
      %ge3A_340 = arith.constant 360 : i32
      %ge3A_341 = vector.broadcast %ge3A_340 : i32 to vector<16xi32>
      %ge3A_342 = arith.cmpi sge, %get3A_331, %ge3A_341 : vector<16xi32>
      %lt3A_343 = arith.constant 400 : i32
      %lt3A_344 = vector.broadcast %lt3A_343 : i32 to vector<16xi32>
      %lt3A_345 = arith.cmpi slt, %get3A_331, %lt3A_344 : vector<16xi32>
      %and3A_346 = arith.andi %ge3A_342, %lt3A_345 : vector<16xi1>
      %jit3A = arith.constant 440 : i32
      %jit3A_347 = arith.constant 360 : i32
      %broadcast_in_dim3A_348 = vector.broadcast %jit3A : i32 to vector<16xi32>
      %broadcast_in_dim3A_349 = vector.broadcast %jit3A_347 : i32 to vector<16xi32>
      %select_n3A = arith.select %and3A, %broadcast_in_dim3A_348, %broadcast_in_dim3A_349 : vector<16xi1>, vector<16xi32>
      %sub3A = arith.subi %get3A_331, %select_n3A : vector<16xi32>
      %or3A = arith.ori %and3A, %and3A_346 : vector<16xi1>
      %select_n3A_350 = arith.select %and3A, %broadcast_in_dim3A_3, %broadcast_in_dim3A_5 : vector<16xi1>, vector<16xf32>
      tpu.vector_store_idx %arg7[%sub3A, %add3A_335], %select_n3A_350 masked %or3A : memref<40x512xf32, #tpu.memory_space<vmem>>[vector<16xi32>, vector<16xi32>], vector<16xf32>, vector<16xi1>
      %scan3A_351 = arith.constant 1 : i32
      %scan3A_352 = arith.addi %scan3A_328, %scan3A_351 : i32
      %mul3A_353 = arith.constant 16 : i32
      %mul3A_354 = arith.muli %scan3A_352, %mul3A_353 : i32
      %get3A_355 = arith.index_cast %mul3A_354 : i32 to index
      %get3A_356 = tpu.vector_load %arg5[%get3A_355] {strides = array<i32>} : memref<512xi32, #tpu.memory_space<vmem>>, vector<16xi32>,
      %iota3A_357 = tpu.iota {dimensions = array<i32: 0>} : vector<16xi32>
      %mul3A_358 = arith.constant 16 : i32
      %mul3A_359 = arith.muli %scan3A_352, %mul3A_358 : i32
      %add3A_360 = vector.broadcast %mul3A_359 : i32 to vector<16xi32>
      %add3A_361 = arith.addi %iota3A_357, %add3A_360 : vector<16xi32>
      %ge3A_362 = arith.constant 440 : i32
      %ge3A_363 = vector.broadcast %ge3A_362 : i32 to vector<16xi32>
      %ge3A_364 = arith.cmpi sge, %get3A_356, %ge3A_363 : vector<16xi32>
      %lt3A_365 = arith.constant 480 : i32
      %lt3A_366 = vector.broadcast %lt3A_365 : i32 to vector<16xi32>
      %lt3A_367 = arith.cmpi slt, %get3A_356, %lt3A_366 : vector<16xi32>
      %and3A_368 = arith.andi %ge3A_364, %lt3A_367 : vector<16xi1>
      %ge3A_369 = arith.constant 360 : i32
      %ge3A_370 = vector.broadcast %ge3A_369 : i32 to vector<16xi32>
      %ge3A_371 = arith.cmpi sge, %get3A_356, %ge3A_370 : vector<16xi32>
      %lt3A_372 = arith.constant 400 : i32
      %lt3A_373 = vector.broadcast %lt3A_372 : i32 to vector<16xi32>
      %lt3A_374 = arith.cmpi slt, %get3A_356, %lt3A_373 : vector<16xi32>
      %and3A_375 = arith.andi %ge3A_371, %lt3A_374 : vector<16xi1>
      %jit3A_376 = arith.constant 440 : i32
      %jit3A_377 = arith.constant 360 : i32
      %broadcast_in_dim3A_378 = vector.broadcast %jit3A_376 : i32 to vector<16xi32>
      %broadcast_in_dim3A_379 = vector.broadcast %jit3A_377 : i32 to vector<16xi32>
      %select_n3A_380 = arith.select %and3A_368, %broadcast_in_dim3A_378, %broadcast_in_dim3A_379 : vector<16xi1>, vector<16xi32>
      %sub3A_381 = arith.subi %get3A_356, %select_n3A_380 : vector<16xi32>
      %or3A_382 = arith.ori %and3A_368, %and3A_375 : vector<16xi1>
      %select_n3A_383 = arith.select %and3A_368, %broadcast_in_dim3A_3, %broadcast_in_dim3A_5 : vector<16xi1>, vector<16xf32>
      tpu.vector_store_idx %arg7[%sub3A_381, %add3A_361], %select_n3A_383 masked %or3A_382 : memref<40x512xf32, #tpu.memory_space<vmem>>[vector<16xi32>, vector<16xi32>], vector<16xf32>, vector<16xi1>
    }
    %scan3A_146 = arith.constant 32 : i32
    %dma_start3A_147 = arith.constant 440 : i32
    %dma_start3A_148 = tpu.memref_slice %arg4[%dma_start3A_147, %mul3A_2] : memref<1000x16384xf32, #tpu.memory_space<hbm>> -> memref<40x512xf32, #tpu.memory_space<hbm>>
    %dma_start3A_149 = arith.constant 440 : i32
    %dma_start3A_150 = tpu.memref_slice %arg4[%dma_start3A_149, %mul3A_2] : memref<1000x16384xf32, #tpu.memory_space<hbm>> -> memref<40x512xf32, #tpu.memory_space<hbm>>
    tpu.enqueue_dma source(%arg7 : memref<40x512xf32, #tpu.memory_space<vmem>>) target(%dma_start3A_150 : memref<40x512xf32, #tpu.memory_space<hbm>>) target_semaphore(%arg9 : memref<!tpu.dma_semaphore, #tpu.memory_space<semaphore_mem>>)
    %dma_wait3A_151 = arith.constant 400 : i32
    %dma_wait3A_152 = tpu.memref_slice %arg4[%dma_wait3A_151, %mul3A_2] : memref<1000x16384xf32, #tpu.memory_space<hbm>> -> memref<40x512xf32, #tpu.memory_space<hbm>>
    %dma_wait3A_153 = arith.constant 400 : i32
    %dma_wait3A_154 = tpu.memref_slice %arg4[%dma_wait3A_153, %mul3A_2] : memref<1000x16384xf32, #tpu.memory_space<hbm>> -> memref<40x512xf32, #tpu.memory_space<hbm>>
    tpu.wait_dma2 semaphore(%arg8 : memref<!tpu.dma_semaphore, #tpu.memory_space<semaphore_mem>>) src(%arg6 : memref<40x512xf32, #tpu.memory_space<vmem>>) dst(%dma_wait3A_154 : memref<40x512xf32, #tpu.memory_space<hbm>>)
    %scan3A_155 = arith.constant 0 : i32
    %scan3A_156 = arith.constant 32 : i32
    %scan3A_157 = arith.addi %scan3A_155, %scan3A_156 : i32
    %scan3A_158 = arith.constant 2 : i32
    scf.for %scan3A_328 = %scan3A_155 to %scan3A_157 step %scan3A_158  : i32 {
      %mul3A_329 = arith.constant 16 : i32
      %mul3A_330 = arith.muli %scan3A_328, %mul3A_329 : i32
      %get3A = arith.index_cast %mul3A_330 : i32 to index
      %get3A_331 = tpu.vector_load %arg5[%get3A] {strides = array<i32>} : memref<512xi32, #tpu.memory_space<vmem>>, vector<16xi32>,
      %iota3A = tpu.iota {dimensions = array<i32: 0>} : vector<16xi32>
      %mul3A_332 = arith.constant 16 : i32
      %mul3A_333 = arith.muli %scan3A_328, %mul3A_332 : i32
      %add3A_334 = vector.broadcast %mul3A_333 : i32 to vector<16xi32>
      %add3A_335 = arith.addi %iota3A, %add3A_334 : vector<16xi32>
      %ge3A = arith.constant 480 : i32
      %ge3A_336 = vector.broadcast %ge3A : i32 to vector<16xi32>
      %ge3A_337 = arith.cmpi sge, %get3A_331, %ge3A_336 : vector<16xi32>
      %lt3A = arith.constant 520 : i32
      %lt3A_338 = vector.broadcast %lt3A : i32 to vector<16xi32>
      %lt3A_339 = arith.cmpi slt, %get3A_331, %lt3A_338 : vector<16xi32>
      %and3A = arith.andi %ge3A_337, %lt3A_339 : vector<16xi1>
      %ge3A_340 = arith.constant 400 : i32
      %ge3A_341 = vector.broadcast %ge3A_340 : i32 to vector<16xi32>
      %ge3A_342 = arith.cmpi sge, %get3A_331, %ge3A_341 : vector<16xi32>
      %lt3A_343 = arith.constant 440 : i32
      %lt3A_344 = vector.broadcast %lt3A_343 : i32 to vector<16xi32>
      %lt3A_345 = arith.cmpi slt, %get3A_331, %lt3A_344 : vector<16xi32>
      %and3A_346 = arith.andi %ge3A_342, %lt3A_345 : vector<16xi1>
      %jit3A = arith.constant 480 : i32
      %jit3A_347 = arith.constant 400 : i32
      %broadcast_in_dim3A_348 = vector.broadcast %jit3A : i32 to vector<16xi32>
      %broadcast_in_dim3A_349 = vector.broadcast %jit3A_347 : i32 to vector<16xi32>
      %select_n3A = arith.select %and3A, %broadcast_in_dim3A_348, %broadcast_in_dim3A_349 : vector<16xi1>, vector<16xi32>
      %sub3A = arith.subi %get3A_331, %select_n3A : vector<16xi32>
      %or3A = arith.ori %and3A, %and3A_346 : vector<16xi1>
      %select_n3A_350 = arith.select %and3A, %broadcast_in_dim3A_3, %broadcast_in_dim3A_5 : vector<16xi1>, vector<16xf32>
      tpu.vector_store_idx %arg6[%sub3A, %add3A_335], %select_n3A_350 masked %or3A : memref<40x512xf32, #tpu.memory_space<vmem>>[vector<16xi32>, vector<16xi32>], vector<16xf32>, vector<16xi1>
      %scan3A_351 = arith.constant 1 : i32
      %scan3A_352 = arith.addi %scan3A_328, %scan3A_351 : i32
      %mul3A_353 = arith.constant 16 : i32
      %mul3A_354 = arith.muli %scan3A_352, %mul3A_353 : i32
      %get3A_355 = arith.index_cast %mul3A_354 : i32 to index
      %get3A_356 = tpu.vector_load %arg5[%get3A_355] {strides = array<i32>} : memref<512xi32, #tpu.memory_space<vmem>>, vector<16xi32>,
      %iota3A_357 = tpu.iota {dimensions = array<i32: 0>} : vector<16xi32>
      %mul3A_358 = arith.constant 16 : i32
      %mul3A_359 = arith.muli %scan3A_352, %mul3A_358 : i32
      %add3A_360 = vector.broadcast %mul3A_359 : i32 to vector<16xi32>
      %add3A_361 = arith.addi %iota3A_357, %add3A_360 : vector<16xi32>
      %ge3A_362 = arith.constant 480 : i32
      %ge3A_363 = vector.broadcast %ge3A_362 : i32 to vector<16xi32>
      %ge3A_364 = arith.cmpi sge, %get3A_356, %ge3A_363 : vector<16xi32>
      %lt3A_365 = arith.constant 520 : i32
      %lt3A_366 = vector.broadcast %lt3A_365 : i32 to vector<16xi32>
      %lt3A_367 = arith.cmpi slt, %get3A_356, %lt3A_366 : vector<16xi32>
      %and3A_368 = arith.andi %ge3A_364, %lt3A_367 : vector<16xi1>
      %ge3A_369 = arith.constant 400 : i32
      %ge3A_370 = vector.broadcast %ge3A_369 : i32 to vector<16xi32>
      %ge3A_371 = arith.cmpi sge, %get3A_356, %ge3A_370 : vector<16xi32>
      %lt3A_372 = arith.constant 440 : i32
      %lt3A_373 = vector.broadcast %lt3A_372 : i32 to vector<16xi32>
      %lt3A_374 = arith.cmpi slt, %get3A_356, %lt3A_373 : vector<16xi32>
      %and3A_375 = arith.andi %ge3A_371, %lt3A_374 : vector<16xi1>
      %jit3A_376 = arith.constant 480 : i32
      %jit3A_377 = arith.constant 400 : i32
      %broadcast_in_dim3A_378 = vector.broadcast %jit3A_376 : i32 to vector<16xi32>
      %broadcast_in_dim3A_379 = vector.broadcast %jit3A_377 : i32 to vector<16xi32>
      %select_n3A_380 = arith.select %and3A_368, %broadcast_in_dim3A_378, %broadcast_in_dim3A_379 : vector<16xi1>, vector<16xi32>
      %sub3A_381 = arith.subi %get3A_356, %select_n3A_380 : vector<16xi32>
      %or3A_382 = arith.ori %and3A_368, %and3A_375 : vector<16xi1>
      %select_n3A_383 = arith.select %and3A_368, %broadcast_in_dim3A_3, %broadcast_in_dim3A_5 : vector<16xi1>, vector<16xf32>
      tpu.vector_store_idx %arg6[%sub3A_381, %add3A_361], %select_n3A_383 masked %or3A_382 : memref<40x512xf32, #tpu.memory_space<vmem>>[vector<16xi32>, vector<16xi32>], vector<16xf32>, vector<16xi1>
    }
    %scan3A_159 = arith.constant 32 : i32
    %dma_start3A_160 = arith.constant 480 : i32
    %dma_start3A_161 = tpu.memref_slice %arg4[%dma_start3A_160, %mul3A_2] : memref<1000x16384xf32, #tpu.memory_space<hbm>> -> memref<40x512xf32, #tpu.memory_space<hbm>>
    %dma_start3A_162 = arith.constant 480 : i32
    %dma_start3A_163 = tpu.memref_slice %arg4[%dma_start3A_162, %mul3A_2] : memref<1000x16384xf32, #tpu.memory_space<hbm>> -> memref<40x512xf32, #tpu.memory_space<hbm>>
    tpu.enqueue_dma source(%arg6 : memref<40x512xf32, #tpu.memory_space<vmem>>) target(%dma_start3A_163 : memref<40x512xf32, #tpu.memory_space<hbm>>) target_semaphore(%arg8 : memref<!tpu.dma_semaphore, #tpu.memory_space<semaphore_mem>>)
    %dma_wait3A_164 = arith.constant 440 : i32
    %dma_wait3A_165 = tpu.memref_slice %arg4[%dma_wait3A_164, %mul3A_2] : memref<1000x16384xf32, #tpu.memory_space<hbm>> -> memref<40x512xf32, #tpu.memory_space<hbm>>
    %dma_wait3A_166 = arith.constant 440 : i32
    %dma_wait3A_167 = tpu.memref_slice %arg4[%dma_wait3A_166, %mul3A_2] : memref<1000x16384xf32, #tpu.memory_space<hbm>> -> memref<40x512xf32, #tpu.memory_space<hbm>>
    tpu.wait_dma2 semaphore(%arg9 : memref<!tpu.dma_semaphore, #tpu.memory_space<semaphore_mem>>) src(%arg7 : memref<40x512xf32, #tpu.memory_space<vmem>>) dst(%dma_wait3A_167 : memref<40x512xf32, #tpu.memory_space<hbm>>)
    %scan3A_168 = arith.constant 0 : i32
    %scan3A_169 = arith.constant 32 : i32
    %scan3A_170 = arith.addi %scan3A_168, %scan3A_169 : i32
    %scan3A_171 = arith.constant 2 : i32
    scf.for %scan3A_328 = %scan3A_168 to %scan3A_170 step %scan3A_171  : i32 {
      %mul3A_329 = arith.constant 16 : i32
      %mul3A_330 = arith.muli %scan3A_328, %mul3A_329 : i32
      %get3A = arith.index_cast %mul3A_330 : i32 to index
      %get3A_331 = tpu.vector_load %arg5[%get3A] {strides = array<i32>} : memref<512xi32, #tpu.memory_space<vmem>>, vector<16xi32>,
      %iota3A = tpu.iota {dimensions = array<i32: 0>} : vector<16xi32>
      %mul3A_332 = arith.constant 16 : i32
      %mul3A_333 = arith.muli %scan3A_328, %mul3A_332 : i32
      %add3A_334 = vector.broadcast %mul3A_333 : i32 to vector<16xi32>
      %add3A_335 = arith.addi %iota3A, %add3A_334 : vector<16xi32>
      %ge3A = arith.constant 520 : i32
      %ge3A_336 = vector.broadcast %ge3A : i32 to vector<16xi32>
      %ge3A_337 = arith.cmpi sge, %get3A_331, %ge3A_336 : vector<16xi32>
      %lt3A = arith.constant 560 : i32
      %lt3A_338 = vector.broadcast %lt3A : i32 to vector<16xi32>
      %lt3A_339 = arith.cmpi slt, %get3A_331, %lt3A_338 : vector<16xi32>
      %and3A = arith.andi %ge3A_337, %lt3A_339 : vector<16xi1>
      %ge3A_340 = arith.constant 440 : i32
      %ge3A_341 = vector.broadcast %ge3A_340 : i32 to vector<16xi32>
      %ge3A_342 = arith.cmpi sge, %get3A_331, %ge3A_341 : vector<16xi32>
      %lt3A_343 = arith.constant 480 : i32
      %lt3A_344 = vector.broadcast %lt3A_343 : i32 to vector<16xi32>
      %lt3A_345 = arith.cmpi slt, %get3A_331, %lt3A_344 : vector<16xi32>
      %and3A_346 = arith.andi %ge3A_342, %lt3A_345 : vector<16xi1>
      %jit3A = arith.constant 520 : i32
      %jit3A_347 = arith.constant 440 : i32
      %broadcast_in_dim3A_348 = vector.broadcast %jit3A : i32 to vector<16xi32>
      %broadcast_in_dim3A_349 = vector.broadcast %jit3A_347 : i32 to vector<16xi32>
      %select_n3A = arith.select %and3A, %broadcast_in_dim3A_348, %broadcast_in_dim3A_349 : vector<16xi1>, vector<16xi32>
      %sub3A = arith.subi %get3A_331, %select_n3A : vector<16xi32>
      %or3A = arith.ori %and3A, %and3A_346 : vector<16xi1>
      %select_n3A_350 = arith.select %and3A, %broadcast_in_dim3A_3, %broadcast_in_dim3A_5 : vector<16xi1>, vector<16xf32>
      tpu.vector_store_idx %arg7[%sub3A, %add3A_335], %select_n3A_350 masked %or3A : memref<40x512xf32, #tpu.memory_space<vmem>>[vector<16xi32>, vector<16xi32>], vector<16xf32>, vector<16xi1>
      %scan3A_351 = arith.constant 1 : i32
      %scan3A_352 = arith.addi %scan3A_328, %scan3A_351 : i32
      %mul3A_353 = arith.constant 16 : i32
      %mul3A_354 = arith.muli %scan3A_352, %mul3A_353 : i32
      %get3A_355 = arith.index_cast %mul3A_354 : i32 to index
      %get3A_356 = tpu.vector_load %arg5[%get3A_355] {strides = array<i32>} : memref<512xi32, #tpu.memory_space<vmem>>, vector<16xi32>,
      %iota3A_357 = tpu.iota {dimensions = array<i32: 0>} : vector<16xi32>
      %mul3A_358 = arith.constant 16 : i32
      %mul3A_359 = arith.muli %scan3A_352, %mul3A_358 : i32
      %add3A_360 = vector.broadcast %mul3A_359 : i32 to vector<16xi32>
      %add3A_361 = arith.addi %iota3A_357, %add3A_360 : vector<16xi32>
      %ge3A_362 = arith.constant 520 : i32
      %ge3A_363 = vector.broadcast %ge3A_362 : i32 to vector<16xi32>
      %ge3A_364 = arith.cmpi sge, %get3A_356, %ge3A_363 : vector<16xi32>
      %lt3A_365 = arith.constant 560 : i32
      %lt3A_366 = vector.broadcast %lt3A_365 : i32 to vector<16xi32>
      %lt3A_367 = arith.cmpi slt, %get3A_356, %lt3A_366 : vector<16xi32>
      %and3A_368 = arith.andi %ge3A_364, %lt3A_367 : vector<16xi1>
      %ge3A_369 = arith.constant 440 : i32
      %ge3A_370 = vector.broadcast %ge3A_369 : i32 to vector<16xi32>
      %ge3A_371 = arith.cmpi sge, %get3A_356, %ge3A_370 : vector<16xi32>
      %lt3A_372 = arith.constant 480 : i32
      %lt3A_373 = vector.broadcast %lt3A_372 : i32 to vector<16xi32>
      %lt3A_374 = arith.cmpi slt, %get3A_356, %lt3A_373 : vector<16xi32>
      %and3A_375 = arith.andi %ge3A_371, %lt3A_374 : vector<16xi1>
      %jit3A_376 = arith.constant 520 : i32
      %jit3A_377 = arith.constant 440 : i32
      %broadcast_in_dim3A_378 = vector.broadcast %jit3A_376 : i32 to vector<16xi32>
      %broadcast_in_dim3A_379 = vector.broadcast %jit3A_377 : i32 to vector<16xi32>
      %select_n3A_380 = arith.select %and3A_368, %broadcast_in_dim3A_378, %broadcast_in_dim3A_379 : vector<16xi1>, vector<16xi32>
      %sub3A_381 = arith.subi %get3A_356, %select_n3A_380 : vector<16xi32>
      %or3A_382 = arith.ori %and3A_368, %and3A_375 : vector<16xi1>
      %select_n3A_383 = arith.select %and3A_368, %broadcast_in_dim3A_3, %broadcast_in_dim3A_5 : vector<16xi1>, vector<16xf32>
      tpu.vector_store_idx %arg7[%sub3A_381, %add3A_361], %select_n3A_383 masked %or3A_382 : memref<40x512xf32, #tpu.memory_space<vmem>>[vector<16xi32>, vector<16xi32>], vector<16xf32>, vector<16xi1>
    }
    %scan3A_172 = arith.constant 32 : i32
    %dma_start3A_173 = arith.constant 520 : i32
    %dma_start3A_174 = tpu.memref_slice %arg4[%dma_start3A_173, %mul3A_2] : memref<1000x16384xf32, #tpu.memory_space<hbm>> -> memref<40x512xf32, #tpu.memory_space<hbm>>
    %dma_start3A_175 = arith.constant 520 : i32
    %dma_start3A_176 = tpu.memref_slice %arg4[%dma_start3A_175, %mul3A_2] : memref<1000x16384xf32, #tpu.memory_space<hbm>> -> memref<40x512xf32, #tpu.memory_space<hbm>>
    tpu.enqueue_dma source(%arg7 : memref<40x512xf32, #tpu.memory_space<vmem>>) target(%dma_start3A_176 : memref<40x512xf32, #tpu.memory_space<hbm>>) target_semaphore(%arg9 : memref<!tpu.dma_semaphore, #tpu.memory_space<semaphore_mem>>)
    %dma_wait3A_177 = arith.constant 480 : i32
    %dma_wait3A_178 = tpu.memref_slice %arg4[%dma_wait3A_177, %mul3A_2] : memref<1000x16384xf32, #tpu.memory_space<hbm>> -> memref<40x512xf32, #tpu.memory_space<hbm>>
    %dma_wait3A_179 = arith.constant 480 : i32
    %dma_wait3A_180 = tpu.memref_slice %arg4[%dma_wait3A_179, %mul3A_2] : memref<1000x16384xf32, #tpu.memory_space<hbm>> -> memref<40x512xf32, #tpu.memory_space<hbm>>
    tpu.wait_dma2 semaphore(%arg8 : memref<!tpu.dma_semaphore, #tpu.memory_space<semaphore_mem>>) src(%arg6 : memref<40x512xf32, #tpu.memory_space<vmem>>) dst(%dma_wait3A_180 : memref<40x512xf32, #tpu.memory_space<hbm>>)
    %scan3A_181 = arith.constant 0 : i32
    %scan3A_182 = arith.constant 32 : i32
    %scan3A_183 = arith.addi %scan3A_181, %scan3A_182 : i32
    %scan3A_184 = arith.constant 2 : i32
    scf.for %scan3A_328 = %scan3A_181 to %scan3A_183 step %scan3A_184  : i32 {
      %mul3A_329 = arith.constant 16 : i32
      %mul3A_330 = arith.muli %scan3A_328, %mul3A_329 : i32
      %get3A = arith.index_cast %mul3A_330 : i32 to index
      %get3A_331 = tpu.vector_load %arg5[%get3A] {strides = array<i32>} : memref<512xi32, #tpu.memory_space<vmem>>, vector<16xi32>,
      %iota3A = tpu.iota {dimensions = array<i32: 0>} : vector<16xi32>
      %mul3A_332 = arith.constant 16 : i32
      %mul3A_333 = arith.muli %scan3A_328, %mul3A_332 : i32
      %add3A_334 = vector.broadcast %mul3A_333 : i32 to vector<16xi32>
      %add3A_335 = arith.addi %iota3A, %add3A_334 : vector<16xi32>
      %ge3A = arith.constant 560 : i32
      %ge3A_336 = vector.broadcast %ge3A : i32 to vector<16xi32>
      %ge3A_337 = arith.cmpi sge, %get3A_331, %ge3A_336 : vector<16xi32>
      %lt3A = arith.constant 600 : i32
      %lt3A_338 = vector.broadcast %lt3A : i32 to vector<16xi32>
      %lt3A_339 = arith.cmpi slt, %get3A_331, %lt3A_338 : vector<16xi32>
      %and3A = arith.andi %ge3A_337, %lt3A_339 : vector<16xi1>
      %ge3A_340 = arith.constant 480 : i32
      %ge3A_341 = vector.broadcast %ge3A_340 : i32 to vector<16xi32>
      %ge3A_342 = arith.cmpi sge, %get3A_331, %ge3A_341 : vector<16xi32>
      %lt3A_343 = arith.constant 520 : i32
      %lt3A_344 = vector.broadcast %lt3A_343 : i32 to vector<16xi32>
      %lt3A_345 = arith.cmpi slt, %get3A_331, %lt3A_344 : vector<16xi32>
      %and3A_346 = arith.andi %ge3A_342, %lt3A_345 : vector<16xi1>
      %jit3A = arith.constant 560 : i32
      %jit3A_347 = arith.constant 480 : i32
      %broadcast_in_dim3A_348 = vector.broadcast %jit3A : i32 to vector<16xi32>
      %broadcast_in_dim3A_349 = vector.broadcast %jit3A_347 : i32 to vector<16xi32>
      %select_n3A = arith.select %and3A, %broadcast_in_dim3A_348, %broadcast_in_dim3A_349 : vector<16xi1>, vector<16xi32>
      %sub3A = arith.subi %get3A_331, %select_n3A : vector<16xi32>
      %or3A = arith.ori %and3A, %and3A_346 : vector<16xi1>
      %select_n3A_350 = arith.select %and3A, %broadcast_in_dim3A_3, %broadcast_in_dim3A_5 : vector<16xi1>, vector<16xf32>
      tpu.vector_store_idx %arg6[%sub3A, %add3A_335], %select_n3A_350 masked %or3A : memref<40x512xf32, #tpu.memory_space<vmem>>[vector<16xi32>, vector<16xi32>], vector<16xf32>, vector<16xi1>
      %scan3A_351 = arith.constant 1 : i32
      %scan3A_352 = arith.addi %scan3A_328, %scan3A_351 : i32
      %mul3A_353 = arith.constant 16 : i32
      %mul3A_354 = arith.muli %scan3A_352, %mul3A_353 : i32
      %get3A_355 = arith.index_cast %mul3A_354 : i32 to index
      %get3A_356 = tpu.vector_load %arg5[%get3A_355] {strides = array<i32>} : memref<512xi32, #tpu.memory_space<vmem>>, vector<16xi32>,
      %iota3A_357 = tpu.iota {dimensions = array<i32: 0>} : vector<16xi32>
      %mul3A_358 = arith.constant 16 : i32
      %mul3A_359 = arith.muli %scan3A_352, %mul3A_358 : i32
      %add3A_360 = vector.broadcast %mul3A_359 : i32 to vector<16xi32>
      %add3A_361 = arith.addi %iota3A_357, %add3A_360 : vector<16xi32>
      %ge3A_362 = arith.constant 560 : i32
      %ge3A_363 = vector.broadcast %ge3A_362 : i32 to vector<16xi32>
      %ge3A_364 = arith.cmpi sge, %get3A_356, %ge3A_363 : vector<16xi32>
      %lt3A_365 = arith.constant 600 : i32
      %lt3A_366 = vector.broadcast %lt3A_365 : i32 to vector<16xi32>
      %lt3A_367 = arith.cmpi slt, %get3A_356, %lt3A_366 : vector<16xi32>
      %and3A_368 = arith.andi %ge3A_364, %lt3A_367 : vector<16xi1>
      %ge3A_369 = arith.constant 480 : i32
      %ge3A_370 = vector.broadcast %ge3A_369 : i32 to vector<16xi32>
      %ge3A_371 = arith.cmpi sge, %get3A_356, %ge3A_370 : vector<16xi32>
      %lt3A_372 = arith.constant 520 : i32
      %lt3A_373 = vector.broadcast %lt3A_372 : i32 to vector<16xi32>
      %lt3A_374 = arith.cmpi slt, %get3A_356, %lt3A_373 : vector<16xi32>
      %and3A_375 = arith.andi %ge3A_371, %lt3A_374 : vector<16xi1>
      %jit3A_376 = arith.constant 560 : i32
      %jit3A_377 = arith.constant 480 : i32
      %broadcast_in_dim3A_378 = vector.broadcast %jit3A_376 : i32 to vector<16xi32>
      %broadcast_in_dim3A_379 = vector.broadcast %jit3A_377 : i32 to vector<16xi32>
      %select_n3A_380 = arith.select %and3A_368, %broadcast_in_dim3A_378, %broadcast_in_dim3A_379 : vector<16xi1>, vector<16xi32>
      %sub3A_381 = arith.subi %get3A_356, %select_n3A_380 : vector<16xi32>
      %or3A_382 = arith.ori %and3A_368, %and3A_375 : vector<16xi1>
      %select_n3A_383 = arith.select %and3A_368, %broadcast_in_dim3A_3, %broadcast_in_dim3A_5 : vector<16xi1>, vector<16xf32>
      tpu.vector_store_idx %arg6[%sub3A_381, %add3A_361], %select_n3A_383 masked %or3A_382 : memref<40x512xf32, #tpu.memory_space<vmem>>[vector<16xi32>, vector<16xi32>], vector<16xf32>, vector<16xi1>
    }
    %scan3A_185 = arith.constant 32 : i32
    %dma_start3A_186 = arith.constant 560 : i32
    %dma_start3A_187 = tpu.memref_slice %arg4[%dma_start3A_186, %mul3A_2] : memref<1000x16384xf32, #tpu.memory_space<hbm>> -> memref<40x512xf32, #tpu.memory_space<hbm>>
    %dma_start3A_188 = arith.constant 560 : i32
    %dma_start3A_189 = tpu.memref_slice %arg4[%dma_start3A_188, %mul3A_2] : memref<1000x16384xf32, #tpu.memory_space<hbm>> -> memref<40x512xf32, #tpu.memory_space<hbm>>
    tpu.enqueue_dma source(%arg6 : memref<40x512xf32, #tpu.memory_space<vmem>>) target(%dma_start3A_189 : memref<40x512xf32, #tpu.memory_space<hbm>>) target_semaphore(%arg8 : memref<!tpu.dma_semaphore, #tpu.memory_space<semaphore_mem>>)
    %dma_wait3A_190 = arith.constant 520 : i32
    %dma_wait3A_191 = tpu.memref_slice %arg4[%dma_wait3A_190, %mul3A_2] : memref<1000x16384xf32, #tpu.memory_space<hbm>> -> memref<40x512xf32, #tpu.memory_space<hbm>>
    %dma_wait3A_192 = arith.constant 520 : i32
    %dma_wait3A_193 = tpu.memref_slice %arg4[%dma_wait3A_192, %mul3A_2] : memref<1000x16384xf32, #tpu.memory_space<hbm>> -> memref<40x512xf32, #tpu.memory_space<hbm>>
    tpu.wait_dma2 semaphore(%arg9 : memref<!tpu.dma_semaphore, #tpu.memory_space<semaphore_mem>>) src(%arg7 : memref<40x512xf32, #tpu.memory_space<vmem>>) dst(%dma_wait3A_193 : memref<40x512xf32, #tpu.memory_space<hbm>>)
    %scan3A_194 = arith.constant 0 : i32
    %scan3A_195 = arith.constant 32 : i32
    %scan3A_196 = arith.addi %scan3A_194, %scan3A_195 : i32
    %scan3A_197 = arith.constant 2 : i32
    scf.for %scan3A_328 = %scan3A_194 to %scan3A_196 step %scan3A_197  : i32 {
      %mul3A_329 = arith.constant 16 : i32
      %mul3A_330 = arith.muli %scan3A_328, %mul3A_329 : i32
      %get3A = arith.index_cast %mul3A_330 : i32 to index
      %get3A_331 = tpu.vector_load %arg5[%get3A] {strides = array<i32>} : memref<512xi32, #tpu.memory_space<vmem>>, vector<16xi32>,
      %iota3A = tpu.iota {dimensions = array<i32: 0>} : vector<16xi32>
      %mul3A_332 = arith.constant 16 : i32
      %mul3A_333 = arith.muli %scan3A_328, %mul3A_332 : i32
      %add3A_334 = vector.broadcast %mul3A_333 : i32 to vector<16xi32>
      %add3A_335 = arith.addi %iota3A, %add3A_334 : vector<16xi32>
      %ge3A = arith.constant 600 : i32
      %ge3A_336 = vector.broadcast %ge3A : i32 to vector<16xi32>
      %ge3A_337 = arith.cmpi sge, %get3A_331, %ge3A_336 : vector<16xi32>
      %lt3A = arith.constant 640 : i32
      %lt3A_338 = vector.broadcast %lt3A : i32 to vector<16xi32>
      %lt3A_339 = arith.cmpi slt, %get3A_331, %lt3A_338 : vector<16xi32>
      %and3A = arith.andi %ge3A_337, %lt3A_339 : vector<16xi1>
      %ge3A_340 = arith.constant 520 : i32
      %ge3A_341 = vector.broadcast %ge3A_340 : i32 to vector<16xi32>
      %ge3A_342 = arith.cmpi sge, %get3A_331, %ge3A_341 : vector<16xi32>
      %lt3A_343 = arith.constant 560 : i32
      %lt3A_344 = vector.broadcast %lt3A_343 : i32 to vector<16xi32>
      %lt3A_345 = arith.cmpi slt, %get3A_331, %lt3A_344 : vector<16xi32>
      %and3A_346 = arith.andi %ge3A_342, %lt3A_345 : vector<16xi1>
      %jit3A = arith.constant 600 : i32
      %jit3A_347 = arith.constant 520 : i32
      %broadcast_in_dim3A_348 = vector.broadcast %jit3A : i32 to vector<16xi32>
      %broadcast_in_dim3A_349 = vector.broadcast %jit3A_347 : i32 to vector<16xi32>
      %select_n3A = arith.select %and3A, %broadcast_in_dim3A_348, %broadcast_in_dim3A_349 : vector<16xi1>, vector<16xi32>
      %sub3A = arith.subi %get3A_331, %select_n3A : vector<16xi32>
      %or3A = arith.ori %and3A, %and3A_346 : vector<16xi1>
      %select_n3A_350 = arith.select %and3A, %broadcast_in_dim3A_3, %broadcast_in_dim3A_5 : vector<16xi1>, vector<16xf32>
      tpu.vector_store_idx %arg7[%sub3A, %add3A_335], %select_n3A_350 masked %or3A : memref<40x512xf32, #tpu.memory_space<vmem>>[vector<16xi32>, vector<16xi32>], vector<16xf32>, vector<16xi1>
      %scan3A_351 = arith.constant 1 : i32
      %scan3A_352 = arith.addi %scan3A_328, %scan3A_351 : i32
      %mul3A_353 = arith.constant 16 : i32
      %mul3A_354 = arith.muli %scan3A_352, %mul3A_353 : i32
      %get3A_355 = arith.index_cast %mul3A_354 : i32 to index
      %get3A_356 = tpu.vector_load %arg5[%get3A_355] {strides = array<i32>} : memref<512xi32, #tpu.memory_space<vmem>>, vector<16xi32>,
      %iota3A_357 = tpu.iota {dimensions = array<i32: 0>} : vector<16xi32>
      %mul3A_358 = arith.constant 16 : i32
      %mul3A_359 = arith.muli %scan3A_352, %mul3A_358 : i32
      %add3A_360 = vector.broadcast %mul3A_359 : i32 to vector<16xi32>
      %add3A_361 = arith.addi %iota3A_357, %add3A_360 : vector<16xi32>
      %ge3A_362 = arith.constant 600 : i32
      %ge3A_363 = vector.broadcast %ge3A_362 : i32 to vector<16xi32>
      %ge3A_364 = arith.cmpi sge, %get3A_356, %ge3A_363 : vector<16xi32>
      %lt3A_365 = arith.constant 640 : i32
      %lt3A_366 = vector.broadcast %lt3A_365 : i32 to vector<16xi32>
      %lt3A_367 = arith.cmpi slt, %get3A_356, %lt3A_366 : vector<16xi32>
      %and3A_368 = arith.andi %ge3A_364, %lt3A_367 : vector<16xi1>
      %ge3A_369 = arith.constant 520 : i32
      %ge3A_370 = vector.broadcast %ge3A_369 : i32 to vector<16xi32>
      %ge3A_371 = arith.cmpi sge, %get3A_356, %ge3A_370 : vector<16xi32>
      %lt3A_372 = arith.constant 560 : i32
      %lt3A_373 = vector.broadcast %lt3A_372 : i32 to vector<16xi32>
      %lt3A_374 = arith.cmpi slt, %get3A_356, %lt3A_373 : vector<16xi32>
      %and3A_375 = arith.andi %ge3A_371, %lt3A_374 : vector<16xi1>
      %jit3A_376 = arith.constant 600 : i32
      %jit3A_377 = arith.constant 520 : i32
      %broadcast_in_dim3A_378 = vector.broadcast %jit3A_376 : i32 to vector<16xi32>
      %broadcast_in_dim3A_379 = vector.broadcast %jit3A_377 : i32 to vector<16xi32>
      %select_n3A_380 = arith.select %and3A_368, %broadcast_in_dim3A_378, %broadcast_in_dim3A_379 : vector<16xi1>, vector<16xi32>
      %sub3A_381 = arith.subi %get3A_356, %select_n3A_380 : vector<16xi32>
      %or3A_382 = arith.ori %and3A_368, %and3A_375 : vector<16xi1>
      %select_n3A_383 = arith.select %and3A_368, %broadcast_in_dim3A_3, %broadcast_in_dim3A_5 : vector<16xi1>, vector<16xf32>
      tpu.vector_store_idx %arg7[%sub3A_381, %add3A_361], %select_n3A_383 masked %or3A_382 : memref<40x512xf32, #tpu.memory_space<vmem>>[vector<16xi32>, vector<16xi32>], vector<16xf32>, vector<16xi1>
    }
    %scan3A_198 = arith.constant 32 : i32
    %dma_start3A_199 = arith.constant 600 : i32
    %dma_start3A_200 = tpu.memref_slice %arg4[%dma_start3A_199, %mul3A_2] : memref<1000x16384xf32, #tpu.memory_space<hbm>> -> memref<40x512xf32, #tpu.memory_space<hbm>>
    %dma_start3A_201 = arith.constant 600 : i32
    %dma_start3A_202 = tpu.memref_slice %arg4[%dma_start3A_201, %mul3A_2] : memref<1000x16384xf32, #tpu.memory_space<hbm>> -> memref<40x512xf32, #tpu.memory_space<hbm>>
    tpu.enqueue_dma source(%arg7 : memref<40x512xf32, #tpu.memory_space<vmem>>) target(%dma_start3A_202 : memref<40x512xf32, #tpu.memory_space<hbm>>) target_semaphore(%arg9 : memref<!tpu.dma_semaphore, #tpu.memory_space<semaphore_mem>>)
    %dma_wait3A_203 = arith.constant 560 : i32
    %dma_wait3A_204 = tpu.memref_slice %arg4[%dma_wait3A_203, %mul3A_2] : memref<1000x16384xf32, #tpu.memory_space<hbm>> -> memref<40x512xf32, #tpu.memory_space<hbm>>
    %dma_wait3A_205 = arith.constant 560 : i32
    %dma_wait3A_206 = tpu.memref_slice %arg4[%dma_wait3A_205, %mul3A_2] : memref<1000x16384xf32, #tpu.memory_space<hbm>> -> memref<40x512xf32, #tpu.memory_space<hbm>>
    tpu.wait_dma2 semaphore(%arg8 : memref<!tpu.dma_semaphore, #tpu.memory_space<semaphore_mem>>) src(%arg6 : memref<40x512xf32, #tpu.memory_space<vmem>>) dst(%dma_wait3A_206 : memref<40x512xf32, #tpu.memory_space<hbm>>)
    %scan3A_207 = arith.constant 0 : i32
    %scan3A_208 = arith.constant 32 : i32
    %scan3A_209 = arith.addi %scan3A_207, %scan3A_208 : i32
    %scan3A_210 = arith.constant 2 : i32
    scf.for %scan3A_328 = %scan3A_207 to %scan3A_209 step %scan3A_210  : i32 {
      %mul3A_329 = arith.constant 16 : i32
      %mul3A_330 = arith.muli %scan3A_328, %mul3A_329 : i32
      %get3A = arith.index_cast %mul3A_330 : i32 to index
      %get3A_331 = tpu.vector_load %arg5[%get3A] {strides = array<i32>} : memref<512xi32, #tpu.memory_space<vmem>>, vector<16xi32>,
      %iota3A = tpu.iota {dimensions = array<i32: 0>} : vector<16xi32>
      %mul3A_332 = arith.constant 16 : i32
      %mul3A_333 = arith.muli %scan3A_328, %mul3A_332 : i32
      %add3A_334 = vector.broadcast %mul3A_333 : i32 to vector<16xi32>
      %add3A_335 = arith.addi %iota3A, %add3A_334 : vector<16xi32>
      %ge3A = arith.constant 640 : i32
      %ge3A_336 = vector.broadcast %ge3A : i32 to vector<16xi32>
      %ge3A_337 = arith.cmpi sge, %get3A_331, %ge3A_336 : vector<16xi32>
      %lt3A = arith.constant 680 : i32
      %lt3A_338 = vector.broadcast %lt3A : i32 to vector<16xi32>
      %lt3A_339 = arith.cmpi slt, %get3A_331, %lt3A_338 : vector<16xi32>
      %and3A = arith.andi %ge3A_337, %lt3A_339 : vector<16xi1>
      %ge3A_340 = arith.constant 560 : i32
      %ge3A_341 = vector.broadcast %ge3A_340 : i32 to vector<16xi32>
      %ge3A_342 = arith.cmpi sge, %get3A_331, %ge3A_341 : vector<16xi32>
      %lt3A_343 = arith.constant 600 : i32
      %lt3A_344 = vector.broadcast %lt3A_343 : i32 to vector<16xi32>
      %lt3A_345 = arith.cmpi slt, %get3A_331, %lt3A_344 : vector<16xi32>
      %and3A_346 = arith.andi %ge3A_342, %lt3A_345 : vector<16xi1>
      %jit3A = arith.constant 640 : i32
      %jit3A_347 = arith.constant 560 : i32
      %broadcast_in_dim3A_348 = vector.broadcast %jit3A : i32 to vector<16xi32>
      %broadcast_in_dim3A_349 = vector.broadcast %jit3A_347 : i32 to vector<16xi32>
      %select_n3A = arith.select %and3A, %broadcast_in_dim3A_348, %broadcast_in_dim3A_349 : vector<16xi1>, vector<16xi32>
      %sub3A = arith.subi %get3A_331, %select_n3A : vector<16xi32>
      %or3A = arith.ori %and3A, %and3A_346 : vector<16xi1>
      %select_n3A_350 = arith.select %and3A, %broadcast_in_dim3A_3, %broadcast_in_dim3A_5 : vector<16xi1>, vector<16xf32>
      tpu.vector_store_idx %arg6[%sub3A, %add3A_335], %select_n3A_350 masked %or3A : memref<40x512xf32, #tpu.memory_space<vmem>>[vector<16xi32>, vector<16xi32>], vector<16xf32>, vector<16xi1>
      %scan3A_351 = arith.constant 1 : i32
      %scan3A_352 = arith.addi %scan3A_328, %scan3A_351 : i32
      %mul3A_353 = arith.constant 16 : i32
      %mul3A_354 = arith.muli %scan3A_352, %mul3A_353 : i32
      %get3A_355 = arith.index_cast %mul3A_354 : i32 to index
      %get3A_356 = tpu.vector_load %arg5[%get3A_355] {strides = array<i32>} : memref<512xi32, #tpu.memory_space<vmem>>, vector<16xi32>,
      %iota3A_357 = tpu.iota {dimensions = array<i32: 0>} : vector<16xi32>
      %mul3A_358 = arith.constant 16 : i32
      %mul3A_359 = arith.muli %scan3A_352, %mul3A_358 : i32
      %add3A_360 = vector.broadcast %mul3A_359 : i32 to vector<16xi32>
      %add3A_361 = arith.addi %iota3A_357, %add3A_360 : vector<16xi32>
      %ge3A_362 = arith.constant 640 : i32
      %ge3A_363 = vector.broadcast %ge3A_362 : i32 to vector<16xi32>
      %ge3A_364 = arith.cmpi sge, %get3A_356, %ge3A_363 : vector<16xi32>
      %lt3A_365 = arith.constant 680 : i32
      %lt3A_366 = vector.broadcast %lt3A_365 : i32 to vector<16xi32>
      %lt3A_367 = arith.cmpi slt, %get3A_356, %lt3A_366 : vector<16xi32>
      %and3A_368 = arith.andi %ge3A_364, %lt3A_367 : vector<16xi1>
      %ge3A_369 = arith.constant 560 : i32
      %ge3A_370 = vector.broadcast %ge3A_369 : i32 to vector<16xi32>
      %ge3A_371 = arith.cmpi sge, %get3A_356, %ge3A_370 : vector<16xi32>
      %lt3A_372 = arith.constant 600 : i32
      %lt3A_373 = vector.broadcast %lt3A_372 : i32 to vector<16xi32>
      %lt3A_374 = arith.cmpi slt, %get3A_356, %lt3A_373 : vector<16xi32>
      %and3A_375 = arith.andi %ge3A_371, %lt3A_374 : vector<16xi1>
      %jit3A_376 = arith.constant 640 : i32
      %jit3A_377 = arith.constant 560 : i32
      %broadcast_in_dim3A_378 = vector.broadcast %jit3A_376 : i32 to vector<16xi32>
      %broadcast_in_dim3A_379 = vector.broadcast %jit3A_377 : i32 to vector<16xi32>
      %select_n3A_380 = arith.select %and3A_368, %broadcast_in_dim3A_378, %broadcast_in_dim3A_379 : vector<16xi1>, vector<16xi32>
      %sub3A_381 = arith.subi %get3A_356, %select_n3A_380 : vector<16xi32>
      %or3A_382 = arith.ori %and3A_368, %and3A_375 : vector<16xi1>
      %select_n3A_383 = arith.select %and3A_368, %broadcast_in_dim3A_3, %broadcast_in_dim3A_5 : vector<16xi1>, vector<16xf32>
      tpu.vector_store_idx %arg6[%sub3A_381, %add3A_361], %select_n3A_383 masked %or3A_382 : memref<40x512xf32, #tpu.memory_space<vmem>>[vector<16xi32>, vector<16xi32>], vector<16xf32>, vector<16xi1>
    }
    %scan3A_211 = arith.constant 32 : i32
    %dma_start3A_212 = arith.constant 640 : i32
    %dma_start3A_213 = tpu.memref_slice %arg4[%dma_start3A_212, %mul3A_2] : memref<1000x16384xf32, #tpu.memory_space<hbm>> -> memref<40x512xf32, #tpu.memory_space<hbm>>
    %dma_start3A_214 = arith.constant 640 : i32
    %dma_start3A_215 = tpu.memref_slice %arg4[%dma_start3A_214, %mul3A_2] : memref<1000x16384xf32, #tpu.memory_space<hbm>> -> memref<40x512xf32, #tpu.memory_space<hbm>>
    tpu.enqueue_dma source(%arg6 : memref<40x512xf32, #tpu.memory_space<vmem>>) target(%dma_start3A_215 : memref<40x512xf32, #tpu.memory_space<hbm>>) target_semaphore(%arg8 : memref<!tpu.dma_semaphore, #tpu.memory_space<semaphore_mem>>)
    %dma_wait3A_216 = arith.constant 600 : i32
    %dma_wait3A_217 = tpu.memref_slice %arg4[%dma_wait3A_216, %mul3A_2] : memref<1000x16384xf32, #tpu.memory_space<hbm>> -> memref<40x512xf32, #tpu.memory_space<hbm>>
    %dma_wait3A_218 = arith.constant 600 : i32
    %dma_wait3A_219 = tpu.memref_slice %arg4[%dma_wait3A_218, %mul3A_2] : memref<1000x16384xf32, #tpu.memory_space<hbm>> -> memref<40x512xf32, #tpu.memory_space<hbm>>
    tpu.wait_dma2 semaphore(%arg9 : memref<!tpu.dma_semaphore, #tpu.memory_space<semaphore_mem>>) src(%arg7 : memref<40x512xf32, #tpu.memory_space<vmem>>) dst(%dma_wait3A_219 : memref<40x512xf32, #tpu.memory_space<hbm>>)
    %scan3A_220 = arith.constant 0 : i32
    %scan3A_221 = arith.constant 32 : i32
    %scan3A_222 = arith.addi %scan3A_220, %scan3A_221 : i32
    %scan3A_223 = arith.constant 2 : i32
    scf.for %scan3A_328 = %scan3A_220 to %scan3A_222 step %scan3A_223  : i32 {
      %mul3A_329 = arith.constant 16 : i32
      %mul3A_330 = arith.muli %scan3A_328, %mul3A_329 : i32
      %get3A = arith.index_cast %mul3A_330 : i32 to index
      %get3A_331 = tpu.vector_load %arg5[%get3A] {strides = array<i32>} : memref<512xi32, #tpu.memory_space<vmem>>, vector<16xi32>,
      %iota3A = tpu.iota {dimensions = array<i32: 0>} : vector<16xi32>
      %mul3A_332 = arith.constant 16 : i32
      %mul3A_333 = arith.muli %scan3A_328, %mul3A_332 : i32
      %add3A_334 = vector.broadcast %mul3A_333 : i32 to vector<16xi32>
      %add3A_335 = arith.addi %iota3A, %add3A_334 : vector<16xi32>
      %ge3A = arith.constant 680 : i32
      %ge3A_336 = vector.broadcast %ge3A : i32 to vector<16xi32>
      %ge3A_337 = arith.cmpi sge, %get3A_331, %ge3A_336 : vector<16xi32>
      %lt3A = arith.constant 720 : i32
      %lt3A_338 = vector.broadcast %lt3A : i32 to vector<16xi32>
      %lt3A_339 = arith.cmpi slt, %get3A_331, %lt3A_338 : vector<16xi32>
      %and3A = arith.andi %ge3A_337, %lt3A_339 : vector<16xi1>
      %ge3A_340 = arith.constant 600 : i32
      %ge3A_341 = vector.broadcast %ge3A_340 : i32 to vector<16xi32>
      %ge3A_342 = arith.cmpi sge, %get3A_331, %ge3A_341 : vector<16xi32>
      %lt3A_343 = arith.constant 640 : i32
      %lt3A_344 = vector.broadcast %lt3A_343 : i32 to vector<16xi32>
      %lt3A_345 = arith.cmpi slt, %get3A_331, %lt3A_344 : vector<16xi32>
      %and3A_346 = arith.andi %ge3A_342, %lt3A_345 : vector<16xi1>
      %jit3A = arith.constant 680 : i32
      %jit3A_347 = arith.constant 600 : i32
      %broadcast_in_dim3A_348 = vector.broadcast %jit3A : i32 to vector<16xi32>
      %broadcast_in_dim3A_349 = vector.broadcast %jit3A_347 : i32 to vector<16xi32>
      %select_n3A = arith.select %and3A, %broadcast_in_dim3A_348, %broadcast_in_dim3A_349 : vector<16xi1>, vector<16xi32>
      %sub3A = arith.subi %get3A_331, %select_n3A : vector<16xi32>
      %or3A = arith.ori %and3A, %and3A_346 : vector<16xi1>
      %select_n3A_350 = arith.select %and3A, %broadcast_in_dim3A_3, %broadcast_in_dim3A_5 : vector<16xi1>, vector<16xf32>
      tpu.vector_store_idx %arg7[%sub3A, %add3A_335], %select_n3A_350 masked %or3A : memref<40x512xf32, #tpu.memory_space<vmem>>[vector<16xi32>, vector<16xi32>], vector<16xf32>, vector<16xi1>
      %scan3A_351 = arith.constant 1 : i32
      %scan3A_352 = arith.addi %scan3A_328, %scan3A_351 : i32
      %mul3A_353 = arith.constant 16 : i32
      %mul3A_354 = arith.muli %scan3A_352, %mul3A_353 : i32
      %get3A_355 = arith.index_cast %mul3A_354 : i32 to index
      %get3A_356 = tpu.vector_load %arg5[%get3A_355] {strides = array<i32>} : memref<512xi32, #tpu.memory_space<vmem>>, vector<16xi32>,
      %iota3A_357 = tpu.iota {dimensions = array<i32: 0>} : vector<16xi32>
      %mul3A_358 = arith.constant 16 : i32
      %mul3A_359 = arith.muli %scan3A_352, %mul3A_358 : i32
      %add3A_360 = vector.broadcast %mul3A_359 : i32 to vector<16xi32>
      %add3A_361 = arith.addi %iota3A_357, %add3A_360 : vector<16xi32>
      %ge3A_362 = arith.constant 680 : i32
      %ge3A_363 = vector.broadcast %ge3A_362 : i32 to vector<16xi32>
      %ge3A_364 = arith.cmpi sge, %get3A_356, %ge3A_363 : vector<16xi32>
      %lt3A_365 = arith.constant 720 : i32
      %lt3A_366 = vector.broadcast %lt3A_365 : i32 to vector<16xi32>
      %lt3A_367 = arith.cmpi slt, %get3A_356, %lt3A_366 : vector<16xi32>
      %and3A_368 = arith.andi %ge3A_364, %lt3A_367 : vector<16xi1>
      %ge3A_369 = arith.constant 600 : i32
      %ge3A_370 = vector.broadcast %ge3A_369 : i32 to vector<16xi32>
      %ge3A_371 = arith.cmpi sge, %get3A_356, %ge3A_370 : vector<16xi32>
      %lt3A_372 = arith.constant 640 : i32
      %lt3A_373 = vector.broadcast %lt3A_372 : i32 to vector<16xi32>
      %lt3A_374 = arith.cmpi slt, %get3A_356, %lt3A_373 : vector<16xi32>
      %and3A_375 = arith.andi %ge3A_371, %lt3A_374 : vector<16xi1>
      %jit3A_376 = arith.constant 680 : i32
      %jit3A_377 = arith.constant 600 : i32
      %broadcast_in_dim3A_378 = vector.broadcast %jit3A_376 : i32 to vector<16xi32>
      %broadcast_in_dim3A_379 = vector.broadcast %jit3A_377 : i32 to vector<16xi32>
      %select_n3A_380 = arith.select %and3A_368, %broadcast_in_dim3A_378, %broadcast_in_dim3A_379 : vector<16xi1>, vector<16xi32>
      %sub3A_381 = arith.subi %get3A_356, %select_n3A_380 : vector<16xi32>
      %or3A_382 = arith.ori %and3A_368, %and3A_375 : vector<16xi1>
      %select_n3A_383 = arith.select %and3A_368, %broadcast_in_dim3A_3, %broadcast_in_dim3A_5 : vector<16xi1>, vector<16xf32>
      tpu.vector_store_idx %arg7[%sub3A_381, %add3A_361], %select_n3A_383 masked %or3A_382 : memref<40x512xf32, #tpu.memory_space<vmem>>[vector<16xi32>, vector<16xi32>], vector<16xf32>, vector<16xi1>
    }
    %scan3A_224 = arith.constant 32 : i32
    %dma_start3A_225 = arith.constant 680 : i32
    %dma_start3A_226 = tpu.memref_slice %arg4[%dma_start3A_225, %mul3A_2] : memref<1000x16384xf32, #tpu.memory_space<hbm>> -> memref<40x512xf32, #tpu.memory_space<hbm>>
    %dma_start3A_227 = arith.constant 680 : i32
    %dma_start3A_228 = tpu.memref_slice %arg4[%dma_start3A_227, %mul3A_2] : memref<1000x16384xf32, #tpu.memory_space<hbm>> -> memref<40x512xf32, #tpu.memory_space<hbm>>
    tpu.enqueue_dma source(%arg7 : memref<40x512xf32, #tpu.memory_space<vmem>>) target(%dma_start3A_228 : memref<40x512xf32, #tpu.memory_space<hbm>>) target_semaphore(%arg9 : memref<!tpu.dma_semaphore, #tpu.memory_space<semaphore_mem>>)
    %dma_wait3A_229 = arith.constant 640 : i32
    %dma_wait3A_230 = tpu.memref_slice %arg4[%dma_wait3A_229, %mul3A_2] : memref<1000x16384xf32, #tpu.memory_space<hbm>> -> memref<40x512xf32, #tpu.memory_space<hbm>>
    %dma_wait3A_231 = arith.constant 640 : i32
    %dma_wait3A_232 = tpu.memref_slice %arg4[%dma_wait3A_231, %mul3A_2] : memref<1000x16384xf32, #tpu.memory_space<hbm>> -> memref<40x512xf32, #tpu.memory_space<hbm>>
    tpu.wait_dma2 semaphore(%arg8 : memref<!tpu.dma_semaphore, #tpu.memory_space<semaphore_mem>>) src(%arg6 : memref<40x512xf32, #tpu.memory_space<vmem>>) dst(%dma_wait3A_232 : memref<40x512xf32, #tpu.memory_space<hbm>>)
    %scan3A_233 = arith.constant 0 : i32
    %scan3A_234 = arith.constant 32 : i32
    %scan3A_235 = arith.addi %scan3A_233, %scan3A_234 : i32
    %scan3A_236 = arith.constant 2 : i32
    scf.for %scan3A_328 = %scan3A_233 to %scan3A_235 step %scan3A_236  : i32 {
      %mul3A_329 = arith.constant 16 : i32
      %mul3A_330 = arith.muli %scan3A_328, %mul3A_329 : i32
      %get3A = arith.index_cast %mul3A_330 : i32 to index
      %get3A_331 = tpu.vector_load %arg5[%get3A] {strides = array<i32>} : memref<512xi32, #tpu.memory_space<vmem>>, vector<16xi32>,
      %iota3A = tpu.iota {dimensions = array<i32: 0>} : vector<16xi32>
      %mul3A_332 = arith.constant 16 : i32
      %mul3A_333 = arith.muli %scan3A_328, %mul3A_332 : i32
      %add3A_334 = vector.broadcast %mul3A_333 : i32 to vector<16xi32>
      %add3A_335 = arith.addi %iota3A, %add3A_334 : vector<16xi32>
      %ge3A = arith.constant 720 : i32
      %ge3A_336 = vector.broadcast %ge3A : i32 to vector<16xi32>
      %ge3A_337 = arith.cmpi sge, %get3A_331, %ge3A_336 : vector<16xi32>
      %lt3A = arith.constant 760 : i32
      %lt3A_338 = vector.broadcast %lt3A : i32 to vector<16xi32>
      %lt3A_339 = arith.cmpi slt, %get3A_331, %lt3A_338 : vector<16xi32>
      %and3A = arith.andi %ge3A_337, %lt3A_339 : vector<16xi1>
      %ge3A_340 = arith.constant 640 : i32
      %ge3A_341 = vector.broadcast %ge3A_340 : i32 to vector<16xi32>
      %ge3A_342 = arith.cmpi sge, %get3A_331, %ge3A_341 : vector<16xi32>
      %lt3A_343 = arith.constant 680 : i32
      %lt3A_344 = vector.broadcast %lt3A_343 : i32 to vector<16xi32>
      %lt3A_345 = arith.cmpi slt, %get3A_331, %lt3A_344 : vector<16xi32>
      %and3A_346 = arith.andi %ge3A_342, %lt3A_345 : vector<16xi1>
      %jit3A = arith.constant 720 : i32
      %jit3A_347 = arith.constant 640 : i32
      %broadcast_in_dim3A_348 = vector.broadcast %jit3A : i32 to vector<16xi32>
      %broadcast_in_dim3A_349 = vector.broadcast %jit3A_347 : i32 to vector<16xi32>
      %select_n3A = arith.select %and3A, %broadcast_in_dim3A_348, %broadcast_in_dim3A_349 : vector<16xi1>, vector<16xi32>
      %sub3A = arith.subi %get3A_331, %select_n3A : vector<16xi32>
      %or3A = arith.ori %and3A, %and3A_346 : vector<16xi1>
      %select_n3A_350 = arith.select %and3A, %broadcast_in_dim3A_3, %broadcast_in_dim3A_5 : vector<16xi1>, vector<16xf32>
      tpu.vector_store_idx %arg6[%sub3A, %add3A_335], %select_n3A_350 masked %or3A : memref<40x512xf32, #tpu.memory_space<vmem>>[vector<16xi32>, vector<16xi32>], vector<16xf32>, vector<16xi1>
      %scan3A_351 = arith.constant 1 : i32
      %scan3A_352 = arith.addi %scan3A_328, %scan3A_351 : i32
      %mul3A_353 = arith.constant 16 : i32
      %mul3A_354 = arith.muli %scan3A_352, %mul3A_353 : i32
      %get3A_355 = arith.index_cast %mul3A_354 : i32 to index
      %get3A_356 = tpu.vector_load %arg5[%get3A_355] {strides = array<i32>} : memref<512xi32, #tpu.memory_space<vmem>>, vector<16xi32>,
      %iota3A_357 = tpu.iota {dimensions = array<i32: 0>} : vector<16xi32>
      %mul3A_358 = arith.constant 16 : i32
      %mul3A_359 = arith.muli %scan3A_352, %mul3A_358 : i32
      %add3A_360 = vector.broadcast %mul3A_359 : i32 to vector<16xi32>
      %add3A_361 = arith.addi %iota3A_357, %add3A_360 : vector<16xi32>
      %ge3A_362 = arith.constant 720 : i32
      %ge3A_363 = vector.broadcast %ge3A_362 : i32 to vector<16xi32>
      %ge3A_364 = arith.cmpi sge, %get3A_356, %ge3A_363 : vector<16xi32>
      %lt3A_365 = arith.constant 760 : i32
      %lt3A_366 = vector.broadcast %lt3A_365 : i32 to vector<16xi32>
      %lt3A_367 = arith.cmpi slt, %get3A_356, %lt3A_366 : vector<16xi32>
      %and3A_368 = arith.andi %ge3A_364, %lt3A_367 : vector<16xi1>
      %ge3A_369 = arith.constant 640 : i32
      %ge3A_370 = vector.broadcast %ge3A_369 : i32 to vector<16xi32>
      %ge3A_371 = arith.cmpi sge, %get3A_356, %ge3A_370 : vector<16xi32>
      %lt3A_372 = arith.constant 680 : i32
      %lt3A_373 = vector.broadcast %lt3A_372 : i32 to vector<16xi32>
      %lt3A_374 = arith.cmpi slt, %get3A_356, %lt3A_373 : vector<16xi32>
      %and3A_375 = arith.andi %ge3A_371, %lt3A_374 : vector<16xi1>
      %jit3A_376 = arith.constant 720 : i32
      %jit3A_377 = arith.constant 640 : i32
      %broadcast_in_dim3A_378 = vector.broadcast %jit3A_376 : i32 to vector<16xi32>
      %broadcast_in_dim3A_379 = vector.broadcast %jit3A_377 : i32 to vector<16xi32>
      %select_n3A_380 = arith.select %and3A_368, %broadcast_in_dim3A_378, %broadcast_in_dim3A_379 : vector<16xi1>, vector<16xi32>
      %sub3A_381 = arith.subi %get3A_356, %select_n3A_380 : vector<16xi32>
      %or3A_382 = arith.ori %and3A_368, %and3A_375 : vector<16xi1>
      %select_n3A_383 = arith.select %and3A_368, %broadcast_in_dim3A_3, %broadcast_in_dim3A_5 : vector<16xi1>, vector<16xf32>
      tpu.vector_store_idx %arg6[%sub3A_381, %add3A_361], %select_n3A_383 masked %or3A_382 : memref<40x512xf32, #tpu.memory_space<vmem>>[vector<16xi32>, vector<16xi32>], vector<16xf32>, vector<16xi1>
    }
    %scan3A_237 = arith.constant 32 : i32
    %dma_start3A_238 = arith.constant 720 : i32
    %dma_start3A_239 = tpu.memref_slice %arg4[%dma_start3A_238, %mul3A_2] : memref<1000x16384xf32, #tpu.memory_space<hbm>> -> memref<40x512xf32, #tpu.memory_space<hbm>>
    %dma_start3A_240 = arith.constant 720 : i32
    %dma_start3A_241 = tpu.memref_slice %arg4[%dma_start3A_240, %mul3A_2] : memref<1000x16384xf32, #tpu.memory_space<hbm>> -> memref<40x512xf32, #tpu.memory_space<hbm>>
    tpu.enqueue_dma source(%arg6 : memref<40x512xf32, #tpu.memory_space<vmem>>) target(%dma_start3A_241 : memref<40x512xf32, #tpu.memory_space<hbm>>) target_semaphore(%arg8 : memref<!tpu.dma_semaphore, #tpu.memory_space<semaphore_mem>>)
    %dma_wait3A_242 = arith.constant 680 : i32
    %dma_wait3A_243 = tpu.memref_slice %arg4[%dma_wait3A_242, %mul3A_2] : memref<1000x16384xf32, #tpu.memory_space<hbm>> -> memref<40x512xf32, #tpu.memory_space<hbm>>
    %dma_wait3A_244 = arith.constant 680 : i32
    %dma_wait3A_245 = tpu.memref_slice %arg4[%dma_wait3A_244, %mul3A_2] : memref<1000x16384xf32, #tpu.memory_space<hbm>> -> memref<40x512xf32, #tpu.memory_space<hbm>>
    tpu.wait_dma2 semaphore(%arg9 : memref<!tpu.dma_semaphore, #tpu.memory_space<semaphore_mem>>) src(%arg7 : memref<40x512xf32, #tpu.memory_space<vmem>>) dst(%dma_wait3A_245 : memref<40x512xf32, #tpu.memory_space<hbm>>)
    %scan3A_246 = arith.constant 0 : i32
    %scan3A_247 = arith.constant 32 : i32
    %scan3A_248 = arith.addi %scan3A_246, %scan3A_247 : i32
    %scan3A_249 = arith.constant 2 : i32
    scf.for %scan3A_328 = %scan3A_246 to %scan3A_248 step %scan3A_249  : i32 {
      %mul3A_329 = arith.constant 16 : i32
      %mul3A_330 = arith.muli %scan3A_328, %mul3A_329 : i32
      %get3A = arith.index_cast %mul3A_330 : i32 to index
      %get3A_331 = tpu.vector_load %arg5[%get3A] {strides = array<i32>} : memref<512xi32, #tpu.memory_space<vmem>>, vector<16xi32>,
      %iota3A = tpu.iota {dimensions = array<i32: 0>} : vector<16xi32>
      %mul3A_332 = arith.constant 16 : i32
      %mul3A_333 = arith.muli %scan3A_328, %mul3A_332 : i32
      %add3A_334 = vector.broadcast %mul3A_333 : i32 to vector<16xi32>
      %add3A_335 = arith.addi %iota3A, %add3A_334 : vector<16xi32>
      %ge3A = arith.constant 760 : i32
      %ge3A_336 = vector.broadcast %ge3A : i32 to vector<16xi32>
      %ge3A_337 = arith.cmpi sge, %get3A_331, %ge3A_336 : vector<16xi32>
      %lt3A = arith.constant 800 : i32
      %lt3A_338 = vector.broadcast %lt3A : i32 to vector<16xi32>
      %lt3A_339 = arith.cmpi slt, %get3A_331, %lt3A_338 : vector<16xi32>
      %and3A = arith.andi %ge3A_337, %lt3A_339 : vector<16xi1>
      %ge3A_340 = arith.constant 680 : i32
      %ge3A_341 = vector.broadcast %ge3A_340 : i32 to vector<16xi32>
      %ge3A_342 = arith.cmpi sge, %get3A_331, %ge3A_341 : vector<16xi32>
      %lt3A_343 = arith.constant 720 : i32
      %lt3A_344 = vector.broadcast %lt3A_343 : i32 to vector<16xi32>
      %lt3A_345 = arith.cmpi slt, %get3A_331, %lt3A_344 : vector<16xi32>
      %and3A_346 = arith.andi %ge3A_342, %lt3A_345 : vector<16xi1>
      %jit3A = arith.constant 760 : i32
      %jit3A_347 = arith.constant 680 : i32
      %broadcast_in_dim3A_348 = vector.broadcast %jit3A : i32 to vector<16xi32>
      %broadcast_in_dim3A_349 = vector.broadcast %jit3A_347 : i32 to vector<16xi32>
      %select_n3A = arith.select %and3A, %broadcast_in_dim3A_348, %broadcast_in_dim3A_349 : vector<16xi1>, vector<16xi32>
      %sub3A = arith.subi %get3A_331, %select_n3A : vector<16xi32>
      %or3A = arith.ori %and3A, %and3A_346 : vector<16xi1>
      %select_n3A_350 = arith.select %and3A, %broadcast_in_dim3A_3, %broadcast_in_dim3A_5 : vector<16xi1>, vector<16xf32>
      tpu.vector_store_idx %arg7[%sub3A, %add3A_335], %select_n3A_350 masked %or3A : memref<40x512xf32, #tpu.memory_space<vmem>>[vector<16xi32>, vector<16xi32>], vector<16xf32>, vector<16xi1>
      %scan3A_351 = arith.constant 1 : i32
      %scan3A_352 = arith.addi %scan3A_328, %scan3A_351 : i32
      %mul3A_353 = arith.constant 16 : i32
      %mul3A_354 = arith.muli %scan3A_352, %mul3A_353 : i32
      %get3A_355 = arith.index_cast %mul3A_354 : i32 to index
      %get3A_356 = tpu.vector_load %arg5[%get3A_355] {strides = array<i32>} : memref<512xi32, #tpu.memory_space<vmem>>, vector<16xi32>,
      %iota3A_357 = tpu.iota {dimensions = array<i32: 0>} : vector<16xi32>
      %mul3A_358 = arith.constant 16 : i32
      %mul3A_359 = arith.muli %scan3A_352, %mul3A_358 : i32
      %add3A_360 = vector.broadcast %mul3A_359 : i32 to vector<16xi32>
      %add3A_361 = arith.addi %iota3A_357, %add3A_360 : vector<16xi32>
      %ge3A_362 = arith.constant 760 : i32
      %ge3A_363 = vector.broadcast %ge3A_362 : i32 to vector<16xi32>
      %ge3A_364 = arith.cmpi sge, %get3A_356, %ge3A_363 : vector<16xi32>
      %lt3A_365 = arith.constant 800 : i32
      %lt3A_366 = vector.broadcast %lt3A_365 : i32 to vector<16xi32>
      %lt3A_367 = arith.cmpi slt, %get3A_356, %lt3A_366 : vector<16xi32>
      %and3A_368 = arith.andi %ge3A_364, %lt3A_367 : vector<16xi1>
      %ge3A_369 = arith.constant 680 : i32
      %ge3A_370 = vector.broadcast %ge3A_369 : i32 to vector<16xi32>
      %ge3A_371 = arith.cmpi sge, %get3A_356, %ge3A_370 : vector<16xi32>
      %lt3A_372 = arith.constant 720 : i32
      %lt3A_373 = vector.broadcast %lt3A_372 : i32 to vector<16xi32>
      %lt3A_374 = arith.cmpi slt, %get3A_356, %lt3A_373 : vector<16xi32>
      %and3A_375 = arith.andi %ge3A_371, %lt3A_374 : vector<16xi1>
      %jit3A_376 = arith.constant 760 : i32
      %jit3A_377 = arith.constant 680 : i32
      %broadcast_in_dim3A_378 = vector.broadcast %jit3A_376 : i32 to vector<16xi32>
      %broadcast_in_dim3A_379 = vector.broadcast %jit3A_377 : i32 to vector<16xi32>
      %select_n3A_380 = arith.select %and3A_368, %broadcast_in_dim3A_378, %broadcast_in_dim3A_379 : vector<16xi1>, vector<16xi32>
      %sub3A_381 = arith.subi %get3A_356, %select_n3A_380 : vector<16xi32>
      %or3A_382 = arith.ori %and3A_368, %and3A_375 : vector<16xi1>
      %select_n3A_383 = arith.select %and3A_368, %broadcast_in_dim3A_3, %broadcast_in_dim3A_5 : vector<16xi1>, vector<16xf32>
      tpu.vector_store_idx %arg7[%sub3A_381, %add3A_361], %select_n3A_383 masked %or3A_382 : memref<40x512xf32, #tpu.memory_space<vmem>>[vector<16xi32>, vector<16xi32>], vector<16xf32>, vector<16xi1>
    }
    %scan3A_250 = arith.constant 32 : i32
    %dma_start3A_251 = arith.constant 760 : i32
    %dma_start3A_252 = tpu.memref_slice %arg4[%dma_start3A_251, %mul3A_2] : memref<1000x16384xf32, #tpu.memory_space<hbm>> -> memref<40x512xf32, #tpu.memory_space<hbm>>
    %dma_start3A_253 = arith.constant 760 : i32
    %dma_start3A_254 = tpu.memref_slice %arg4[%dma_start3A_253, %mul3A_2] : memref<1000x16384xf32, #tpu.memory_space<hbm>> -> memref<40x512xf32, #tpu.memory_space<hbm>>
    tpu.enqueue_dma source(%arg7 : memref<40x512xf32, #tpu.memory_space<vmem>>) target(%dma_start3A_254 : memref<40x512xf32, #tpu.memory_space<hbm>>) target_semaphore(%arg9 : memref<!tpu.dma_semaphore, #tpu.memory_space<semaphore_mem>>)
    %dma_wait3A_255 = arith.constant 720 : i32
    %dma_wait3A_256 = tpu.memref_slice %arg4[%dma_wait3A_255, %mul3A_2] : memref<1000x16384xf32, #tpu.memory_space<hbm>> -> memref<40x512xf32, #tpu.memory_space<hbm>>
    %dma_wait3A_257 = arith.constant 720 : i32
    %dma_wait3A_258 = tpu.memref_slice %arg4[%dma_wait3A_257, %mul3A_2] : memref<1000x16384xf32, #tpu.memory_space<hbm>> -> memref<40x512xf32, #tpu.memory_space<hbm>>
    tpu.wait_dma2 semaphore(%arg8 : memref<!tpu.dma_semaphore, #tpu.memory_space<semaphore_mem>>) src(%arg6 : memref<40x512xf32, #tpu.memory_space<vmem>>) dst(%dma_wait3A_258 : memref<40x512xf32, #tpu.memory_space<hbm>>)
    %scan3A_259 = arith.constant 0 : i32
    %scan3A_260 = arith.constant 32 : i32
    %scan3A_261 = arith.addi %scan3A_259, %scan3A_260 : i32
    %scan3A_262 = arith.constant 2 : i32
    scf.for %scan3A_328 = %scan3A_259 to %scan3A_261 step %scan3A_262  : i32 {
      %mul3A_329 = arith.constant 16 : i32
      %mul3A_330 = arith.muli %scan3A_328, %mul3A_329 : i32
      %get3A = arith.index_cast %mul3A_330 : i32 to index
      %get3A_331 = tpu.vector_load %arg5[%get3A] {strides = array<i32>} : memref<512xi32, #tpu.memory_space<vmem>>, vector<16xi32>,
      %iota3A = tpu.iota {dimensions = array<i32: 0>} : vector<16xi32>
      %mul3A_332 = arith.constant 16 : i32
      %mul3A_333 = arith.muli %scan3A_328, %mul3A_332 : i32
      %add3A_334 = vector.broadcast %mul3A_333 : i32 to vector<16xi32>
      %add3A_335 = arith.addi %iota3A, %add3A_334 : vector<16xi32>
      %ge3A = arith.constant 800 : i32
      %ge3A_336 = vector.broadcast %ge3A : i32 to vector<16xi32>
      %ge3A_337 = arith.cmpi sge, %get3A_331, %ge3A_336 : vector<16xi32>
      %lt3A = arith.constant 840 : i32
      %lt3A_338 = vector.broadcast %lt3A : i32 to vector<16xi32>
      %lt3A_339 = arith.cmpi slt, %get3A_331, %lt3A_338 : vector<16xi32>
      %and3A = arith.andi %ge3A_337, %lt3A_339 : vector<16xi1>
      %ge3A_340 = arith.constant 720 : i32
      %ge3A_341 = vector.broadcast %ge3A_340 : i32 to vector<16xi32>
      %ge3A_342 = arith.cmpi sge, %get3A_331, %ge3A_341 : vector<16xi32>
      %lt3A_343 = arith.constant 760 : i32
      %lt3A_344 = vector.broadcast %lt3A_343 : i32 to vector<16xi32>
      %lt3A_345 = arith.cmpi slt, %get3A_331, %lt3A_344 : vector<16xi32>
      %and3A_346 = arith.andi %ge3A_342, %lt3A_345 : vector<16xi1>
      %jit3A = arith.constant 800 : i32
      %jit3A_347 = arith.constant 720 : i32
      %broadcast_in_dim3A_348 = vector.broadcast %jit3A : i32 to vector<16xi32>
      %broadcast_in_dim3A_349 = vector.broadcast %jit3A_347 : i32 to vector<16xi32>
      %select_n3A = arith.select %and3A, %broadcast_in_dim3A_348, %broadcast_in_dim3A_349 : vector<16xi1>, vector<16xi32>
      %sub3A = arith.subi %get3A_331, %select_n3A : vector<16xi32>
      %or3A = arith.ori %and3A, %and3A_346 : vector<16xi1>
      %select_n3A_350 = arith.select %and3A, %broadcast_in_dim3A_3, %broadcast_in_dim3A_5 : vector<16xi1>, vector<16xf32>
      tpu.vector_store_idx %arg6[%sub3A, %add3A_335], %select_n3A_350 masked %or3A : memref<40x512xf32, #tpu.memory_space<vmem>>[vector<16xi32>, vector<16xi32>], vector<16xf32>, vector<16xi1>
      %scan3A_351 = arith.constant 1 : i32
      %scan3A_352 = arith.addi %scan3A_328, %scan3A_351 : i32
      %mul3A_353 = arith.constant 16 : i32
      %mul3A_354 = arith.muli %scan3A_352, %mul3A_353 : i32
      %get3A_355 = arith.index_cast %mul3A_354 : i32 to index
      %get3A_356 = tpu.vector_load %arg5[%get3A_355] {strides = array<i32>} : memref<512xi32, #tpu.memory_space<vmem>>, vector<16xi32>,
      %iota3A_357 = tpu.iota {dimensions = array<i32: 0>} : vector<16xi32>
      %mul3A_358 = arith.constant 16 : i32
      %mul3A_359 = arith.muli %scan3A_352, %mul3A_358 : i32
      %add3A_360 = vector.broadcast %mul3A_359 : i32 to vector<16xi32>
      %add3A_361 = arith.addi %iota3A_357, %add3A_360 : vector<16xi32>
      %ge3A_362 = arith.constant 800 : i32
      %ge3A_363 = vector.broadcast %ge3A_362 : i32 to vector<16xi32>
      %ge3A_364 = arith.cmpi sge, %get3A_356, %ge3A_363 : vector<16xi32>
      %lt3A_365 = arith.constant 840 : i32
      %lt3A_366 = vector.broadcast %lt3A_365 : i32 to vector<16xi32>
      %lt3A_367 = arith.cmpi slt, %get3A_356, %lt3A_366 : vector<16xi32>
      %and3A_368 = arith.andi %ge3A_364, %lt3A_367 : vector<16xi1>
      %ge3A_369 = arith.constant 720 : i32
      %ge3A_370 = vector.broadcast %ge3A_369 : i32 to vector<16xi32>
      %ge3A_371 = arith.cmpi sge, %get3A_356, %ge3A_370 : vector<16xi32>
      %lt3A_372 = arith.constant 760 : i32
      %lt3A_373 = vector.broadcast %lt3A_372 : i32 to vector<16xi32>
      %lt3A_374 = arith.cmpi slt, %get3A_356, %lt3A_373 : vector<16xi32>
      %and3A_375 = arith.andi %ge3A_371, %lt3A_374 : vector<16xi1>
      %jit3A_376 = arith.constant 800 : i32
      %jit3A_377 = arith.constant 720 : i32
      %broadcast_in_dim3A_378 = vector.broadcast %jit3A_376 : i32 to vector<16xi32>
      %broadcast_in_dim3A_379 = vector.broadcast %jit3A_377 : i32 to vector<16xi32>
      %select_n3A_380 = arith.select %and3A_368, %broadcast_in_dim3A_378, %broadcast_in_dim3A_379 : vector<16xi1>, vector<16xi32>
      %sub3A_381 = arith.subi %get3A_356, %select_n3A_380 : vector<16xi32>
      %or3A_382 = arith.ori %and3A_368, %and3A_375 : vector<16xi1>
      %select_n3A_383 = arith.select %and3A_368, %broadcast_in_dim3A_3, %broadcast_in_dim3A_5 : vector<16xi1>, vector<16xf32>
      tpu.vector_store_idx %arg6[%sub3A_381, %add3A_361], %select_n3A_383 masked %or3A_382 : memref<40x512xf32, #tpu.memory_space<vmem>>[vector<16xi32>, vector<16xi32>], vector<16xf32>, vector<16xi1>
    }
    %scan3A_263 = arith.constant 32 : i32
    %dma_start3A_264 = arith.constant 800 : i32
    %dma_start3A_265 = tpu.memref_slice %arg4[%dma_start3A_264, %mul3A_2] : memref<1000x16384xf32, #tpu.memory_space<hbm>> -> memref<40x512xf32, #tpu.memory_space<hbm>>
    %dma_start3A_266 = arith.constant 800 : i32
    %dma_start3A_267 = tpu.memref_slice %arg4[%dma_start3A_266, %mul3A_2] : memref<1000x16384xf32, #tpu.memory_space<hbm>> -> memref<40x512xf32, #tpu.memory_space<hbm>>
    tpu.enqueue_dma source(%arg6 : memref<40x512xf32, #tpu.memory_space<vmem>>) target(%dma_start3A_267 : memref<40x512xf32, #tpu.memory_space<hbm>>) target_semaphore(%arg8 : memref<!tpu.dma_semaphore, #tpu.memory_space<semaphore_mem>>)
    %dma_wait3A_268 = arith.constant 760 : i32
    %dma_wait3A_269 = tpu.memref_slice %arg4[%dma_wait3A_268, %mul3A_2] : memref<1000x16384xf32, #tpu.memory_space<hbm>> -> memref<40x512xf32, #tpu.memory_space<hbm>>
    %dma_wait3A_270 = arith.constant 760 : i32
    %dma_wait3A_271 = tpu.memref_slice %arg4[%dma_wait3A_270, %mul3A_2] : memref<1000x16384xf32, #tpu.memory_space<hbm>> -> memref<40x512xf32, #tpu.memory_space<hbm>>
    tpu.wait_dma2 semaphore(%arg9 : memref<!tpu.dma_semaphore, #tpu.memory_space<semaphore_mem>>) src(%arg7 : memref<40x512xf32, #tpu.memory_space<vmem>>) dst(%dma_wait3A_271 : memref<40x512xf32, #tpu.memory_space<hbm>>)
    %scan3A_272 = arith.constant 0 : i32
    %scan3A_273 = arith.constant 32 : i32
    %scan3A_274 = arith.addi %scan3A_272, %scan3A_273 : i32
    %scan3A_275 = arith.constant 2 : i32
    scf.for %scan3A_328 = %scan3A_272 to %scan3A_274 step %scan3A_275  : i32 {
      %mul3A_329 = arith.constant 16 : i32
      %mul3A_330 = arith.muli %scan3A_328, %mul3A_329 : i32
      %get3A = arith.index_cast %mul3A_330 : i32 to index
      %get3A_331 = tpu.vector_load %arg5[%get3A] {strides = array<i32>} : memref<512xi32, #tpu.memory_space<vmem>>, vector<16xi32>,
      %iota3A = tpu.iota {dimensions = array<i32: 0>} : vector<16xi32>
      %mul3A_332 = arith.constant 16 : i32
      %mul3A_333 = arith.muli %scan3A_328, %mul3A_332 : i32
      %add3A_334 = vector.broadcast %mul3A_333 : i32 to vector<16xi32>
      %add3A_335 = arith.addi %iota3A, %add3A_334 : vector<16xi32>
      %ge3A = arith.constant 840 : i32
      %ge3A_336 = vector.broadcast %ge3A : i32 to vector<16xi32>
      %ge3A_337 = arith.cmpi sge, %get3A_331, %ge3A_336 : vector<16xi32>
      %lt3A = arith.constant 880 : i32
      %lt3A_338 = vector.broadcast %lt3A : i32 to vector<16xi32>
      %lt3A_339 = arith.cmpi slt, %get3A_331, %lt3A_338 : vector<16xi32>
      %and3A = arith.andi %ge3A_337, %lt3A_339 : vector<16xi1>
      %ge3A_340 = arith.constant 760 : i32
      %ge3A_341 = vector.broadcast %ge3A_340 : i32 to vector<16xi32>
      %ge3A_342 = arith.cmpi sge, %get3A_331, %ge3A_341 : vector<16xi32>
      %lt3A_343 = arith.constant 800 : i32
      %lt3A_344 = vector.broadcast %lt3A_343 : i32 to vector<16xi32>
      %lt3A_345 = arith.cmpi slt, %get3A_331, %lt3A_344 : vector<16xi32>
      %and3A_346 = arith.andi %ge3A_342, %lt3A_345 : vector<16xi1>
      %jit3A = arith.constant 840 : i32
      %jit3A_347 = arith.constant 760 : i32
      %broadcast_in_dim3A_348 = vector.broadcast %jit3A : i32 to vector<16xi32>
      %broadcast_in_dim3A_349 = vector.broadcast %jit3A_347 : i32 to vector<16xi32>
      %select_n3A = arith.select %and3A, %broadcast_in_dim3A_348, %broadcast_in_dim3A_349 : vector<16xi1>, vector<16xi32>
      %sub3A = arith.subi %get3A_331, %select_n3A : vector<16xi32>
      %or3A = arith.ori %and3A, %and3A_346 : vector<16xi1>
      %select_n3A_350 = arith.select %and3A, %broadcast_in_dim3A_3, %broadcast_in_dim3A_5 : vector<16xi1>, vector<16xf32>
      tpu.vector_store_idx %arg7[%sub3A, %add3A_335], %select_n3A_350 masked %or3A : memref<40x512xf32, #tpu.memory_space<vmem>>[vector<16xi32>, vector<16xi32>], vector<16xf32>, vector<16xi1>
      %scan3A_351 = arith.constant 1 : i32
      %scan3A_352 = arith.addi %scan3A_328, %scan3A_351 : i32
      %mul3A_353 = arith.constant 16 : i32
      %mul3A_354 = arith.muli %scan3A_352, %mul3A_353 : i32
      %get3A_355 = arith.index_cast %mul3A_354 : i32 to index
      %get3A_356 = tpu.vector_load %arg5[%get3A_355] {strides = array<i32>} : memref<512xi32, #tpu.memory_space<vmem>>, vector<16xi32>,
      %iota3A_357 = tpu.iota {dimensions = array<i32: 0>} : vector<16xi32>
      %mul3A_358 = arith.constant 16 : i32
      %mul3A_359 = arith.muli %scan3A_352, %mul3A_358 : i32
      %add3A_360 = vector.broadcast %mul3A_359 : i32 to vector<16xi32>
      %add3A_361 = arith.addi %iota3A_357, %add3A_360 : vector<16xi32>
      %ge3A_362 = arith.constant 840 : i32
      %ge3A_363 = vector.broadcast %ge3A_362 : i32 to vector<16xi32>
      %ge3A_364 = arith.cmpi sge, %get3A_356, %ge3A_363 : vector<16xi32>
      %lt3A_365 = arith.constant 880 : i32
      %lt3A_366 = vector.broadcast %lt3A_365 : i32 to vector<16xi32>
      %lt3A_367 = arith.cmpi slt, %get3A_356, %lt3A_366 : vector<16xi32>
      %and3A_368 = arith.andi %ge3A_364, %lt3A_367 : vector<16xi1>
      %ge3A_369 = arith.constant 760 : i32
      %ge3A_370 = vector.broadcast %ge3A_369 : i32 to vector<16xi32>
      %ge3A_371 = arith.cmpi sge, %get3A_356, %ge3A_370 : vector<16xi32>
      %lt3A_372 = arith.constant 800 : i32
      %lt3A_373 = vector.broadcast %lt3A_372 : i32 to vector<16xi32>
      %lt3A_374 = arith.cmpi slt, %get3A_356, %lt3A_373 : vector<16xi32>
      %and3A_375 = arith.andi %ge3A_371, %lt3A_374 : vector<16xi1>
      %jit3A_376 = arith.constant 840 : i32
      %jit3A_377 = arith.constant 760 : i32
      %broadcast_in_dim3A_378 = vector.broadcast %jit3A_376 : i32 to vector<16xi32>
      %broadcast_in_dim3A_379 = vector.broadcast %jit3A_377 : i32 to vector<16xi32>
      %select_n3A_380 = arith.select %and3A_368, %broadcast_in_dim3A_378, %broadcast_in_dim3A_379 : vector<16xi1>, vector<16xi32>
      %sub3A_381 = arith.subi %get3A_356, %select_n3A_380 : vector<16xi32>
      %or3A_382 = arith.ori %and3A_368, %and3A_375 : vector<16xi1>
      %select_n3A_383 = arith.select %and3A_368, %broadcast_in_dim3A_3, %broadcast_in_dim3A_5 : vector<16xi1>, vector<16xf32>
      tpu.vector_store_idx %arg7[%sub3A_381, %add3A_361], %select_n3A_383 masked %or3A_382 : memref<40x512xf32, #tpu.memory_space<vmem>>[vector<16xi32>, vector<16xi32>], vector<16xf32>, vector<16xi1>
    }
    %scan3A_276 = arith.constant 32 : i32
    %dma_start3A_277 = arith.constant 840 : i32
    %dma_start3A_278 = tpu.memref_slice %arg4[%dma_start3A_277, %mul3A_2] : memref<1000x16384xf32, #tpu.memory_space<hbm>> -> memref<40x512xf32, #tpu.memory_space<hbm>>
    %dma_start3A_279 = arith.constant 840 : i32
    %dma_start3A_280 = tpu.memref_slice %arg4[%dma_start3A_279, %mul3A_2] : memref<1000x16384xf32, #tpu.memory_space<hbm>> -> memref<40x512xf32, #tpu.memory_space<hbm>>
    tpu.enqueue_dma source(%arg7 : memref<40x512xf32, #tpu.memory_space<vmem>>) target(%dma_start3A_280 : memref<40x512xf32, #tpu.memory_space<hbm>>) target_semaphore(%arg9 : memref<!tpu.dma_semaphore, #tpu.memory_space<semaphore_mem>>)
    %dma_wait3A_281 = arith.constant 800 : i32
    %dma_wait3A_282 = tpu.memref_slice %arg4[%dma_wait3A_281, %mul3A_2] : memref<1000x16384xf32, #tpu.memory_space<hbm>> -> memref<40x512xf32, #tpu.memory_space<hbm>>
    %dma_wait3A_283 = arith.constant 800 : i32
    %dma_wait3A_284 = tpu.memref_slice %arg4[%dma_wait3A_283, %mul3A_2] : memref<1000x16384xf32, #tpu.memory_space<hbm>> -> memref<40x512xf32, #tpu.memory_space<hbm>>
    tpu.wait_dma2 semaphore(%arg8 : memref<!tpu.dma_semaphore, #tpu.memory_space<semaphore_mem>>) src(%arg6 : memref<40x512xf32, #tpu.memory_space<vmem>>) dst(%dma_wait3A_284 : memref<40x512xf32, #tpu.memory_space<hbm>>)
    %scan3A_285 = arith.constant 0 : i32
    %scan3A_286 = arith.constant 32 : i32
    %scan3A_287 = arith.addi %scan3A_285, %scan3A_286 : i32
    %scan3A_288 = arith.constant 2 : i32
    scf.for %scan3A_328 = %scan3A_285 to %scan3A_287 step %scan3A_288  : i32 {
      %mul3A_329 = arith.constant 16 : i32
      %mul3A_330 = arith.muli %scan3A_328, %mul3A_329 : i32
      %get3A = arith.index_cast %mul3A_330 : i32 to index
      %get3A_331 = tpu.vector_load %arg5[%get3A] {strides = array<i32>} : memref<512xi32, #tpu.memory_space<vmem>>, vector<16xi32>,
      %iota3A = tpu.iota {dimensions = array<i32: 0>} : vector<16xi32>
      %mul3A_332 = arith.constant 16 : i32
      %mul3A_333 = arith.muli %scan3A_328, %mul3A_332 : i32
      %add3A_334 = vector.broadcast %mul3A_333 : i32 to vector<16xi32>
      %add3A_335 = arith.addi %iota3A, %add3A_334 : vector<16xi32>
      %ge3A = arith.constant 880 : i32
      %ge3A_336 = vector.broadcast %ge3A : i32 to vector<16xi32>
      %ge3A_337 = arith.cmpi sge, %get3A_331, %ge3A_336 : vector<16xi32>
      %lt3A = arith.constant 920 : i32
      %lt3A_338 = vector.broadcast %lt3A : i32 to vector<16xi32>
      %lt3A_339 = arith.cmpi slt, %get3A_331, %lt3A_338 : vector<16xi32>
      %and3A = arith.andi %ge3A_337, %lt3A_339 : vector<16xi1>
      %ge3A_340 = arith.constant 800 : i32
      %ge3A_341 = vector.broadcast %ge3A_340 : i32 to vector<16xi32>
      %ge3A_342 = arith.cmpi sge, %get3A_331, %ge3A_341 : vector<16xi32>
      %lt3A_343 = arith.constant 840 : i32
      %lt3A_344 = vector.broadcast %lt3A_343 : i32 to vector<16xi32>
      %lt3A_345 = arith.cmpi slt, %get3A_331, %lt3A_344 : vector<16xi32>
      %and3A_346 = arith.andi %ge3A_342, %lt3A_345 : vector<16xi1>
      %jit3A = arith.constant 880 : i32
      %jit3A_347 = arith.constant 800 : i32
      %broadcast_in_dim3A_348 = vector.broadcast %jit3A : i32 to vector<16xi32>
      %broadcast_in_dim3A_349 = vector.broadcast %jit3A_347 : i32 to vector<16xi32>
      %select_n3A = arith.select %and3A, %broadcast_in_dim3A_348, %broadcast_in_dim3A_349 : vector<16xi1>, vector<16xi32>
      %sub3A = arith.subi %get3A_331, %select_n3A : vector<16xi32>
      %or3A = arith.ori %and3A, %and3A_346 : vector<16xi1>
      %select_n3A_350 = arith.select %and3A, %broadcast_in_dim3A_3, %broadcast_in_dim3A_5 : vector<16xi1>, vector<16xf32>
      tpu.vector_store_idx %arg6[%sub3A, %add3A_335], %select_n3A_350 masked %or3A : memref<40x512xf32, #tpu.memory_space<vmem>>[vector<16xi32>, vector<16xi32>], vector<16xf32>, vector<16xi1>
      %scan3A_351 = arith.constant 1 : i32
      %scan3A_352 = arith.addi %scan3A_328, %scan3A_351 : i32
      %mul3A_353 = arith.constant 16 : i32
      %mul3A_354 = arith.muli %scan3A_352, %mul3A_353 : i32
      %get3A_355 = arith.index_cast %mul3A_354 : i32 to index
      %get3A_356 = tpu.vector_load %arg5[%get3A_355] {strides = array<i32>} : memref<512xi32, #tpu.memory_space<vmem>>, vector<16xi32>,
      %iota3A_357 = tpu.iota {dimensions = array<i32: 0>} : vector<16xi32>
      %mul3A_358 = arith.constant 16 : i32
      %mul3A_359 = arith.muli %scan3A_352, %mul3A_358 : i32
      %add3A_360 = vector.broadcast %mul3A_359 : i32 to vector<16xi32>
      %add3A_361 = arith.addi %iota3A_357, %add3A_360 : vector<16xi32>
      %ge3A_362 = arith.constant 880 : i32
      %ge3A_363 = vector.broadcast %ge3A_362 : i32 to vector<16xi32>
      %ge3A_364 = arith.cmpi sge, %get3A_356, %ge3A_363 : vector<16xi32>
      %lt3A_365 = arith.constant 920 : i32
      %lt3A_366 = vector.broadcast %lt3A_365 : i32 to vector<16xi32>
      %lt3A_367 = arith.cmpi slt, %get3A_356, %lt3A_366 : vector<16xi32>
      %and3A_368 = arith.andi %ge3A_364, %lt3A_367 : vector<16xi1>
      %ge3A_369 = arith.constant 800 : i32
      %ge3A_370 = vector.broadcast %ge3A_369 : i32 to vector<16xi32>
      %ge3A_371 = arith.cmpi sge, %get3A_356, %ge3A_370 : vector<16xi32>
      %lt3A_372 = arith.constant 840 : i32
      %lt3A_373 = vector.broadcast %lt3A_372 : i32 to vector<16xi32>
      %lt3A_374 = arith.cmpi slt, %get3A_356, %lt3A_373 : vector<16xi32>
      %and3A_375 = arith.andi %ge3A_371, %lt3A_374 : vector<16xi1>
      %jit3A_376 = arith.constant 880 : i32
      %jit3A_377 = arith.constant 800 : i32
      %broadcast_in_dim3A_378 = vector.broadcast %jit3A_376 : i32 to vector<16xi32>
      %broadcast_in_dim3A_379 = vector.broadcast %jit3A_377 : i32 to vector<16xi32>
      %select_n3A_380 = arith.select %and3A_368, %broadcast_in_dim3A_378, %broadcast_in_dim3A_379 : vector<16xi1>, vector<16xi32>
      %sub3A_381 = arith.subi %get3A_356, %select_n3A_380 : vector<16xi32>
      %or3A_382 = arith.ori %and3A_368, %and3A_375 : vector<16xi1>
      %select_n3A_383 = arith.select %and3A_368, %broadcast_in_dim3A_3, %broadcast_in_dim3A_5 : vector<16xi1>, vector<16xf32>
      tpu.vector_store_idx %arg6[%sub3A_381, %add3A_361], %select_n3A_383 masked %or3A_382 : memref<40x512xf32, #tpu.memory_space<vmem>>[vector<16xi32>, vector<16xi32>], vector<16xf32>, vector<16xi1>
    }
    %scan3A_289 = arith.constant 32 : i32
    %dma_start3A_290 = arith.constant 880 : i32
    %dma_start3A_291 = tpu.memref_slice %arg4[%dma_start3A_290, %mul3A_2] : memref<1000x16384xf32, #tpu.memory_space<hbm>> -> memref<40x512xf32, #tpu.memory_space<hbm>>
    %dma_start3A_292 = arith.constant 880 : i32
    %dma_start3A_293 = tpu.memref_slice %arg4[%dma_start3A_292, %mul3A_2] : memref<1000x16384xf32, #tpu.memory_space<hbm>> -> memref<40x512xf32, #tpu.memory_space<hbm>>
    tpu.enqueue_dma source(%arg6 : memref<40x512xf32, #tpu.memory_space<vmem>>) target(%dma_start3A_293 : memref<40x512xf32, #tpu.memory_space<hbm>>) target_semaphore(%arg8 : memref<!tpu.dma_semaphore, #tpu.memory_space<semaphore_mem>>)
    %dma_wait3A_294 = arith.constant 840 : i32
    %dma_wait3A_295 = tpu.memref_slice %arg4[%dma_wait3A_294, %mul3A_2] : memref<1000x16384xf32, #tpu.memory_space<hbm>> -> memref<40x512xf32, #tpu.memory_space<hbm>>
    %dma_wait3A_296 = arith.constant 840 : i32
    %dma_wait3A_297 = tpu.memref_slice %arg4[%dma_wait3A_296, %mul3A_2] : memref<1000x16384xf32, #tpu.memory_space<hbm>> -> memref<40x512xf32, #tpu.memory_space<hbm>>
    tpu.wait_dma2 semaphore(%arg9 : memref<!tpu.dma_semaphore, #tpu.memory_space<semaphore_mem>>) src(%arg7 : memref<40x512xf32, #tpu.memory_space<vmem>>) dst(%dma_wait3A_297 : memref<40x512xf32, #tpu.memory_space<hbm>>)
    %scan3A_298 = arith.constant 0 : i32
    %scan3A_299 = arith.constant 32 : i32
    %scan3A_300 = arith.addi %scan3A_298, %scan3A_299 : i32
    %scan3A_301 = arith.constant 2 : i32
    scf.for %scan3A_328 = %scan3A_298 to %scan3A_300 step %scan3A_301  : i32 {
      %mul3A_329 = arith.constant 16 : i32
      %mul3A_330 = arith.muli %scan3A_328, %mul3A_329 : i32
      %get3A = arith.index_cast %mul3A_330 : i32 to index
      %get3A_331 = tpu.vector_load %arg5[%get3A] {strides = array<i32>} : memref<512xi32, #tpu.memory_space<vmem>>, vector<16xi32>,
      %iota3A = tpu.iota {dimensions = array<i32: 0>} : vector<16xi32>
      %mul3A_332 = arith.constant 16 : i32
      %mul3A_333 = arith.muli %scan3A_328, %mul3A_332 : i32
      %add3A_334 = vector.broadcast %mul3A_333 : i32 to vector<16xi32>
      %add3A_335 = arith.addi %iota3A, %add3A_334 : vector<16xi32>
      %ge3A = arith.constant 920 : i32
      %ge3A_336 = vector.broadcast %ge3A : i32 to vector<16xi32>
      %ge3A_337 = arith.cmpi sge, %get3A_331, %ge3A_336 : vector<16xi32>
      %lt3A = arith.constant 960 : i32
      %lt3A_338 = vector.broadcast %lt3A : i32 to vector<16xi32>
      %lt3A_339 = arith.cmpi slt, %get3A_331, %lt3A_338 : vector<16xi32>
      %and3A = arith.andi %ge3A_337, %lt3A_339 : vector<16xi1>
      %ge3A_340 = arith.constant 840 : i32
      %ge3A_341 = vector.broadcast %ge3A_340 : i32 to vector<16xi32>
      %ge3A_342 = arith.cmpi sge, %get3A_331, %ge3A_341 : vector<16xi32>
      %lt3A_343 = arith.constant 880 : i32
      %lt3A_344 = vector.broadcast %lt3A_343 : i32 to vector<16xi32>
      %lt3A_345 = arith.cmpi slt, %get3A_331, %lt3A_344 : vector<16xi32>
      %and3A_346 = arith.andi %ge3A_342, %lt3A_345 : vector<16xi1>
      %jit3A = arith.constant 920 : i32
      %jit3A_347 = arith.constant 840 : i32
      %broadcast_in_dim3A_348 = vector.broadcast %jit3A : i32 to vector<16xi32>
      %broadcast_in_dim3A_349 = vector.broadcast %jit3A_347 : i32 to vector<16xi32>
      %select_n3A = arith.select %and3A, %broadcast_in_dim3A_348, %broadcast_in_dim3A_349 : vector<16xi1>, vector<16xi32>
      %sub3A = arith.subi %get3A_331, %select_n3A : vector<16xi32>
      %or3A = arith.ori %and3A, %and3A_346 : vector<16xi1>
      %select_n3A_350 = arith.select %and3A, %broadcast_in_dim3A_3, %broadcast_in_dim3A_5 : vector<16xi1>, vector<16xf32>
      tpu.vector_store_idx %arg7[%sub3A, %add3A_335], %select_n3A_350 masked %or3A : memref<40x512xf32, #tpu.memory_space<vmem>>[vector<16xi32>, vector<16xi32>], vector<16xf32>, vector<16xi1>
      %scan3A_351 = arith.constant 1 : i32
      %scan3A_352 = arith.addi %scan3A_328, %scan3A_351 : i32
      %mul3A_353 = arith.constant 16 : i32
      %mul3A_354 = arith.muli %scan3A_352, %mul3A_353 : i32
      %get3A_355 = arith.index_cast %mul3A_354 : i32 to index
      %get3A_356 = tpu.vector_load %arg5[%get3A_355] {strides = array<i32>} : memref<512xi32, #tpu.memory_space<vmem>>, vector<16xi32>,
      %iota3A_357 = tpu.iota {dimensions = array<i32: 0>} : vector<16xi32>
      %mul3A_358 = arith.constant 16 : i32
      %mul3A_359 = arith.muli %scan3A_352, %mul3A_358 : i32
      %add3A_360 = vector.broadcast %mul3A_359 : i32 to vector<16xi32>
      %add3A_361 = arith.addi %iota3A_357, %add3A_360 : vector<16xi32>
      %ge3A_362 = arith.constant 920 : i32
      %ge3A_363 = vector.broadcast %ge3A_362 : i32 to vector<16xi32>
      %ge3A_364 = arith.cmpi sge, %get3A_356, %ge3A_363 : vector<16xi32>
      %lt3A_365 = arith.constant 960 : i32
      %lt3A_366 = vector.broadcast %lt3A_365 : i32 to vector<16xi32>
      %lt3A_367 = arith.cmpi slt, %get3A_356, %lt3A_366 : vector<16xi32>
      %and3A_368 = arith.andi %ge3A_364, %lt3A_367 : vector<16xi1>
      %ge3A_369 = arith.constant 840 : i32
      %ge3A_370 = vector.broadcast %ge3A_369 : i32 to vector<16xi32>
      %ge3A_371 = arith.cmpi sge, %get3A_356, %ge3A_370 : vector<16xi32>
      %lt3A_372 = arith.constant 880 : i32
      %lt3A_373 = vector.broadcast %lt3A_372 : i32 to vector<16xi32>
      %lt3A_374 = arith.cmpi slt, %get3A_356, %lt3A_373 : vector<16xi32>
      %and3A_375 = arith.andi %ge3A_371, %lt3A_374 : vector<16xi1>
      %jit3A_376 = arith.constant 920 : i32
      %jit3A_377 = arith.constant 840 : i32
      %broadcast_in_dim3A_378 = vector.broadcast %jit3A_376 : i32 to vector<16xi32>
      %broadcast_in_dim3A_379 = vector.broadcast %jit3A_377 : i32 to vector<16xi32>
      %select_n3A_380 = arith.select %and3A_368, %broadcast_in_dim3A_378, %broadcast_in_dim3A_379 : vector<16xi1>, vector<16xi32>
      %sub3A_381 = arith.subi %get3A_356, %select_n3A_380 : vector<16xi32>
      %or3A_382 = arith.ori %and3A_368, %and3A_375 : vector<16xi1>
      %select_n3A_383 = arith.select %and3A_368, %broadcast_in_dim3A_3, %broadcast_in_dim3A_5 : vector<16xi1>, vector<16xf32>
      tpu.vector_store_idx %arg7[%sub3A_381, %add3A_361], %select_n3A_383 masked %or3A_382 : memref<40x512xf32, #tpu.memory_space<vmem>>[vector<16xi32>, vector<16xi32>], vector<16xf32>, vector<16xi1>
    }
    %scan3A_302 = arith.constant 32 : i32
    %dma_start3A_303 = arith.constant 920 : i32
    %dma_start3A_304 = tpu.memref_slice %arg4[%dma_start3A_303, %mul3A_2] : memref<1000x16384xf32, #tpu.memory_space<hbm>> -> memref<40x512xf32, #tpu.memory_space<hbm>>
    %dma_start3A_305 = arith.constant 920 : i32
    %dma_start3A_306 = tpu.memref_slice %arg4[%dma_start3A_305, %mul3A_2] : memref<1000x16384xf32, #tpu.memory_space<hbm>> -> memref<40x512xf32, #tpu.memory_space<hbm>>
    tpu.enqueue_dma source(%arg7 : memref<40x512xf32, #tpu.memory_space<vmem>>) target(%dma_start3A_306 : memref<40x512xf32, #tpu.memory_space<hbm>>) target_semaphore(%arg9 : memref<!tpu.dma_semaphore, #tpu.memory_space<semaphore_mem>>)
    %dma_wait3A_307 = arith.constant 880 : i32
    %dma_wait3A_308 = tpu.memref_slice %arg4[%dma_wait3A_307, %mul3A_2] : memref<1000x16384xf32, #tpu.memory_space<hbm>> -> memref<40x512xf32, #tpu.memory_space<hbm>>
    %dma_wait3A_309 = arith.constant 880 : i32
    %dma_wait3A_310 = tpu.memref_slice %arg4[%dma_wait3A_309, %mul3A_2] : memref<1000x16384xf32, #tpu.memory_space<hbm>> -> memref<40x512xf32, #tpu.memory_space<hbm>>
    tpu.wait_dma2 semaphore(%arg8 : memref<!tpu.dma_semaphore, #tpu.memory_space<semaphore_mem>>) src(%arg6 : memref<40x512xf32, #tpu.memory_space<vmem>>) dst(%dma_wait3A_310 : memref<40x512xf32, #tpu.memory_space<hbm>>)
    %scan3A_311 = arith.constant 0 : i32
    %scan3A_312 = arith.constant 32 : i32
    %scan3A_313 = arith.addi %scan3A_311, %scan3A_312 : i32
    %scan3A_314 = arith.constant 2 : i32
    scf.for %scan3A_328 = %scan3A_311 to %scan3A_313 step %scan3A_314  : i32 {
      %mul3A_329 = arith.constant 16 : i32
      %mul3A_330 = arith.muli %scan3A_328, %mul3A_329 : i32
      %get3A = arith.index_cast %mul3A_330 : i32 to index
      %get3A_331 = tpu.vector_load %arg5[%get3A] {strides = array<i32>} : memref<512xi32, #tpu.memory_space<vmem>>, vector<16xi32>,
      %iota3A = tpu.iota {dimensions = array<i32: 0>} : vector<16xi32>
      %mul3A_332 = arith.constant 16 : i32
      %mul3A_333 = arith.muli %scan3A_328, %mul3A_332 : i32
      %add3A_334 = vector.broadcast %mul3A_333 : i32 to vector<16xi32>
      %add3A_335 = arith.addi %iota3A, %add3A_334 : vector<16xi32>
      %ge3A = arith.constant 960 : i32
      %ge3A_336 = vector.broadcast %ge3A : i32 to vector<16xi32>
      %ge3A_337 = arith.cmpi sge, %get3A_331, %ge3A_336 : vector<16xi32>
      %lt3A = arith.constant 1000 : i32
      %lt3A_338 = vector.broadcast %lt3A : i32 to vector<16xi32>
      %lt3A_339 = arith.cmpi slt, %get3A_331, %lt3A_338 : vector<16xi32>
      %and3A = arith.andi %ge3A_337, %lt3A_339 : vector<16xi1>
      %ge3A_340 = arith.constant 880 : i32
      %ge3A_341 = vector.broadcast %ge3A_340 : i32 to vector<16xi32>
      %ge3A_342 = arith.cmpi sge, %get3A_331, %ge3A_341 : vector<16xi32>
      %lt3A_343 = arith.constant 920 : i32
      %lt3A_344 = vector.broadcast %lt3A_343 : i32 to vector<16xi32>
      %lt3A_345 = arith.cmpi slt, %get3A_331, %lt3A_344 : vector<16xi32>
      %and3A_346 = arith.andi %ge3A_342, %lt3A_345 : vector<16xi1>
      %jit3A = arith.constant 960 : i32
      %jit3A_347 = arith.constant 880 : i32
      %broadcast_in_dim3A_348 = vector.broadcast %jit3A : i32 to vector<16xi32>
      %broadcast_in_dim3A_349 = vector.broadcast %jit3A_347 : i32 to vector<16xi32>
      %select_n3A = arith.select %and3A, %broadcast_in_dim3A_348, %broadcast_in_dim3A_349 : vector<16xi1>, vector<16xi32>
      %sub3A = arith.subi %get3A_331, %select_n3A : vector<16xi32>
      %or3A = arith.ori %and3A, %and3A_346 : vector<16xi1>
      %select_n3A_350 = arith.select %and3A, %broadcast_in_dim3A_3, %broadcast_in_dim3A_5 : vector<16xi1>, vector<16xf32>
      tpu.vector_store_idx %arg6[%sub3A, %add3A_335], %select_n3A_350 masked %or3A : memref<40x512xf32, #tpu.memory_space<vmem>>[vector<16xi32>, vector<16xi32>], vector<16xf32>, vector<16xi1>
      %scan3A_351 = arith.constant 1 : i32
      %scan3A_352 = arith.addi %scan3A_328, %scan3A_351 : i32
      %mul3A_353 = arith.constant 16 : i32
      %mul3A_354 = arith.muli %scan3A_352, %mul3A_353 : i32
      %get3A_355 = arith.index_cast %mul3A_354 : i32 to index
      %get3A_356 = tpu.vector_load %arg5[%get3A_355] {strides = array<i32>} : memref<512xi32, #tpu.memory_space<vmem>>, vector<16xi32>,
      %iota3A_357 = tpu.iota {dimensions = array<i32: 0>} : vector<16xi32>
      %mul3A_358 = arith.constant 16 : i32
      %mul3A_359 = arith.muli %scan3A_352, %mul3A_358 : i32
      %add3A_360 = vector.broadcast %mul3A_359 : i32 to vector<16xi32>
      %add3A_361 = arith.addi %iota3A_357, %add3A_360 : vector<16xi32>
      %ge3A_362 = arith.constant 960 : i32
      %ge3A_363 = vector.broadcast %ge3A_362 : i32 to vector<16xi32>
      %ge3A_364 = arith.cmpi sge, %get3A_356, %ge3A_363 : vector<16xi32>
      %lt3A_365 = arith.constant 1000 : i32
      %lt3A_366 = vector.broadcast %lt3A_365 : i32 to vector<16xi32>
      %lt3A_367 = arith.cmpi slt, %get3A_356, %lt3A_366 : vector<16xi32>
      %and3A_368 = arith.andi %ge3A_364, %lt3A_367 : vector<16xi1>
      %ge3A_369 = arith.constant 880 : i32
      %ge3A_370 = vector.broadcast %ge3A_369 : i32 to vector<16xi32>
      %ge3A_371 = arith.cmpi sge, %get3A_356, %ge3A_370 : vector<16xi32>
      %lt3A_372 = arith.constant 920 : i32
      %lt3A_373 = vector.broadcast %lt3A_372 : i32 to vector<16xi32>
      %lt3A_374 = arith.cmpi slt, %get3A_356, %lt3A_373 : vector<16xi32>
      %and3A_375 = arith.andi %ge3A_371, %lt3A_374 : vector<16xi1>
      %jit3A_376 = arith.constant 960 : i32
      %jit3A_377 = arith.constant 880 : i32
      %broadcast_in_dim3A_378 = vector.broadcast %jit3A_376 : i32 to vector<16xi32>
      %broadcast_in_dim3A_379 = vector.broadcast %jit3A_377 : i32 to vector<16xi32>
      %select_n3A_380 = arith.select %and3A_368, %broadcast_in_dim3A_378, %broadcast_in_dim3A_379 : vector<16xi1>, vector<16xi32>
      %sub3A_381 = arith.subi %get3A_356, %select_n3A_380 : vector<16xi32>
      %or3A_382 = arith.ori %and3A_368, %and3A_375 : vector<16xi1>
      %select_n3A_383 = arith.select %and3A_368, %broadcast_in_dim3A_3, %broadcast_in_dim3A_5 : vector<16xi1>, vector<16xf32>
      tpu.vector_store_idx %arg6[%sub3A_381, %add3A_361], %select_n3A_383 masked %or3A_382 : memref<40x512xf32, #tpu.memory_space<vmem>>[vector<16xi32>, vector<16xi32>], vector<16xf32>, vector<16xi1>
    }
    %scan3A_315 = arith.constant 32 : i32
    %dma_start3A_316 = arith.constant 960 : i32
    %dma_start3A_317 = tpu.memref_slice %arg4[%dma_start3A_316, %mul3A_2] : memref<1000x16384xf32, #tpu.memory_space<hbm>> -> memref<40x512xf32, #tpu.memory_space<hbm>>
    %dma_start3A_318 = arith.constant 960 : i32
    %dma_start3A_319 = tpu.memref_slice %arg4[%dma_start3A_318, %mul3A_2] : memref<1000x16384xf32, #tpu.memory_space<hbm>> -> memref<40x512xf32, #tpu.memory_space<hbm>>
    tpu.enqueue_dma source(%arg6 : memref<40x512xf32, #tpu.memory_space<vmem>>) target(%dma_start3A_319 : memref<40x512xf32, #tpu.memory_space<hbm>>) target_semaphore(%arg8 : memref<!tpu.dma_semaphore, #tpu.memory_space<semaphore_mem>>)
    %dma_wait3A_320 = arith.constant 920 : i32
    %dma_wait3A_321 = tpu.memref_slice %arg4[%dma_wait3A_320, %mul3A_2] : memref<1000x16384xf32, #tpu.memory_space<hbm>> -> memref<40x512xf32, #tpu.memory_space<hbm>>
    %dma_wait3A_322 = arith.constant 920 : i32
    %dma_wait3A_323 = tpu.memref_slice %arg4[%dma_wait3A_322, %mul3A_2] : memref<1000x16384xf32, #tpu.memory_space<hbm>> -> memref<40x512xf32, #tpu.memory_space<hbm>>
    tpu.wait_dma2 semaphore(%arg9 : memref<!tpu.dma_semaphore, #tpu.memory_space<semaphore_mem>>) src(%arg7 : memref<40x512xf32, #tpu.memory_space<vmem>>) dst(%dma_wait3A_323 : memref<40x512xf32, #tpu.memory_space<hbm>>)
    %dma_wait3A_324 = arith.constant 960 : i32
    %dma_wait3A_325 = tpu.memref_slice %arg4[%dma_wait3A_324, %mul3A_2] : memref<1000x16384xf32, #tpu.memory_space<hbm>> -> memref<40x512xf32, #tpu.memory_space<hbm>>
    %dma_wait3A_326 = arith.constant 960 : i32
    %dma_wait3A_327 = tpu.memref_slice %arg4[%dma_wait3A_326, %mul3A_2] : memref<1000x16384xf32, #tpu.memory_space<hbm>> -> memref<40x512xf32, #tpu.memory_space<hbm>>
    tpu.wait_dma2 semaphore(%arg8 : memref<!tpu.dma_semaphore, #tpu.memory_space<semaphore_mem>>) src(%arg6 : memref<40x512xf32, #tpu.memory_space<vmem>>) dst(%dma_wait3A_327 : memref<40x512xf32, #tpu.memory_space<hbm>>)
    return
  }
}

</mosaic_0001>

<sc_bundles>
// kernel: kernel.3.cloned.1.call-start
scs
__scs_entry_jumppad:
0x0: {  	(pc) =	sbr.rel $0x88, $3  }
0x1: {  	(tag) =	ssettag $0x0;
	lr =	simm.s32 $0x1  }
0x2: {  	[smem:$0x3FA0] =	sst lr;
	_ =	strace $0xD0000000  }
0x3: {  	_ = 	snop  }
0x4: {  	_ = 	snop  }
0x5: {  	_ = 	snop  }
0x6: {  	_ = 	snop  }
0x7: {  	_ = 	snop  }
__scs_overlays_trampoline_lowered:
0x8: {  	[smem:$0x3FAF] =	sst s0  }
0x9: {  	[smem:$0x3FB0] =	sst s1  }
0xa: {  	[smem:$0x3FB1] =	sst s2  }
0xb: {  	[smem:$0x3FB2] =	sst s3  }
0xc: {  	[smem:$0x3FB3] =	sst s4  }
0xd: {  	[smem:$0x3FB4] =	sst s5  }
0xe: {  	[smem:$0x3FB5] =	sst s6  }
0xf: {  	[smem:$0x3FB6] =	sst s7  }
0x10: {  	[smem:$0x3FB7] =	sst s8  }
0x11: {  	[smem:$0x3FB8] =	sst s9;
	s0 =	simm.s32 @!p0 $0x0  }
0x12: {  	s1 =	sld [smem:$0x3F9E];
	s0 =	simm.s32 @p0 $0x1  }
0x13: {  	[smem:$0x3FB9] =	sst s0;
	s0 =	simm.s32 @!p1 $0x0  }
0x14: {  	s2 =	sld [smem:$0x3F9D];
	s0 =	simm.s32 @p1 $0x1  }
0x15: {  	[smem:$0x3FBA] =	sst s0;
	s0 =	simm.s32 @!p2 $0x0  }
0x16: {  	s3 =	sld [smem:$0x3FDB];
	s0 =	simm.s32 @p2 $0x1  }
0x17: {  	s4 =	simm.s32 $0x1BF5;
	[smem:$0x3FBC] =	sst s0  }
0x18: {  	s0 =	sld [smem:$0x3F9F];
	_ =	swait.ge [sflag:s4], $0x0  }
0x19: {  	s7 =	sld [smem:$0x3FA0]  }
0x1a: {  	s8 =	sadd.s32 $0xFFFFE003, lr  }
0x1b: {  	s9 =	sadd.s32 $0xFFFFFEF7, lr;
	s5 =	simm.s32 $0xFFFFFFFF;
	p2 =	slt.u32 s8, $0xFFFFF086  }
0x1c: {  	p1 =	slt.u32 s9, $0xF7A;
	s5 =	simm.s32 @!p2 $0x0  }
0x1d: {  	s5 =	simm.s32 @p1 $0x1;
	p0 =	seq.s32 s7, s2  }
0x1e: {  	s7 =	smul.u32 @!p0 $0xF7A, s2;
	p2 =	seq.s32 @!p0 s5, $0x0  }
0x1f: {  	s9 =	smul.u32 $0xF7A, s1;
	s8 =	simm.s32 @!p0 $0x1BF5;
	p2 =	por !p2, p0  }
0x20: {  	[sflag:s8] =	ssyncset.s32 @!p0 $0xFFFFF086;
	s6 =	sadd.s32 @!p0 s3, s7;
	s7 =	simm.s32 @!p0 $0x108  }
0x21: {  	s3 =	sadd.s32 s3, s9;
	s6 =	sadd.s32 @!p0 $0x88, s6;
	s7 =	simm.s32 @p2 $0x1082  }
0x22: {  	[simem:s7], [sflag:s8] =	dma.local @!p0 [hbm:s6], $0xF7A  }
0x23: {  	s9 =	sor.u32 $0xD0000000, s2;
	s6 =	simm.s32 $0x108;
	_ =	swait.ge @!p0 [sflag:s8], $0x0  }
0x24: {  	s3 =	sadd.s32 $0x88, s3;
	s6 =	simm.s32 @!p1 $0x1082;
	[sflag:s4] =	ssyncset.s32 $0xFFFFF086  }
0x25: {  	[simem:s6], [sflag:s4] =	dma.local [hbm:s3], $0xF7A  }
0x26: {  	[smem:$0x3FA0] =	sst s1;
	(tag) =	ssettag s2;
	_ =	strace s9  }
0x27: {  	s1 =	sld [smem:$0x3FB0]  }
0x28: {  	s2 =	sld [smem:$0x3FB1]  }
0x29: {  	s4 =	sld [smem:$0x3FB3]  }
0x2a: {  	p0 =	seq.s32 s5, $0x0;
	s5 =	sld [smem:$0x3FB4]  }
0x2b: {  	s6 =	sld [smem:$0x3FB5]  }
0x2c: {  	s7 =	sld [smem:$0x3FB6]  }
0x2d: {  	s3 =	simm.s32 $0x108;
	s8 =	sld [smem:$0x3FB7]  }
0x2e: {  	s3 =	simm.s32 @!p0 $0x1082;
	s9 =	sld [smem:$0x3FB8]  }
0x2f: {  	lr =	sadd.s32 s0, s3;
	s0 =	sld [smem:$0x3FAF]  }
0x30: {  	s3 =	sld [smem:$0x3FB2]  }
0x31: {  	[smem:$0x3FBB] =	sst s10  }
0x32: {  	s10 =	sld [smem:$0x3FB9];
	_ =	sdelay $0x3  }
0x33: {  	p0 =	seq.s32 s10, $0x1;
	s10 =	sld [smem:$0x3FBB];
	_ =	sdelay $0x3  }
0x34: {  	[smem:$0x3FBB] =	sst s10  }
0x35: {  	s10 =	sld [smem:$0x3FBA];
	_ =	sdelay $0x3  }
0x36: {  	p1 =	seq.s32 s10, $0x1;
	s10 =	sld [smem:$0x3FBB];
	_ =	sdelay $0x3  }
0x37: {  	[smem:$0x3FBB] =	sst s10  }
0x38: {  	s10 =	sld [smem:$0x3FBC]  }
0x39: {  	_ = 	snop;
	(pc) =	sbr.ind lr, $3  }
0x3a: {  	_ = 	snop  }
0x3b: {  	_ = 	snop  }
0x3c: {  	p2 =	seq.s32 s10, $0x1;
	s10 =	sld [smem:$0x3FBB]  }
0x3d: {  	_ =	shalt  }
0x3e: {  	_ =	shalt  }
0x3f: {  	_ =	shalt  }
0x40: {  	_ =	shalt  }
0x41: {  	_ =	shalt  }
0x42: {  	_ =	shalt  }
0x43: {  	_ =	shalt  }
0x44: {  	_ =	shalt  }
0x45: {  	_ =	shalt  }
0x46: {  	_ =	shalt  }
0x47: {  	_ =	shalt  }
0x48: {  	_ =	shalt  }
0x49: {  	_ =	shalt  }
0x4a: {  	_ =	shalt  }
0x4b: {  	_ =	shalt  }
0x4c: {  	_ =	shalt  }
0x4d: {  	_ =	shalt  }
0x4e: {  	_ =	shalt  }
0x4f: {  	_ =	shalt  }
0x50: {  	_ =	shalt  }
0x51: {  	_ =	shalt  }
0x52: {  	_ =	shalt  }
0x53: {  	_ =	shalt  }
0x54: {  	_ =	shalt  }
0x55: {  	_ =	shalt  }
0x56: {  	_ =	shalt  }
0x57: {  	_ =	shalt  }
0x58: {  	_ =	shalt  }
0x59: {  	_ =	shalt  }
0x5a: {  	_ =	shalt  }
0x5b: {  	_ =	shalt  }
0x5c: {  	_ =	shalt  }
0x5d: {  	_ =	shalt  }
0x5e: {  	_ =	shalt  }
0x5f: {  	_ =	shalt  }
0x60: {  	_ =	shalt  }
0x61: {  	_ =	shalt  }
0x62: {  	_ =	shalt  }
0x63: {  	_ =	shalt  }
0x64: {  	_ =	shalt  }
0x65: {  	_ =	shalt  }
0x66: {  	_ =	shalt  }
0x67: {  	_ =	shalt  }
0x68: {  	_ =	shalt  }
0x69: {  	_ =	shalt  }
0x6a: {  	_ =	shalt  }
0x6b: {  	_ =	shalt  }
0x6c: {  	_ =	shalt  }
0x6d: {  	_ =	shalt  }
0x6e: {  	_ =	shalt  }
0x6f: {  	_ =	shalt  }
0x70: {  	_ =	shalt  }
0x71: {  	_ =	shalt  }
0x72: {  	_ =	shalt  }
0x73: {  	_ =	shalt  }
0x74: {  	_ =	shalt  }
0x75: {  	_ =	shalt  }
0x76: {  	_ =	shalt  }
0x77: {  	_ =	shalt  }
0x78: {  	_ =	shalt  }
0x79: {  	_ =	shalt  }
0x7a: {  	_ =	shalt  }
0x7b: {  	_ =	shalt  }
0x7c: {  	_ =	shalt  }
0x7d: {  	_ =	shalt  }
0x7e: {  	_ =	shalt  }
0x7f: {  	_ =	shalt  }
0x80: {  	_ =	shalt  }
0x81: {  	_ =	shalt  }
0x82: {  	_ =	shalt  }
0x83: {  	_ =	shalt  }
0x84: {  	_ =	shalt  }
0x85: {  	_ =	shalt  }
0x86: {  	_ =	shalt  }
0x87: {  	_ =	shalt  }
.Lfunc_end0:
.L_simem_size_0:
called_computation_lowered:
.L_overlay_start_0:
0x88: {  	s2 =	sld [smem:$0x3FD9]  }
0x89: {  	s3 =	sld [smem:$0x3FFE];
	_ =	sdelay $0x1  }
0x8a: {  	s1 =	srdreg.scid  }
0x8b: {  	s0 =	sand.u32 $0x1, s1  }
0x8c: {  	s17 =	sshll.u32 s0, $0xA;
	s2 =	sadd.s32 s3, s2  }
0x8d: {  	s2 =	sadd.s32 s2, s17  }
0x8e: {  	[smem:$0x3FC7] =	sst s2  }
0x8f: {  	_ = 	snop  }
0x90: {  	s2 =	sld [smem:$0x3FC9]  }
0x91: {  	s18 =	sld [smem:$0x3FD0];
	(tm) =	ssettm $0x1  }
0x92: {  	s4 =	sld [smem:$0x3FFB];
	_ =	sdelay $0x3  }
0x93: {  	_ =	strace s4  }
0x94: {  	s4 =	sld [smem:$0x3FFC];
	_ =	sdelay $0x3  }
0x95: {  	_ =	strace s4  }
0x96: {  	s4 =	sld [smem:$0x3FFD];
	_ =	sdelay $0x3  }
0x97: {  	_ =	strace s4  }
0x98: {  	_ =	strace $0x8FFFFFFF  }
0x99: {  	s19 =	sld [smem:$0x3FDB];
	_ =	sdelay $0x1  }
0x9a: {  	s5 =	simm.s32 $_scs_section_size  }
0x9b: {  	s6 =	simm.s32 $_size__tile_overlayer_lowered;
	s7 =	simm.s32 $_tile_overlayer_lowered  }
0x9c: {  	s22 =	simm.s32 $0x1BFF;
	s21 =	sshll.u32 s7, $0x1;
	s4 =	sadd.s32 s5, s19  }
0x9d: {  	s8 =	simm.s32 $0x0;
	s20 =	sshll.u32 s6, $0x1;
	s6 =	sadd.s32 s21, s4  }
0x9e: {  	[timem:s8], [sflag:s22] =	dma.local [hbm:s6], s20  }
0x9f: {  	_ =	swait.ge [sflag:s22], s20  }
0xa0: {  	s5 =	ssub.s32 $0x0, s20;
	[sflag:s22] =	ssyncset.done $0x0  }
0xa1: {  	[sflag:s22] =	ssyncadd.s32 s5;
	_ =	sdelay $0x1  }
0xa2: {  	s23 =	simm.s32 $0x1B8B  }
0xa3: {  	_ =	swait.ge [sflag:s23], $0x1  }
0xa4: {  	[sflag:s23] =	ssyncset.done $0x0  }
0xa5: {  	s25 =	simm.s32 $0x1B8E;
	s24 =	sld [smem:$0x3FFE];
	[sflag:s23] =	ssyncadd.s32 $0xFFFFFFFF  }
0xa6: {  	s26 =	simm.s32 $execute0_lowered;
	[smem:$0x3FD2] =	sst s25  }
0xa7: {  	s6 =	sshll.u32 s26, $0x1;
	_ =	strace $0x80000046;
	[dreg:$0x1] =	wrdreg $0xFFFFFFFF  }
0xa8: {  	s28 =	simm.s32 $_size_execute0_lowered;
	s4 =	sadd.s32 s4, s6;
	[dreg:$0x0] =	wrdreg $0x0  }
0xa9: {  	s6 =	sshll.u32 s28, $0x1;
	[dreg:$0x2] =	wrdreg s4  }
0xaa: {  	[dreg:$0x3] =	wrdreg s6  }
0xab: {  	[dreg:$0x4] =	wrdreg $0xC0  }
0xac: {  	_ =	task [dreg:s8], $0x5FFFF  }
0xad: {  	[dreg:$0x1] =	wrdreg $0xFFFFFFFF  }
0xae: {  	[dreg:$0x0] =	wrdreg $0x60  }
0xaf: {  	[dreg:$0x2] =	wrdreg s2  }
0xb0: {  	[dreg:$0x3] =	wrdreg s24  }
0xb1: {  	[dreg:$0x4] =	wrdreg s18  }
0xb2: {  	[dreg:$0x5] =	wrdreg $0x9  }
0xb3: {  	_ =	task.clear_ibuf [dreg:s8], $0x6FFFF;
	_ =	strace $0x90000046  }
0xb4: {  	s29 =	simm.s32 $0x9;
	_ =	strace $0x80000048  }
0xb5: {  	_ =	swait.ge [sflag:s29], $0x1  }
0xb6: {  	[sflag:s29] =	ssyncadd.s32 $0xFFFFFFFF  }
0xb7: {  	_ =	strace $0x90000048  }
0xb8: {  	_ =	sfence  }
0xb9: {  	s30 =	sld [smem:$0x0];
	_ =	sdelay $0x2  }
0xba: {  	s31 =	sshll.u32 s1, $0xD;
	s1 =	sshrl.u32 s1, $0x2  }
0xbb: {  	s3 =	sand.u32 $0x4000, s31;
	s1 =	sadd.s32 s1, s30  }
0xbc: {  	s0 =	sor.u32 s3, s0;
	s1 =	sshll.u32 s1, $0x11  }
0xbd: {  	s0 =	sor.u32 s1, s0  }
0xbe: {  	s0 =	sadd.s32 $0x8F2B, s0  }
0xbf: {  	[sflag:s0] =	ssyncadd.remote.s32 $0x1  }
0xc0: {  	_ =	sfence.sel $0xFFFF  }
0xc1: {  	[dreg:$0x0] =	wrdreg $0xFFFFFFFF;
	(pc) =	sbr.abs _section_cstart, $3  }
0xc2: {  	[dreg:$0x1] =	wrdreg $0xFFFFFFFF  }
0xc3: {  	_ =	task.clear_ibuf [dreg:s8], $0x2FFFF;
	_ =	strace $0x9FFFFFFF  }
0xc4: {  	(tm) =	ssettm $0x7FFFFFFF  }
0xc5: {  	_ =	shalt  }
tec
execute0_lowered:
.L_overlay_start_1:
0x0: {  	(tag) =	ssettag $0x1  }
0x1: {  	s0 =	rddreg [dreg:$0x0]  }
0x2: {  	s1 =	rddreg [dreg:$0x1]  }
0x3: {  	s3 =	rddreg [dreg:$0x2];
	s2 =	srdreg.scid  }
0x4: {  	s4 =	stileid.u32;
	s7 =	simm.s32 $0x1000;
	s5 =	sand.u32 $0x1, s2  }
0x5: {  	s8 =	simm.s32 $0x20000;
	s4 =	sshll.u32 s4, $0xA;
	s6 =	sshll.u32 s5, $0x9  }
0x6: {  	s9 =	simm.s32 $0x1;
	s10 =	simm.s32 $0x2;
	s6 =	sor.u32 s6, s4  }
0x7: {  	s11 =	simm.s32 $0x0;
	s2 =	simm.s32 $0x0;
	s3 =	sadd.s32 s3, s6  }
0x8: {  	[smem:$0x7FF] =	sst s2;
	s26 =	ssub.s32 $0x2, s5;
	s15 =	sadd.s32 $0x14000, s3  }
0x9: {  	_ =	strace $0x80000047;
	s16 =	sadd.s32 $0x28000, s3;
	[dreg:$0x4] =	wrdreg s15  }
0xa: {  	s4 =	sadd.s32 $0x400, s1;
	s17 =	sadd.s32 $0x3C000, s3;
	[dreg:$0x5] =	wrdreg s16  }
0xb: {  	s5 =	sshrl.u32 s26, $0x1;
	s18 =	sadd.s32 $0x50000, s3;
	[dreg:$0x6] =	wrdreg s17  }
0xc: {  	v0 =	vimm.s32 $0x7FFFD8;
	v1 =	vimm.s32 $0x7FFFB0;
	s6 =	sshrl.u32 s6, $0x3;
	s19 =	sadd.s32 $0x64000, s3;
	[dreg:$0x7] =	wrdreg s18  }
0xd: {  	v2 =	vimm.s32 $0x7FFF88;
	v3 =	vimm.s32 $0x7FFF60;
	s1 =	ssub.s32 s26, s5;
	s20 =	sadd.s32 $0x78000, s3;
	[dreg:$0x8] =	wrdreg s19  }
0xe: {  	v4 =	vimm.s32 $0x7FFF38;
	v5 =	vimm.s32 $0x7FFF10;
	s5 =	simm.s32 $0x4;
	s21 =	sadd.s32 $0x8C000, s3;
	[dreg:$0x9] =	wrdreg s20  }
0xf: {  	v6 =	vimm.s32 $0x7FFEE8;
	v7 =	vimm.s32 $0x7FFEC0;
	s22 =	sadd.s32 $0xA0000, s3;
	s23 =	sadd.s32 $0xB4000, s3;
	[dreg:$0xa] =	wrdreg s21  }
0x10: {  	v8 =	vimm.s32 $0x7FFE98;
	v9 =	vimm.s32 $0x7FFE70;
	s24 =	sadd.s32 $0xC8000, s3;
	s25 =	sadd.s32 $0xDC000, s3;
	[dreg:$0xb] =	wrdreg s22  }
0x11: {  	v10 =	vimm.s32 $0x7FFE48;
	v11 =	vimm.s32 $0x7FFE20;
	s26 =	sadd.s32 $0x190000, s3;
	s28 =	sadd.s32 $0x1A4000, s3;
	[dreg:$0xc] =	wrdreg s23  }
0x12: {  	v12 =	vimm.s32 $0x7FFDF8;
	v13 =	vimm.s32 $0x7FFDD0;
	s29 =	sadd.s32 $0x1B8000, s3;
	s30 =	sadd.s32 $0x1CC000, s3;
	[dreg:$0xd] =	wrdreg s24  }
0x13: {  	v16 =	vimm.s32 $0x7FFDA8;
	v18 =	vimm.s32 $0x7FFD80;
	s31 =	sadd.s32 $0x1E0000, s3;
	[dreg:$0xe] =	wrdreg s25;
	s16 =	sadd.s32 $0xF0000, s3  }
0x14: {  	v19 =	vimm.s32 $0x7FFD58;
	s17 =	sadd.s32 $0x104000, s3;
	s18 =	sadd.s32 $0x118000, s3;
	s19 =	sadd.s32 $0x12C000, s3  }
0x15: {  	v14 =	vlaneseq.u32;
	v15 =	vimm.f32 $1.000000000e+00;
	v21 =	vimm.s32 $0x7FFD30;
	s20 =	sadd.s32 $0x140000, s3;
	s21 =	sadd.s32 $0x154000, s3;
	s22 =	sadd.s32 $0x168000, s3  }
0x16: {  	v17 =	vimm.s32 $0x0;
	v22 =	vimm.s32 $0x7FFD08;
	v23 =	vimm.s32 $0x7FFCE0;
	s23 =	sadd.s32 $0x17C000, s3;
	s24 =	sadd.s32 s0, s6;
	s25 =	smax.u32 s1, $0x1  }
0x17: {  	v20 =	vimm.f32 $0.0e+00;
	v24 =	vimm.s32 $0x7FFCB8;
	v25 =	vimm.s32 $0x7FFC90;
	s0 =	simm.s32 $0x200;
	s1 =	simm.s32 $0x5200;
	s6 =	simm.s32 $0x3  }
.LBB2_1:
0x18: {  	[tilespmem:s0], [sflag:$0x3] =	stream.linear.gather [hbm4b:s4+s2], $0x5000, $0x38;
	[tilespmem:$0xA200] =	vst v63  }
0x19: {  	_ = 	snop  }
0x1a: {  	[tilespmem:s1], [sflag:$0x3] =	stream.linear.gather [hbm4b:s4+s2], $0x5000, $0x38;
	[tilespmem:$0xA200] =	vst v63  }
0x1b: {  	_ = 	snop  }
0x1c: {  	[tilespmem:s2], [sflag:$0x4] =	stream.linear.gather [hbm4b:s24+s2], $0x200, $0x38;
	[tilespmem:$0xA200] =	vst v63  }
0x1d: {  	_ =	swait.ge [sflag:s5], $0x200  }
0x1e: {  	[sflag:s5] =	ssyncset.done $0x0  }
0x1f: {  	[sflag:s5] =	ssyncadd.s32 $0xFFFFFE00  }
0x20: {  	_ =	swait.ge [sflag:s6], $0x5000  }
0x21: {  	s12 =	simm.s32 $0xFFFFFFFE;
	[sflag:s6] =	ssyncset.done $0x0  }
0x22: {  	s13 =	simm.s32 $0x10;
	s14 =	simm.s32 $0x10;
	[sflag:s6] =	ssyncadd.s32 $0xFFFFB000  }
.LBB2_2:
0x23: {  	v26 =	vld [tilespmem:s14+$0xFFFFFFF0];
	_ =	sdelay $0x1  }
0x24: {  	s15 =	sadd.s32 $0xFFFFFFF0, s13  }
0x25: {  	v27 =	vmov s15  }
0x26: {  	v28 =	vor.u32 s15, v14;
	v27 =	vshll.u32 v27, $0x3  }
0x27: {  	v28 =	vand.u32 $0x6F, v28;
	v27 =	vand.u32 $0xC00, v27;
	v29 =	vshll.u32 v26, $0x9  }
0x28: {  	v27 =	vor.u32 v27, v28;
	v60 =	vshll.u32 v26, $0x7;
	v29 =	vand.u32 $0xFFFFF000, v29  }
0x29: {  	vm0 =	vlt.u32 v26, $0x28;
	v26 =	vand.u32 $0x380, v60;
	v27 =	vor.u32 v29, v27  }
0x2a: {  	v26 =	vor.u32 v26, v27;
	_ =	sdelay $0x4  }
0x2b: {  	[tilespmem:v26+s0+$0x0] =	vst.idx.msk vm0, v15  }
0x2c: {  	v26 =	vld [tilespmem:s14+$0x0];
	_ =	sdelay $0x2  }
0x2d: {  	v27 =	vmov s13  }
0x2e: {  	v61 =	vor.u32 s13, v14;
	v27 =	vshll.u32 v27, $0x3  }
0x2f: {  	v28 =	vand.u32 $0x7F, v61;
	v27 =	vand.u32 $0xC00, v27;
	v62 =	vshll.u32 v26, $0x9  }
0x30: {  	v27 =	vor.u32 v27, v28;
	v63 =	vshll.u32 v26, $0x7;
	v29 =	vand.u32 $0xFFFFF000, v62  }
0x31: {  	s12 =	sadd.s32 $0x2, s12;
	vm15 =	vlt.u32 v26, $0x28;
	v26 =	vand.u32 $0x380, v63;
	v27 =	vor.u32 v29, v27  }
0x32: {  	p0 =	slt.u32 s12, $0x1E;
	v26 =	vor.u32 v26, v27  }
.Ltmp0:
0x33: {  	_ = 	snop;
	(pc) =	sbr.rel @p0 .LBB2_2-.Ltmp0, $2  }
0x34: {  	_ =	sdelay $0x2  }
0x35: {  	s13 =	sadd.s32 $0x20, s13;
	s14 =	sadd.s32 $0x20, s14;
	[tilespmem:v26+s0+$0x0] =	vst.idx.msk vm15, v15  }
0x36: {  	[hbm4b:s3+s7] =	stream.strided.scatter [tilespmem:s0], [sflag:$0x1], $0x5000, s8, s7, $0x38;
	[tilespmem:$0xA200] =	vst v63  }
0x37: {  	_ =	swait.ge [sflag:s6], $0x5000  }
0x38: {  	s12 =	simm.s32 $0xFFFFFFFE;
	[sflag:s6] =	ssyncset.done $0x0  }
0x39: {  	s13 =	simm.s32 $0x10;
	s14 =	simm.s32 $0x10;
	[sflag:s6] =	ssyncadd.s32 $0xFFFFB000  }
.LBB2_4:
0x3a: {  	v26 =	vld [tilespmem:s14+$0xFFFFFFF0];
	_ =	sdelay $0x2  }
0x3b: {  	s15 =	sadd.s32 $0xFFFFFFF0, s13  }
0x3c: {  	v27 =	vmov s15  }
0x3d: {  	v27 =	vshll.u32 v27, $0x3;
	v28 =	vshll.u32 v26, $0x9  }
0x3e: {  	v27 =	vand.u32 $0xC00, v27;
	v29 =	vshll.u32 v26, $0x7;
	v28 =	vand.u32 $0xFFFFF000, v28  }
0x3f: {  	v60 =	vor.u32 s15, v14;
	v29 =	vand.u32 $0x380, v29;
	v27 =	vor.u32 v27, v28  }
0x40: {  	v26 =	vadd.s32 $0xFFFFFFD8, v26;
	v28 =	vand.u32 $0x6F, v60;
	v27 =	vor.u32 v29, v27  }
0x41: {  	vm0 =	vlt.u32 v26, $0x28;
	v26 =	vor.u32 v28, v27  }
0x42: {  	v26 =	vadd.s32 $0xFFFFB000, v26;
	_ =	sdelay $0x4  }
0x43: {  	[tilespmem:v26+s1+$0x0] =	vst.idx.msk vm0, v15  }
0x44: {  	v26 =	vld [tilespmem:s14+$0x0];
	_ =	sdelay $0x3  }
0x45: {  	v27 =	vmov s13  }
0x46: {  	v27 =	vshll.u32 v27, $0x3;
	v61 =	vshll.u32 v26, $0x9  }
0x47: {  	v27 =	vand.u32 $0xC00, v27;
	v62 =	vshll.u32 v26, $0x7;
	v28 =	vand.u32 $0xFFFFF000, v61  }
0x48: {  	v63 =	vor.u32 s13, v14;
	v29 =	vand.u32 $0x380, v62;
	v27 =	vor.u32 v27, v28  }
0x49: {  	v26 =	vadd.s32 $0xFFFFFFD8, v26;
	v28 =	vand.u32 $0x7F, v63;
	v27 =	vor.u32 v29, v27  }
0x4a: {  	s12 =	sadd.s32 $0x2, s12;
	vm15 =	vlt.u32 v26, $0x28;
	v26 =	vor.u32 v28, v27  }
0x4b: {  	p0 =	slt.u32 s12, $0x1E;
	v26 =	vadd.s32 $0xFFFFB000, v26  }
.Ltmp1:
0x4c: {  	_ = 	snop;
	(pc) =	sbr.rel @p0 .LBB2_4-.Ltmp1, $2  }
0x4d: {  	_ =	sdelay $0x2  }
0x4e: {  	s13 =	sadd.s32 $0x20, s13;
	s14 =	sadd.s32 $0x20, s14;
	[tilespmem:v26+s1+$0x0] =	vst.idx.msk vm15, v15  }
0x4f: {  	s12 =	rddreg [dreg:$0x4]  }
0x50: {  	[hbm4b:s12+s7] =	stream.strided.scatter [tilespmem:s1], [sflag:$0x2], $0x5000, s8, s7, $0x38;
	[tilespmem:$0xA200] =	vst v63  }
0x51: {  	_ =	swait.ge [sflag:s9], $0x5000  }
0x52: {  	s13 =	simm.s32 $0x10;
	[sflag:s9] =	ssyncset.done $0x0  }
0x53: {  	s14 =	simm.s32 $0x10;
	s12 =	simm.s32 $0xFFFFFFFE;
	[sflag:s9] =	ssyncadd.s32 $0xFFFFB000  }
.LBB2_6:
0x54: {  	v26 =	vld [tilespmem:s14+$0xFFFFFFF0];
	_ =	sdelay $0x3  }
0x55: {  	s15 =	sadd.s32 $0xFFFFFFF0, s13  }
0x56: {  	v28 =	vor.u32 s15, v14;
	v27 =	vadd.s32 $0xFFFFFFB0, v26  }
0x57: {  	v28 =	vand.u32 $0x6F, v28;
	vm0 =	vlt.u32 v27, $0x28;
	v27 =	vmov s15  }
0x58: {  	vm1 =	vlt.u32 v26, $0x28;
	v29 =	vsel vm0, $0x7FFFB0, v17;
	v27 =	vshll.u32 v27, $0x3  }
0x59: {  	v29 =	vadd.s32 v26, v29;
	v27 =	vand.u32 $0xC00, v27;
	v26 =	vshll.u32 v26, $0x7  }
0x5a: {  	v29 =	vshll.u32 v29, $0x9;
	v26 =	vand.u32 $0x380, v26;
	v27 =	vor.u32 v27, v28  }
0x5b: {  	vm1 =	vmor vm1, vm0;
	v60 =	vand.u32 $0xFFFFF000, v29;
	v26 =	vor.u32 v26, v27  }
0x5c: {  	v26 =	vor.u32 v60, v26;
	_ =	sdelay $0x3  }
0x5d: {  	v27 =	vsel vm0, $0x3F800000, v20  }
0x5e: {  	[tilespmem:v26+s0+$0x0] =	vst.idx.msk vm1, v27  }
0x5f: {  	v26 =	vld [tilespmem:s14+$0x0];
	_ =	sdelay $0x4  }
0x60: {  	v61 =	vor.u32 s13, v14;
	v27 =	vadd.s32 $0xFFFFFFB0, v26  }
0x61: {  	v28 =	vand.u32 $0x7F, v61;
	vm14 =	vlt.u32 v27, $0x28;
	v27 =	vmov s13  }
0x62: {  	vm15 =	vlt.u32 v26, $0x28;
	v62 =	vsel vm14, $0x7FFFB0, v17;
	v27 =	vshll.u32 v27, $0x3  }
0x63: {  	v29 =	vadd.s32 v26, v62;
	v27 =	vand.u32 $0xC00, v27;
	v26 =	vshll.u32 v26, $0x7  }
0x64: {  	v29 =	vshll.u32 v29, $0x9;
	v26 =	vand.u32 $0x380, v26;
	v27 =	vor.u32 v27, v28  }
0x65: {  	s12 =	sadd.s32 $0x2, s12;
	vm1 =	vmor vm15, vm14;
	v63 =	vand.u32 $0xFFFFF000, v29;
	v26 =	vor.u32 v26, v27  }
0x66: {  	p0 =	slt.u32 s12, $0x1E;
	v26 =	vor.u32 v63, v26  }
.Ltmp2:
0x67: {  	_ = 	snop;
	(pc) =	sbr.rel @p0 .LBB2_6-.Ltmp2, $3  }
0x68: {  	_ =	sdelay $0x1  }
0x69: {  	v27 =	vsel vm14, $0x3F800000, v20  }
0x6a: {  	s14 =	sadd.s32 $0x20, s14;
	s13 =	sadd.s32 $0x20, s13;
	[tilespmem:v26+s0+$0x0] =	vst.idx.msk vm1, v27  }
0x6b: {  	s12 =	rddreg [dreg:$0x5]  }
0x6c: {  	[hbm4b:s12+s7] =	stream.strided.scatter [tilespmem:s0], [sflag:$0x1], $0x5000, s8, s7, $0x38;
	[tilespmem:$0xA200] =	vst v63  }
0x6d: {  	_ =	swait.ge [sflag:s10], $0x5000  }
0x6e: {  	s13 =	simm.s32 $0x10;
	[sflag:s10] =	ssyncset.done $0x0  }
0x6f: {  	s14 =	simm.s32 $0x10;
	s12 =	simm.s32 $0xFFFFFFFE;
	[sflag:s10] =	ssyncadd.s32 $0xFFFFB000  }
.LBB2_8:
0x70: {  	v26 =	vld [tilespmem:s14+$0xFFFFFFF0];
	_ =	sdelay $0x2  }
0x71: {  	s15 =	sadd.s32 $0xFFFFFFF0, s13  }
0x72: {  	v28 =	vmov s15  }
0x73: {  	v28 =	vshll.u32 v28, $0x3;
	v27 =	vadd.s32 $0xFFFFFF88, v26  }
0x74: {  	v28 =	vand.u32 $0xC00, v28;
	v29 =	vadd.s32 $0xFFFFFFD8, v26;
	vm0 =	vlt.u32 v27, $0x28  }
0x75: {  	v27 =	vor.u32 s15, v14;
	vm1 =	vlt.u32 v29, $0x28;
	v30 =	vsel vm0, $0x7FFF88, v0  }
0x76: {  	v27 =	vand.u32 $0x6F, v27;
	v57 =	vadd.s32 v26, v30;
	v26 =	vshll.u32 v26, $0x7  }
0x77: {  	v27 =	vor.u32 v28, v27;
	v29 =	vshll.u32 v57, $0x9;
	v26 =	vand.u32 $0x380, v26  }
0x78: {  	vm1 =	vmor vm0, vm1;
	v58 =	vand.u32 $0xFFFFF000, v29;
	v26 =	vor.u32 v26, v27  }
0x79: {  	v26 =	vor.u32 v58, v26;
	_ =	sdelay $0x3  }
0x7a: {  	v27 =	vsel vm0, $0x3F800000, v20  }
0x7b: {  	[tilespmem:v26+s1+$0x0] =	vst.idx.msk vm1, v27  }
0x7c: {  	v26 =	vld [tilespmem:s14+$0x0];
	_ =	sdelay $0x3  }
0x7d: {  	v59 =	vmov s13  }
0x7e: {  	v28 =	vshll.u32 v59, $0x3;
	v27 =	vadd.s32 $0xFFFFFF88, v26  }
0x7f: {  	v28 =	vand.u32 $0xC00, v28;
	v60 =	vadd.s32 $0xFFFFFFD8, v26;
	vm14 =	vlt.u32 v27, $0x28  }
0x80: {  	v27 =	vor.u32 s13, v14;
	vm15 =	vlt.u32 v60, $0x28;
	v61 =	vsel vm14, $0x7FFF88, v0  }
0x81: {  	v27 =	vand.u32 $0x7F, v27;
	v62 =	vadd.s32 v26, v61;
	v26 =	vshll.u32 v26, $0x7  }
0x82: {  	v27 =	vor.u32 v28, v27;
	v29 =	vshll.u32 v62, $0x9;
	v26 =	vand.u32 $0x380, v26  }
0x83: {  	s12 =	sadd.s32 $0x2, s12;
	vm1 =	vmor vm14, vm15;
	v63 =	vand.u32 $0xFFFFF000, v29;
	v26 =	vor.u32 v26, v27  }
0x84: {  	p0 =	slt.u32 s12, $0x1E;
	v26 =	vor.u32 v63, v26  }
.Ltmp3:
0x85: {  	_ = 	snop;
	(pc) =	sbr.rel @p0 .LBB2_8-.Ltmp3, $3  }
0x86: {  	_ =	sdelay $0x1  }
0x87: {  	v27 =	vsel vm14, $0x3F800000, v20  }
0x88: {  	s14 =	sadd.s32 $0x20, s14;
	s13 =	sadd.s32 $0x20, s13;
	[tilespmem:v26+s1+$0x0] =	vst.idx.msk vm1, v27  }
0x89: {  	s12 =	rddreg [dreg:$0x6]  }
0x8a: {  	[hbm4b:s12+s7] =	stream.strided.scatter [tilespmem:s1], [sflag:$0x2], $0x5000, s8, s7, $0x38;
	[tilespmem:$0xA200] =	vst v63  }
0x8b: {  	_ =	swait.ge [sflag:s9], $0x5000  }
0x8c: {  	s13 =	simm.s32 $0x10;
	[sflag:s9] =	ssyncset.done $0x0  }
0x8d: {  	s14 =	simm.s32 $0x10;
	s12 =	simm.s32 $0xFFFFFFFE;
	[sflag:s9] =	ssyncadd.s32 $0xFFFFB000  }
.LBB2_10:
0x8e: {  	v26 =	vld [tilespmem:s14+$0xFFFFFFF0];
	_ =	sdelay $0x2  }
0x8f: {  	s15 =	sadd.s32 $0xFFFFFFF0, s13  }
0x90: {  	v28 =	vmov s15  }
0x91: {  	v28 =	vshll.u32 v28, $0x3;
	v27 =	vadd.s32 $0xFFFFFF60, v26  }
0x92: {  	v28 =	vand.u32 $0xC00, v28;
	v29 =	vadd.s32 $0xFFFFFFB0, v26;
	vm0 =	vlt.u32 v27, $0x28  }
0x93: {  	v27 =	vor.u32 s15, v14;
	vm1 =	vlt.u32 v29, $0x28;
	v30 =	vsel vm0, $0x7FFF60, v1  }
0x94: {  	v27 =	vand.u32 $0x6F, v27;
	v57 =	vadd.s32 v26, v30;
	v26 =	vshll.u32 v26, $0x7  }
0x95: {  	v27 =	vor.u32 v28, v27;
	v29 =	vshll.u32 v57, $0x9;
	v26 =	vand.u32 $0x380, v26  }
0x96: {  	vm1 =	vmor vm0, vm1;
	v58 =	vand.u32 $0xFFFFF000, v29;
	v26 =	vor.u32 v26, v27  }
0x97: {  	v26 =	vor.u32 v58, v26;
	_ =	sdelay $0x3  }
0x98: {  	v27 =	vsel vm0, $0x3F800000, v20  }
0x99: {  	[tilespmem:v26+s0+$0x0] =	vst.idx.msk vm1, v27  }
0x9a: {  	v26 =	vld [tilespmem:s14+$0x0];
	_ =	sdelay $0x3  }
0x9b: {  	v59 =	vmov s13  }
0x9c: {  	v28 =	vshll.u32 v59, $0x3;
	v27 =	vadd.s32 $0xFFFFFF60, v26  }
0x9d: {  	v28 =	vand.u32 $0xC00, v28;
	v60 =	vadd.s32 $0xFFFFFFB0, v26;
	vm14 =	vlt.u32 v27, $0x28  }
0x9e: {  	v27 =	vor.u32 s13, v14;
	vm15 =	vlt.u32 v60, $0x28;
	v61 =	vsel vm14, $0x7FFF60, v1  }
0x9f: {  	v27 =	vand.u32 $0x7F, v27;
	v62 =	vadd.s32 v26, v61;
	v26 =	vshll.u32 v26, $0x7  }
0xa0: {  	v27 =	vor.u32 v28, v27;
	v29 =	vshll.u32 v62, $0x9;
	v26 =	vand.u32 $0x380, v26  }
0xa1: {  	s12 =	sadd.s32 $0x2, s12;
	vm1 =	vmor vm14, vm15;
	v63 =	vand.u32 $0xFFFFF000, v29;
	v26 =	vor.u32 v26, v27  }
0xa2: {  	p0 =	slt.u32 s12, $0x1E;
	v26 =	vor.u32 v63, v26  }
.Ltmp4:
0xa3: {  	_ = 	snop;
	(pc) =	sbr.rel @p0 .LBB2_10-.Ltmp4, $3  }
0xa4: {  	_ =	sdelay $0x1  }
0xa5: {  	v27 =	vsel vm14, $0x3F800000, v20  }
0xa6: {  	s14 =	sadd.s32 $0x20, s14;
	s13 =	sadd.s32 $0x20, s13;
	[tilespmem:v26+s0+$0x0] =	vst.idx.msk vm1, v27  }
0xa7: {  	s12 =	rddreg [dreg:$0x7]  }
0xa8: {  	[hbm4b:s12+s7] =	stream.strided.scatter [tilespmem:s0], [sflag:$0x1], $0x5000, s8, s7, $0x38;
	[tilespmem:$0xA200] =	vst v63  }
0xa9: {  	_ =	swait.ge [sflag:s10], $0x5000  }
0xaa: {  	s13 =	simm.s32 $0x10;
	[sflag:s10] =	ssyncset.done $0x0  }
0xab: {  	s14 =	simm.s32 $0x10;
	s12 =	simm.s32 $0xFFFFFFFE;
	[sflag:s10] =	ssyncadd.s32 $0xFFFFB000  }
.LBB2_12:
0xac: {  	v26 =	vld [tilespmem:s14+$0xFFFFFFF0];
	_ =	sdelay $0x2  }
0xad: {  	s15 =	sadd.s32 $0xFFFFFFF0, s13  }
0xae: {  	v28 =	vmov s15  }
0xaf: {  	v28 =	vshll.u32 v28, $0x3;
	v27 =	vadd.s32 $0xFFFFFF38, v26  }
0xb0: {  	v28 =	vand.u32 $0xC00, v28;
	v29 =	vadd.s32 $0xFFFFFF88, v26;
	vm0 =	vlt.u32 v27, $0x28  }
0xb1: {  	v27 =	vor.u32 s15, v14;
	vm1 =	vlt.u32 v29, $0x28;
	v30 =	vsel vm0, $0x7FFF38, v2  }
0xb2: {  	v27 =	vand.u32 $0x6F, v27;
	v57 =	vadd.s32 v26, v30;
	v26 =	vshll.u32 v26, $0x7  }
0xb3: {  	v27 =	vor.u32 v28, v27;
	v29 =	vshll.u32 v57, $0x9;
	v26 =	vand.u32 $0x380, v26  }
0xb4: {  	vm1 =	vmor vm0, vm1;
	v58 =	vand.u32 $0xFFFFF000, v29;
	v26 =	vor.u32 v26, v27  }
0xb5: {  	v26 =	vor.u32 v58, v26;
	_ =	sdelay $0x3  }
0xb6: {  	v27 =	vsel vm0, $0x3F800000, v20  }
0xb7: {  	[tilespmem:v26+s1+$0x0] =	vst.idx.msk vm1, v27  }
0xb8: {  	v26 =	vld [tilespmem:s14+$0x0];
	_ =	sdelay $0x3  }
0xb9: {  	v59 =	vmov s13  }
0xba: {  	v28 =	vshll.u32 v59, $0x3;
	v27 =	vadd.s32 $0xFFFFFF38, v26  }
0xbb: {  	v28 =	vand.u32 $0xC00, v28;
	v60 =	vadd.s32 $0xFFFFFF88, v26;
	vm14 =	vlt.u32 v27, $0x28  }
0xbc: {  	v27 =	vor.u32 s13, v14;
	vm15 =	vlt.u32 v60, $0x28;
	v61 =	vsel vm14, $0x7FFF38, v2  }
0xbd: {  	v27 =	vand.u32 $0x7F, v27;
	v62 =	vadd.s32 v26, v61;
	v26 =	vshll.u32 v26, $0x7  }
0xbe: {  	v27 =	vor.u32 v28, v27;
	v29 =	vshll.u32 v62, $0x9;
	v26 =	vand.u32 $0x380, v26  }
0xbf: {  	s12 =	sadd.s32 $0x2, s12;
	vm1 =	vmor vm14, vm15;
	v63 =	vand.u32 $0xFFFFF000, v29;
	v26 =	vor.u32 v26, v27  }
0xc0: {  	p0 =	slt.u32 s12, $0x1E;
	v26 =	vor.u32 v63, v26  }
.Ltmp5:
0xc1: {  	_ = 	snop;
	(pc) =	sbr.rel @p0 .LBB2_12-.Ltmp5, $3  }
0xc2: {  	_ =	sdelay $0x1  }
0xc3: {  	v27 =	vsel vm14, $0x3F800000, v20  }
0xc4: {  	s14 =	sadd.s32 $0x20, s14;
	s13 =	sadd.s32 $0x20, s13;
	[tilespmem:v26+s1+$0x0] =	vst.idx.msk vm1, v27  }
0xc5: {  	s12 =	rddreg [dreg:$0x8]  }
0xc6: {  	[hbm4b:s12+s7] =	stream.strided.scatter [tilespmem:s1], [sflag:$0x2], $0x5000, s8, s7, $0x38;
	[tilespmem:$0xA200] =	vst v63  }
0xc7: {  	_ =	swait.ge [sflag:s9], $0x5000  }
0xc8: {  	s13 =	simm.s32 $0x10;
	[sflag:s9] =	ssyncset.done $0x0  }
0xc9: {  	s14 =	simm.s32 $0x10;
	s12 =	simm.s32 $0xFFFFFFFE;
	[sflag:s9] =	ssyncadd.s32 $0xFFFFB000  }
.LBB2_14:
0xca: {  	v26 =	vld [tilespmem:s14+$0xFFFFFFF0];
	_ =	sdelay $0x2  }
0xcb: {  	s15 =	sadd.s32 $0xFFFFFFF0, s13  }
0xcc: {  	v28 =	vmov s15  }
0xcd: {  	v28 =	vshll.u32 v28, $0x3;
	v27 =	vadd.s32 $0xFFFFFF10, v26  }
0xce: {  	v28 =	vand.u32 $0xC00, v28;
	v29 =	vadd.s32 $0xFFFFFF60, v26;
	vm0 =	vlt.u32 v27, $0x28  }
0xcf: {  	v27 =	vor.u32 s15, v14;
	vm1 =	vlt.u32 v29, $0x28;
	v30 =	vsel vm0, $0x7FFF10, v3  }
0xd0: {  	v27 =	vand.u32 $0x6F, v27;
	v57 =	vadd.s32 v26, v30;
	v26 =	vshll.u32 v26, $0x7  }
0xd1: {  	v27 =	vor.u32 v28, v27;
	v29 =	vshll.u32 v57, $0x9;
	v26 =	vand.u32 $0x380, v26  }
0xd2: {  	vm1 =	vmor vm0, vm1;
	v58 =	vand.u32 $0xFFFFF000, v29;
	v26 =	vor.u32 v26, v27  }
0xd3: {  	v26 =	vor.u32 v58, v26;
	_ =	sdelay $0x3  }
0xd4: {  	v27 =	vsel vm0, $0x3F800000, v20  }
0xd5: {  	[tilespmem:v26+s0+$0x0] =	vst.idx.msk vm1, v27  }
0xd6: {  	v26 =	vld [tilespmem:s14+$0x0];
	_ =	sdelay $0x3  }
0xd7: {  	v59 =	vmov s13  }
0xd8: {  	v28 =	vshll.u32 v59, $0x3;
	v27 =	vadd.s32 $0xFFFFFF10, v26  }
0xd9: {  	v28 =	vand.u32 $0xC00, v28;
	v60 =	vadd.s32 $0xFFFFFF60, v26;
	vm14 =	vlt.u32 v27, $0x28  }
0xda: {  	v27 =	vor.u32 s13, v14;
	vm15 =	vlt.u32 v60, $0x28;
	v61 =	vsel vm14, $0x7FFF10, v3  }
0xdb: {  	v27 =	vand.u32 $0x7F, v27;
	v62 =	vadd.s32 v26, v61;
	v26 =	vshll.u32 v26, $0x7  }
0xdc: {  	v27 =	vor.u32 v28, v27;
	v29 =	vshll.u32 v62, $0x9;
	v26 =	vand.u32 $0x380, v26  }
0xdd: {  	s12 =	sadd.s32 $0x2, s12;
	vm1 =	vmor vm14, vm15;
	v63 =	vand.u32 $0xFFFFF000, v29;
	v26 =	vor.u32 v26, v27  }
0xde: {  	p0 =	slt.u32 s12, $0x1E;
	v26 =	vor.u32 v63, v26  }
.Ltmp6:
0xdf: {  	_ = 	snop;
	(pc) =	sbr.rel @p0 .LBB2_14-.Ltmp6, $3  }
0xe0: {  	_ =	sdelay $0x1  }
0xe1: {  	v27 =	vsel vm14, $0x3F800000, v20  }
0xe2: {  	s14 =	sadd.s32 $0x20, s14;
	s13 =	sadd.s32 $0x20, s13;
	[tilespmem:v26+s0+$0x0] =	vst.idx.msk vm1, v27  }
0xe3: {  	s12 =	rddreg [dreg:$0x9]  }
0xe4: {  	[hbm4b:s12+s7] =	stream.strided.scatter [tilespmem:s0], [sflag:$0x1], $0x5000, s8, s7, $0x38;
	[tilespmem:$0xA200] =	vst v63  }
0xe5: {  	_ =	swait.ge [sflag:s10], $0x5000  }
0xe6: {  	s13 =	simm.s32 $0x10;
	[sflag:s10] =	ssyncset.done $0x0  }
0xe7: {  	s14 =	simm.s32 $0x10;
	s12 =	simm.s32 $0xFFFFFFFE;
	[sflag:s10] =	ssyncadd.s32 $0xFFFFB000  }
.LBB2_16:
0xe8: {  	v26 =	vld [tilespmem:s14+$0xFFFFFFF0];
	_ =	sdelay $0x2  }
0xe9: {  	s15 =	sadd.s32 $0xFFFFFFF0, s13  }
0xea: {  	v28 =	vmov s15  }
0xeb: {  	v28 =	vshll.u32 v28, $0x3;
	v27 =	vadd.s32 $0xFFFFFEE8, v26  }
0xec: {  	v28 =	vand.u32 $0xC00, v28;
	v29 =	vadd.s32 $0xFFFFFF38, v26;
	vm0 =	vlt.u32 v27, $0x28  }
0xed: {  	v27 =	vor.u32 s15, v14;
	vm1 =	vlt.u32 v29, $0x28;
	v30 =	vsel vm0, $0x7FFEE8, v4  }
0xee: {  	v27 =	vand.u32 $0x6F, v27;
	v57 =	vadd.s32 v26, v30;
	v26 =	vshll.u32 v26, $0x7  }
0xef: {  	v27 =	vor.u32 v28, v27;
	v29 =	vshll.u32 v57, $0x9;
	v26 =	vand.u32 $0x380, v26  }
0xf0: {  	vm1 =	vmor vm0, vm1;
	v58 =	vand.u32 $0xFFFFF000, v29;
	v26 =	vor.u32 v26, v27  }
0xf1: {  	v26 =	vor.u32 v58, v26;
	_ =	sdelay $0x3  }
0xf2: {  	v27 =	vsel vm0, $0x3F800000, v20  }
0xf3: {  	[tilespmem:v26+s1+$0x0] =	vst.idx.msk vm1, v27  }
0xf4: {  	v26 =	vld [tilespmem:s14+$0x0];
	_ =	sdelay $0x3  }
0xf5: {  	v59 =	vmov s13  }
0xf6: {  	v28 =	vshll.u32 v59, $0x3;
	v27 =	vadd.s32 $0xFFFFFEE8, v26  }
0xf7: {  	v28 =	vand.u32 $0xC00, v28;
	v60 =	vadd.s32 $0xFFFFFF38, v26;
	vm14 =	vlt.u32 v27, $0x28  }
0xf8: {  	v27 =	vor.u32 s13, v14;
	vm15 =	vlt.u32 v60, $0x28;
	v61 =	vsel vm14, $0x7FFEE8, v4  }
0xf9: {  	v27 =	vand.u32 $0x7F, v27;
	v62 =	vadd.s32 v26, v61;
	v26 =	vshll.u32 v26, $0x7  }
0xfa: {  	v27 =	vor.u32 v28, v27;
	v29 =	vshll.u32 v62, $0x9;
	v26 =	vand.u32 $0x380, v26  }
0xfb: {  	s12 =	sadd.s32 $0x2, s12;
	vm1 =	vmor vm14, vm15;
	v63 =	vand.u32 $0xFFFFF000, v29;
	v26 =	vor.u32 v26, v27  }
0xfc: {  	p0 =	slt.u32 s12, $0x1E;
	v26 =	vor.u32 v63, v26  }
.Ltmp7:
0xfd: {  	_ = 	snop;
	(pc) =	sbr.rel @p0 .LBB2_16-.Ltmp7, $3  }
0xfe: {  	_ =	sdelay $0x1  }
0xff: {  	v27 =	vsel vm14, $0x3F800000, v20  }
0x100: {  	s14 =	sadd.s32 $0x20, s14;
	s13 =	sadd.s32 $0x20, s13;
	[tilespmem:v26+s1+$0x0] =	vst.idx.msk vm1, v27  }
0x101: {  	s12 =	rddreg [dreg:$0xa]  }
0x102: {  	[hbm4b:s12+s7] =	stream.strided.scatter [tilespmem:s1], [sflag:$0x2], $0x5000, s8, s7, $0x38;
	[tilespmem:$0xA200] =	vst v63  }
0x103: {  	_ =	swait.ge [sflag:s9], $0x5000  }
0x104: {  	s13 =	simm.s32 $0x10;
	[sflag:s9] =	ssyncset.done $0x0  }
0x105: {  	s14 =	simm.s32 $0x10;
	s12 =	simm.s32 $0xFFFFFFFE;
	[sflag:s9] =	ssyncadd.s32 $0xFFFFB000  }
.LBB2_18:
0x106: {  	v26 =	vld [tilespmem:s14+$0xFFFFFFF0];
	_ =	sdelay $0x2  }
0x107: {  	s15 =	sadd.s32 $0xFFFFFFF0, s13  }
0x108: {  	v28 =	vmov s15  }
0x109: {  	v28 =	vshll.u32 v28, $0x3;
	v27 =	vadd.s32 $0xFFFFFEC0, v26  }
0x10a: {  	v28 =	vand.u32 $0xC00, v28;
	v29 =	vadd.s32 $0xFFFFFF10, v26;
	vm0 =	vlt.u32 v27, $0x28  }
0x10b: {  	v27 =	vor.u32 s15, v14;
	vm1 =	vlt.u32 v29, $0x28;
	v30 =	vsel vm0, $0x7FFEC0, v5  }
0x10c: {  	v27 =	vand.u32 $0x6F, v27;
	v57 =	vadd.s32 v26, v30;
	v26 =	vshll.u32 v26, $0x7  }
0x10d: {  	v27 =	vor.u32 v28, v27;
	v29 =	vshll.u32 v57, $0x9;
	v26 =	vand.u32 $0x380, v26  }
0x10e: {  	vm1 =	vmor vm0, vm1;
	v58 =	vand.u32 $0xFFFFF000, v29;
	v26 =	vor.u32 v26, v27  }
0x10f: {  	v26 =	vor.u32 v58, v26;
	_ =	sdelay $0x3  }
0x110: {  	v27 =	vsel vm0, $0x3F800000, v20  }
0x111: {  	[tilespmem:v26+s0+$0x0] =	vst.idx.msk vm1, v27  }
0x112: {  	v26 =	vld [tilespmem:s14+$0x0];
	_ =	sdelay $0x3  }
0x113: {  	v59 =	vmov s13  }
0x114: {  	v28 =	vshll.u32 v59, $0x3;
	v27 =	vadd.s32 $0xFFFFFEC0, v26  }
0x115: {  	v28 =	vand.u32 $0xC00, v28;
	v60 =	vadd.s32 $0xFFFFFF10, v26;
	vm14 =	vlt.u32 v27, $0x28  }
0x116: {  	v27 =	vor.u32 s13, v14;
	vm15 =	vlt.u32 v60, $0x28;
	v61 =	vsel vm14, $0x7FFEC0, v5  }
0x117: {  	v27 =	vand.u32 $0x7F, v27;
	v62 =	vadd.s32 v26, v61;
	v26 =	vshll.u32 v26, $0x7  }
0x118: {  	v27 =	vor.u32 v28, v27;
	v29 =	vshll.u32 v62, $0x9;
	v26 =	vand.u32 $0x380, v26  }
0x119: {  	s12 =	sadd.s32 $0x2, s12;
	vm1 =	vmor vm14, vm15;
	v63 =	vand.u32 $0xFFFFF000, v29;
	v26 =	vor.u32 v26, v27  }
0x11a: {  	p0 =	slt.u32 s12, $0x1E;
	v26 =	vor.u32 v63, v26  }
.Ltmp8:
0x11b: {  	_ = 	snop;
	(pc) =	sbr.rel @p0 .LBB2_18-.Ltmp8, $3  }
0x11c: {  	_ =	sdelay $0x1  }
0x11d: {  	v27 =	vsel vm14, $0x3F800000, v20  }
0x11e: {  	s14 =	sadd.s32 $0x20, s14;
	s13 =	sadd.s32 $0x20, s13;
	[tilespmem:v26+s0+$0x0] =	vst.idx.msk vm1, v27  }
0x11f: {  	s12 =	rddreg [dreg:$0xb]  }
0x120: {  	[hbm4b:s12+s7] =	stream.strided.scatter [tilespmem:s0], [sflag:$0x1], $0x5000, s8, s7, $0x38;
	[tilespmem:$0xA200] =	vst v63  }
0x121: {  	_ =	swait.ge [sflag:s10], $0x5000  }
0x122: {  	s13 =	simm.s32 $0x10;
	[sflag:s10] =	ssyncset.done $0x0  }
0x123: {  	s14 =	simm.s32 $0x10;
	s12 =	simm.s32 $0xFFFFFFFE;
	[sflag:s10] =	ssyncadd.s32 $0xFFFFB000  }
.LBB2_20:
0x124: {  	v26 =	vld [tilespmem:s14+$0xFFFFFFF0];
	_ =	sdelay $0x2  }
0x125: {  	s15 =	sadd.s32 $0xFFFFFFF0, s13  }
0x126: {  	v28 =	vmov s15  }
0x127: {  	v28 =	vshll.u32 v28, $0x3;
	v27 =	vadd.s32 $0xFFFFFE98, v26  }
0x128: {  	v28 =	vand.u32 $0xC00, v28;
	v29 =	vadd.s32 $0xFFFFFEE8, v26;
	vm0 =	vlt.u32 v27, $0x28  }
0x129: {  	v27 =	vor.u32 s15, v14;
	vm1 =	vlt.u32 v29, $0x28;
	v30 =	vsel vm0, $0x7FFE98, v6  }
0x12a: {  	v27 =	vand.u32 $0x6F, v27;
	v57 =	vadd.s32 v26, v30;
	v26 =	vshll.u32 v26, $0x7  }
0x12b: {  	v27 =	vor.u32 v28, v27;
	v29 =	vshll.u32 v57, $0x9;
	v26 =	vand.u32 $0x380, v26  }
0x12c: {  	vm1 =	vmor vm0, vm1;
	v58 =	vand.u32 $0xFFFFF000, v29;
	v26 =	vor.u32 v26, v27  }
0x12d: {  	v26 =	vor.u32 v58, v26;
	_ =	sdelay $0x3  }
0x12e: {  	v27 =	vsel vm0, $0x3F800000, v20  }
0x12f: {  	[tilespmem:v26+s1+$0x0] =	vst.idx.msk vm1, v27  }
0x130: {  	v26 =	vld [tilespmem:s14+$0x0];
	_ =	sdelay $0x3  }
0x131: {  	v59 =	vmov s13  }
0x132: {  	v28 =	vshll.u32 v59, $0x3;
	v27 =	vadd.s32 $0xFFFFFE98, v26  }
0x133: {  	v28 =	vand.u32 $0xC00, v28;
	v60 =	vadd.s32 $0xFFFFFEE8, v26;
	vm14 =	vlt.u32 v27, $0x28  }
0x134: {  	v27 =	vor.u32 s13, v14;
	vm15 =	vlt.u32 v60, $0x28;
	v61 =	vsel vm14, $0x7FFE98, v6  }
0x135: {  	v27 =	vand.u32 $0x7F, v27;
	v62 =	vadd.s32 v26, v61;
	v26 =	vshll.u32 v26, $0x7  }
0x136: {  	v27 =	vor.u32 v28, v27;
	v29 =	vshll.u32 v62, $0x9;
	v26 =	vand.u32 $0x380, v26  }
0x137: {  	s12 =	sadd.s32 $0x2, s12;
	vm1 =	vmor vm14, vm15;
	v63 =	vand.u32 $0xFFFFF000, v29;
	v26 =	vor.u32 v26, v27  }
0x138: {  	p0 =	slt.u32 s12, $0x1E;
	v26 =	vor.u32 v63, v26  }
.Ltmp9:
0x139: {  	_ = 	snop;
	(pc) =	sbr.rel @p0 .LBB2_20-.Ltmp9, $3  }
0x13a: {  	_ =	sdelay $0x1  }
0x13b: {  	v27 =	vsel vm14, $0x3F800000, v20  }
0x13c: {  	s14 =	sadd.s32 $0x20, s14;
	s13 =	sadd.s32 $0x20, s13;
	[tilespmem:v26+s1+$0x0] =	vst.idx.msk vm1, v27  }
0x13d: {  	s12 =	rddreg [dreg:$0xc]  }
0x13e: {  	[hbm4b:s12+s7] =	stream.strided.scatter [tilespmem:s1], [sflag:$0x2], $0x5000, s8, s7, $0x38;
	[tilespmem:$0xA200] =	vst v63  }
0x13f: {  	_ =	swait.ge [sflag:s9], $0x5000  }
0x140: {  	s13 =	simm.s32 $0x10;
	[sflag:s9] =	ssyncset.done $0x0  }
0x141: {  	s14 =	simm.s32 $0x10;
	s12 =	simm.s32 $0xFFFFFFFE;
	[sflag:s9] =	ssyncadd.s32 $0xFFFFB000  }
.LBB2_22:
0x142: {  	v26 =	vld [tilespmem:s14+$0xFFFFFFF0];
	_ =	sdelay $0x2  }
0x143: {  	s15 =	sadd.s32 $0xFFFFFFF0, s13  }
0x144: {  	v28 =	vmov s15  }
0x145: {  	v28 =	vshll.u32 v28, $0x3;
	v27 =	vadd.s32 $0xFFFFFE70, v26  }
0x146: {  	v28 =	vand.u32 $0xC00, v28;
	v29 =	vadd.s32 $0xFFFFFEC0, v26;
	vm0 =	vlt.u32 v27, $0x28  }
0x147: {  	v27 =	vor.u32 s15, v14;
	vm1 =	vlt.u32 v29, $0x28;
	v30 =	vsel vm0, $0x7FFE70, v7  }
0x148: {  	v27 =	vand.u32 $0x6F, v27;
	v57 =	vadd.s32 v26, v30;
	v26 =	vshll.u32 v26, $0x7  }
0x149: {  	v27 =	vor.u32 v28, v27;
	v29 =	vshll.u32 v57, $0x9;
	v26 =	vand.u32 $0x380, v26  }
0x14a: {  	vm1 =	vmor vm0, vm1;
	v58 =	vand.u32 $0xFFFFF000, v29;
	v26 =	vor.u32 v26, v27  }
0x14b: {  	v26 =	vor.u32 v58, v26;
	_ =	sdelay $0x3  }
0x14c: {  	v27 =	vsel vm0, $0x3F800000, v20  }
0x14d: {  	[tilespmem:v26+s0+$0x0] =	vst.idx.msk vm1, v27  }
0x14e: {  	v26 =	vld [tilespmem:s14+$0x0];
	_ =	sdelay $0x3  }
0x14f: {  	v59 =	vmov s13  }
0x150: {  	v28 =	vshll.u32 v59, $0x3;
	v27 =	vadd.s32 $0xFFFFFE70, v26  }
0x151: {  	v28 =	vand.u32 $0xC00, v28;
	v60 =	vadd.s32 $0xFFFFFEC0, v26;
	vm14 =	vlt.u32 v27, $0x28  }
0x152: {  	v27 =	vor.u32 s13, v14;
	vm15 =	vlt.u32 v60, $0x28;
	v61 =	vsel vm14, $0x7FFE70, v7  }
0x153: {  	v27 =	vand.u32 $0x7F, v27;
	v62 =	vadd.s32 v26, v61;
	v26 =	vshll.u32 v26, $0x7  }
0x154: {  	v27 =	vor.u32 v28, v27;
	v29 =	vshll.u32 v62, $0x9;
	v26 =	vand.u32 $0x380, v26  }
0x155: {  	s12 =	sadd.s32 $0x2, s12;
	vm1 =	vmor vm14, vm15;
	v63 =	vand.u32 $0xFFFFF000, v29;
	v26 =	vor.u32 v26, v27  }
0x156: {  	p0 =	slt.u32 s12, $0x1E;
	v26 =	vor.u32 v63, v26  }
.Ltmp10:
0x157: {  	_ = 	snop;
	(pc) =	sbr.rel @p0 .LBB2_22-.Ltmp10, $3  }
0x158: {  	_ =	sdelay $0x1  }
0x159: {  	v27 =	vsel vm14, $0x3F800000, v20  }
0x15a: {  	s14 =	sadd.s32 $0x20, s14;
	s13 =	sadd.s32 $0x20, s13;
	[tilespmem:v26+s0+$0x0] =	vst.idx.msk vm1, v27  }
0x15b: {  	s12 =	rddreg [dreg:$0xd]  }
0x15c: {  	[hbm4b:s12+s7] =	stream.strided.scatter [tilespmem:s0], [sflag:$0x1], $0x5000, s8, s7, $0x38;
	[tilespmem:$0xA200] =	vst v63  }
0x15d: {  	_ =	swait.ge [sflag:s10], $0x5000  }
0x15e: {  	s13 =	simm.s32 $0x10;
	[sflag:s10] =	ssyncset.done $0x0  }
0x15f: {  	s14 =	simm.s32 $0x10;
	s12 =	simm.s32 $0xFFFFFFFE;
	[sflag:s10] =	ssyncadd.s32 $0xFFFFB000  }
.LBB2_24:
0x160: {  	v26 =	vld [tilespmem:s14+$0xFFFFFFF0];
	_ =	sdelay $0x2  }
0x161: {  	s15 =	sadd.s32 $0xFFFFFFF0, s13  }
0x162: {  	v28 =	vmov s15  }
0x163: {  	v28 =	vshll.u32 v28, $0x3;
	v27 =	vadd.s32 $0xFFFFFE48, v26  }
0x164: {  	v28 =	vand.u32 $0xC00, v28;
	v29 =	vadd.s32 $0xFFFFFE98, v26;
	vm0 =	vlt.u32 v27, $0x28  }
0x165: {  	v27 =	vor.u32 s15, v14;
	vm1 =	vlt.u32 v29, $0x28;
	v30 =	vsel vm0, $0x7FFE48, v8  }
0x166: {  	v27 =	vand.u32 $0x6F, v27;
	v57 =	vadd.s32 v26, v30;
	v26 =	vshll.u32 v26, $0x7  }
0x167: {  	v27 =	vor.u32 v28, v27;
	v29 =	vshll.u32 v57, $0x9;
	v26 =	vand.u32 $0x380, v26  }
0x168: {  	vm1 =	vmor vm0, vm1;
	v58 =	vand.u32 $0xFFFFF000, v29;
	v26 =	vor.u32 v26, v27  }
0x169: {  	v26 =	vor.u32 v58, v26;
	_ =	sdelay $0x3  }
0x16a: {  	v27 =	vsel vm0, $0x3F800000, v20  }
0x16b: {  	[tilespmem:v26+s1+$0x0] =	vst.idx.msk vm1, v27  }
0x16c: {  	v26 =	vld [tilespmem:s14+$0x0];
	_ =	sdelay $0x3  }
0x16d: {  	v59 =	vmov s13  }
0x16e: {  	v28 =	vshll.u32 v59, $0x3;
	v27 =	vadd.s32 $0xFFFFFE48, v26  }
0x16f: {  	v28 =	vand.u32 $0xC00, v28;
	v60 =	vadd.s32 $0xFFFFFE98, v26;
	vm14 =	vlt.u32 v27, $0x28  }
0x170: {  	v27 =	vor.u32 s13, v14;
	vm15 =	vlt.u32 v60, $0x28;
	v61 =	vsel vm14, $0x7FFE48, v8  }
0x171: {  	v27 =	vand.u32 $0x7F, v27;
	v62 =	vadd.s32 v26, v61;
	v26 =	vshll.u32 v26, $0x7  }
0x172: {  	v27 =	vor.u32 v28, v27;
	v29 =	vshll.u32 v62, $0x9;
	v26 =	vand.u32 $0x380, v26  }
0x173: {  	s12 =	sadd.s32 $0x2, s12;
	vm1 =	vmor vm14, vm15;
	v63 =	vand.u32 $0xFFFFF000, v29;
	v26 =	vor.u32 v26, v27  }
0x174: {  	p0 =	slt.u32 s12, $0x1E;
	v26 =	vor.u32 v63, v26  }
.Ltmp11:
0x175: {  	_ = 	snop;
	(pc) =	sbr.rel @p0 .LBB2_24-.Ltmp11, $3  }
0x176: {  	_ =	sdelay $0x1  }
0x177: {  	v27 =	vsel vm14, $0x3F800000, v20  }
0x178: {  	s14 =	sadd.s32 $0x20, s14;
	s13 =	sadd.s32 $0x20, s13;
	[tilespmem:v26+s1+$0x0] =	vst.idx.msk vm1, v27  }
0x179: {  	s12 =	rddreg [dreg:$0xe]  }
0x17a: {  	[hbm4b:s12+s7] =	stream.strided.scatter [tilespmem:s1], [sflag:$0x2], $0x5000, s8, s7, $0x38;
	[tilespmem:$0xA200] =	vst v63  }
0x17b: {  	_ =	swait.ge [sflag:s9], $0x5000  }
0x17c: {  	s13 =	simm.s32 $0x10;
	[sflag:s9] =	ssyncset.done $0x0  }
0x17d: {  	s14 =	simm.s32 $0x10;
	s12 =	simm.s32 $0xFFFFFFFE;
	[sflag:s9] =	ssyncadd.s32 $0xFFFFB000  }
.LBB2_26:
0x17e: {  	v26 =	vld [tilespmem:s14+$0xFFFFFFF0];
	_ =	sdelay $0x2  }
0x17f: {  	s15 =	sadd.s32 $0xFFFFFFF0, s13  }
0x180: {  	v28 =	vmov s15  }
0x181: {  	v28 =	vshll.u32 v28, $0x3;
	v27 =	vadd.s32 $0xFFFFFE20, v26  }
0x182: {  	v28 =	vand.u32 $0xC00, v28;
	v29 =	vadd.s32 $0xFFFFFE70, v26;
	vm0 =	vlt.u32 v27, $0x28  }
0x183: {  	v27 =	vor.u32 s15, v14;
	vm1 =	vlt.u32 v29, $0x28;
	v30 =	vsel vm0, $0x7FFE20, v9  }
0x184: {  	v27 =	vand.u32 $0x6F, v27;
	v57 =	vadd.s32 v26, v30;
	v26 =	vshll.u32 v26, $0x7  }
0x185: {  	v27 =	vor.u32 v28, v27;
	v29 =	vshll.u32 v57, $0x9;
	v26 =	vand.u32 $0x380, v26  }
0x186: {  	vm1 =	vmor vm0, vm1;
	v58 =	vand.u32 $0xFFFFF000, v29;
	v26 =	vor.u32 v26, v27  }
0x187: {  	v26 =	vor.u32 v58, v26;
	_ =	sdelay $0x3  }
0x188: {  	v27 =	vsel vm0, $0x3F800000, v20  }
0x189: {  	[tilespmem:v26+s0+$0x0] =	vst.idx.msk vm1, v27  }
0x18a: {  	v26 =	vld [tilespmem:s14+$0x0];
	_ =	sdelay $0x3  }
0x18b: {  	v59 =	vmov s13  }
0x18c: {  	v28 =	vshll.u32 v59, $0x3;
	v27 =	vadd.s32 $0xFFFFFE20, v26  }
0x18d: {  	v28 =	vand.u32 $0xC00, v28;
	v60 =	vadd.s32 $0xFFFFFE70, v26;
	vm14 =	vlt.u32 v27, $0x28  }
0x18e: {  	v27 =	vor.u32 s13, v14;
	vm15 =	vlt.u32 v60, $0x28;
	v61 =	vsel vm14, $0x7FFE20, v9  }
0x18f: {  	v27 =	vand.u32 $0x7F, v27;
	v62 =	vadd.s32 v26, v61;
	v26 =	vshll.u32 v26, $0x7  }
0x190: {  	v27 =	vor.u32 v28, v27;
	v29 =	vshll.u32 v62, $0x9;
	v26 =	vand.u32 $0x380, v26  }
0x191: {  	s12 =	sadd.s32 $0x2, s12;
	vm1 =	vmor vm14, vm15;
	v63 =	vand.u32 $0xFFFFF000, v29;
	v26 =	vor.u32 v26, v27  }
0x192: {  	p0 =	slt.u32 s12, $0x1E;
	v26 =	vor.u32 v63, v26  }
.Ltmp12:
0x193: {  	_ = 	snop;
	(pc) =	sbr.rel @p0 .LBB2_26-.Ltmp12, $3  }
0x194: {  	_ =	sdelay $0x1  }
0x195: {  	v27 =	vsel vm14, $0x3F800000, v20  }
0x196: {  	s14 =	sadd.s32 $0x20, s14;
	s13 =	sadd.s32 $0x20, s13;
	[tilespmem:v26+s0+$0x0] =	vst.idx.msk vm1, v27  }
0x197: {  	[hbm4b:s16+s7] =	stream.strided.scatter [tilespmem:s0], [sflag:$0x1], $0x5000, s8, s7, $0x38;
	[tilespmem:$0xA200] =	vst v63  }
0x198: {  	_ =	swait.ge [sflag:s10], $0x5000  }
0x199: {  	s12 =	simm.s32 $0xFFFFFFFE;
	[sflag:s10] =	ssyncset.done $0x0  }
0x19a: {  	s13 =	simm.s32 $0x10;
	s14 =	simm.s32 $0x10;
	[sflag:s10] =	ssyncadd.s32 $0xFFFFB000  }
.LBB2_28:
0x19b: {  	v26 =	vld [tilespmem:s14+$0xFFFFFFF0];
	_ =	sdelay $0x2  }
0x19c: {  	s15 =	sadd.s32 $0xFFFFFFF0, s13  }
0x19d: {  	v28 =	vmov s15  }
0x19e: {  	v28 =	vshll.u32 v28, $0x3;
	v27 =	vadd.s32 $0xFFFFFDF8, v26  }
0x19f: {  	v28 =	vand.u32 $0xC00, v28;
	v29 =	vadd.s32 $0xFFFFFE48, v26;
	vm0 =	vlt.u32 v27, $0x28  }
0x1a0: {  	v27 =	vor.u32 s15, v14;
	vm1 =	vlt.u32 v29, $0x28;
	v30 =	vsel vm0, $0x7FFDF8, v10  }
0x1a1: {  	v27 =	vand.u32 $0x6F, v27;
	v57 =	vadd.s32 v26, v30;
	v26 =	vshll.u32 v26, $0x7  }
0x1a2: {  	v27 =	vor.u32 v28, v27;
	v29 =	vshll.u32 v57, $0x9;
	v26 =	vand.u32 $0x380, v26  }
0x1a3: {  	vm1 =	vmor vm0, vm1;
	v58 =	vand.u32 $0xFFFFF000, v29;
	v26 =	vor.u32 v26, v27  }
0x1a4: {  	v26 =	vor.u32 v58, v26;
	_ =	sdelay $0x3  }
0x1a5: {  	v27 =	vsel vm0, $0x3F800000, v20  }
0x1a6: {  	[tilespmem:v26+s1+$0x0] =	vst.idx.msk vm1, v27  }
0x1a7: {  	v26 =	vld [tilespmem:s14+$0x0];
	_ =	sdelay $0x3  }
0x1a8: {  	v59 =	vmov s13  }
0x1a9: {  	v28 =	vshll.u32 v59, $0x3;
	v27 =	vadd.s32 $0xFFFFFDF8, v26  }
0x1aa: {  	v28 =	vand.u32 $0xC00, v28;
	v60 =	vadd.s32 $0xFFFFFE48, v26;
	vm14 =	vlt.u32 v27, $0x28  }
0x1ab: {  	v27 =	vor.u32 s13, v14;
	vm15 =	vlt.u32 v60, $0x28;
	v61 =	vsel vm14, $0x7FFDF8, v10  }
0x1ac: {  	v27 =	vand.u32 $0x7F, v27;
	v62 =	vadd.s32 v26, v61;
	v26 =	vshll.u32 v26, $0x7  }
0x1ad: {  	v27 =	vor.u32 v28, v27;
	v29 =	vshll.u32 v62, $0x9;
	v26 =	vand.u32 $0x380, v26  }
0x1ae: {  	s12 =	sadd.s32 $0x2, s12;
	vm1 =	vmor vm14, vm15;
	v63 =	vand.u32 $0xFFFFF000, v29;
	v26 =	vor.u32 v26, v27  }
0x1af: {  	p0 =	slt.u32 s12, $0x1E;
	v26 =	vor.u32 v63, v26  }
.Ltmp13:
0x1b0: {  	_ = 	snop;
	(pc) =	sbr.rel @p0 .LBB2_28-.Ltmp13, $3  }
0x1b1: {  	_ =	sdelay $0x1  }
0x1b2: {  	v27 =	vsel vm14, $0x3F800000, v20  }
0x1b3: {  	s14 =	sadd.s32 $0x20, s14;
	s13 =	sadd.s32 $0x20, s13;
	[tilespmem:v26+s1+$0x0] =	vst.idx.msk vm1, v27  }
0x1b4: {  	[hbm4b:s17+s7] =	stream.strided.scatter [tilespmem:s1], [sflag:$0x2], $0x5000, s8, s7, $0x38;
	[tilespmem:$0xA200] =	vst v63  }
0x1b5: {  	_ =	swait.ge [sflag:s9], $0x5000  }
0x1b6: {  	s12 =	simm.s32 $0xFFFFFFFE;
	[sflag:s9] =	ssyncset.done $0x0  }
0x1b7: {  	s13 =	simm.s32 $0x10;
	s14 =	simm.s32 $0x10;
	[sflag:s9] =	ssyncadd.s32 $0xFFFFB000  }
.LBB2_30:
0x1b8: {  	v26 =	vld [tilespmem:s14+$0xFFFFFFF0];
	_ =	sdelay $0x2  }
0x1b9: {  	s15 =	sadd.s32 $0xFFFFFFF0, s13  }
0x1ba: {  	v28 =	vmov s15  }
0x1bb: {  	v28 =	vshll.u32 v28, $0x3;
	v27 =	vadd.s32 $0xFFFFFDD0, v26  }
0x1bc: {  	v28 =	vand.u32 $0xC00, v28;
	v29 =	vadd.s32 $0xFFFFFE20, v26;
	vm0 =	vlt.u32 v27, $0x28  }
0x1bd: {  	v27 =	vor.u32 s15, v14;
	vm1 =	vlt.u32 v29, $0x28;
	v30 =	vsel vm0, $0x7FFDD0, v11  }
0x1be: {  	v27 =	vand.u32 $0x6F, v27;
	v57 =	vadd.s32 v26, v30;
	v26 =	vshll.u32 v26, $0x7  }
0x1bf: {  	v27 =	vor.u32 v28, v27;
	v29 =	vshll.u32 v57, $0x9;
	v26 =	vand.u32 $0x380, v26  }
0x1c0: {  	vm1 =	vmor vm0, vm1;
	v58 =	vand.u32 $0xFFFFF000, v29;
	v26 =	vor.u32 v26, v27  }
0x1c1: {  	v26 =	vor.u32 v58, v26;
	_ =	sdelay $0x3  }
0x1c2: {  	v27 =	vsel vm0, $0x3F800000, v20  }
0x1c3: {  	[tilespmem:v26+s0+$0x0] =	vst.idx.msk vm1, v27  }
0x1c4: {  	v26 =	vld [tilespmem:s14+$0x0];
	_ =	sdelay $0x3  }
0x1c5: {  	v59 =	vmov s13  }
0x1c6: {  	v28 =	vshll.u32 v59, $0x3;
	v27 =	vadd.s32 $0xFFFFFDD0, v26  }
0x1c7: {  	v28 =	vand.u32 $0xC00, v28;
	v60 =	vadd.s32 $0xFFFFFE20, v26;
	vm14 =	vlt.u32 v27, $0x28  }
0x1c8: {  	v27 =	vor.u32 s13, v14;
	vm15 =	vlt.u32 v60, $0x28;
	v61 =	vsel vm14, $0x7FFDD0, v11  }
0x1c9: {  	v27 =	vand.u32 $0x7F, v27;
	v62 =	vadd.s32 v26, v61;
	v26 =	vshll.u32 v26, $0x7  }
0x1ca: {  	v27 =	vor.u32 v28, v27;
	v29 =	vshll.u32 v62, $0x9;
	v26 =	vand.u32 $0x380, v26  }
0x1cb: {  	s12 =	sadd.s32 $0x2, s12;
	vm1 =	vmor vm14, vm15;
	v63 =	vand.u32 $0xFFFFF000, v29;
	v26 =	vor.u32 v26, v27  }
0x1cc: {  	p0 =	slt.u32 s12, $0x1E;
	v26 =	vor.u32 v63, v26  }
.Ltmp14:
0x1cd: {  	_ = 	snop;
	(pc) =	sbr.rel @p0 .LBB2_30-.Ltmp14, $3  }
0x1ce: {  	_ =	sdelay $0x1  }
0x1cf: {  	v27 =	vsel vm14, $0x3F800000, v20  }
0x1d0: {  	s14 =	sadd.s32 $0x20, s14;
	s13 =	sadd.s32 $0x20, s13;
	[tilespmem:v26+s0+$0x0] =	vst.idx.msk vm1, v27  }
0x1d1: {  	[hbm4b:s18+s7] =	stream.strided.scatter [tilespmem:s0], [sflag:$0x1], $0x5000, s8, s7, $0x38;
	[tilespmem:$0xA200] =	vst v63  }
0x1d2: {  	_ =	swait.ge [sflag:s10], $0x5000  }
0x1d3: {  	s12 =	simm.s32 $0xFFFFFFFE;
	[sflag:s10] =	ssyncset.done $0x0  }
0x1d4: {  	s13 =	simm.s32 $0x10;
	s14 =	simm.s32 $0x10;
	[sflag:s10] =	ssyncadd.s32 $0xFFFFB000  }
.LBB2_32:
0x1d5: {  	v26 =	vld [tilespmem:s14+$0xFFFFFFF0];
	_ =	sdelay $0x2  }
0x1d6: {  	s15 =	sadd.s32 $0xFFFFFFF0, s13  }
0x1d7: {  	v28 =	vmov s15  }
0x1d8: {  	v28 =	vshll.u32 v28, $0x3;
	v27 =	vadd.s32 $0xFFFFFDA8, v26  }
0x1d9: {  	v28 =	vand.u32 $0xC00, v28;
	v29 =	vadd.s32 $0xFFFFFDF8, v26;
	vm0 =	vlt.u32 v27, $0x28  }
0x1da: {  	v27 =	vor.u32 s15, v14;
	vm1 =	vlt.u32 v29, $0x28;
	v30 =	vsel vm0, $0x7FFDA8, v12  }
0x1db: {  	v27 =	vand.u32 $0x6F, v27;
	v57 =	vadd.s32 v26, v30;
	v26 =	vshll.u32 v26, $0x7  }
0x1dc: {  	v27 =	vor.u32 v28, v27;
	v29 =	vshll.u32 v57, $0x9;
	v26 =	vand.u32 $0x380, v26  }
0x1dd: {  	vm1 =	vmor vm0, vm1;
	v58 =	vand.u32 $0xFFFFF000, v29;
	v26 =	vor.u32 v26, v27  }
0x1de: {  	v26 =	vor.u32 v58, v26;
	_ =	sdelay $0x3  }
0x1df: {  	v27 =	vsel vm0, $0x3F800000, v20  }
0x1e0: {  	[tilespmem:v26+s1+$0x0] =	vst.idx.msk vm1, v27  }
0x1e1: {  	v26 =	vld [tilespmem:s14+$0x0];
	_ =	sdelay $0x3  }
0x1e2: {  	v59 =	vmov s13  }
0x1e3: {  	v28 =	vshll.u32 v59, $0x3;
	v27 =	vadd.s32 $0xFFFFFDA8, v26  }
0x1e4: {  	v28 =	vand.u32 $0xC00, v28;
	v60 =	vadd.s32 $0xFFFFFDF8, v26;
	vm14 =	vlt.u32 v27, $0x28  }
0x1e5: {  	v27 =	vor.u32 s13, v14;
	vm15 =	vlt.u32 v60, $0x28;
	v61 =	vsel vm14, $0x7FFDA8, v12  }
0x1e6: {  	v27 =	vand.u32 $0x7F, v27;
	v62 =	vadd.s32 v26, v61;
	v26 =	vshll.u32 v26, $0x7  }
0x1e7: {  	v27 =	vor.u32 v28, v27;
	v29 =	vshll.u32 v62, $0x9;
	v26 =	vand.u32 $0x380, v26  }
0x1e8: {  	s12 =	sadd.s32 $0x2, s12;
	vm1 =	vmor vm14, vm15;
	v63 =	vand.u32 $0xFFFFF000, v29;
	v26 =	vor.u32 v26, v27  }
0x1e9: {  	p0 =	slt.u32 s12, $0x1E;
	v26 =	vor.u32 v63, v26  }
.Ltmp15:
0x1ea: {  	_ = 	snop;
	(pc) =	sbr.rel @p0 .LBB2_32-.Ltmp15, $3  }
0x1eb: {  	_ =	sdelay $0x1  }
0x1ec: {  	v27 =	vsel vm14, $0x3F800000, v20  }
0x1ed: {  	s14 =	sadd.s32 $0x20, s14;
	s13 =	sadd.s32 $0x20, s13;
	[tilespmem:v26+s1+$0x0] =	vst.idx.msk vm1, v27  }
0x1ee: {  	[hbm4b:s19+s7] =	stream.strided.scatter [tilespmem:s1], [sflag:$0x2], $0x5000, s8, s7, $0x38;
	[tilespmem:$0xA200] =	vst v63  }
0x1ef: {  	_ =	swait.ge [sflag:s9], $0x5000  }
0x1f0: {  	s12 =	simm.s32 $0xFFFFFFFE;
	[sflag:s9] =	ssyncset.done $0x0  }
0x1f1: {  	s13 =	simm.s32 $0x10;
	s14 =	simm.s32 $0x10;
	[sflag:s9] =	ssyncadd.s32 $0xFFFFB000  }
.LBB2_34:
0x1f2: {  	v26 =	vld [tilespmem:s14+$0xFFFFFFF0];
	_ =	sdelay $0x2  }
0x1f3: {  	s15 =	sadd.s32 $0xFFFFFFF0, s13  }
0x1f4: {  	v28 =	vmov s15  }
0x1f5: {  	v28 =	vshll.u32 v28, $0x3;
	v27 =	vadd.s32 $0xFFFFFD80, v26  }
0x1f6: {  	v28 =	vand.u32 $0xC00, v28;
	v29 =	vadd.s32 $0xFFFFFDD0, v26;
	vm0 =	vlt.u32 v27, $0x28  }
0x1f7: {  	v27 =	vor.u32 s15, v14;
	vm1 =	vlt.u32 v29, $0x28;
	v30 =	vsel vm0, $0x7FFD80, v13  }
0x1f8: {  	v27 =	vand.u32 $0x6F, v27;
	v57 =	vadd.s32 v26, v30;
	v26 =	vshll.u32 v26, $0x7  }
0x1f9: {  	v27 =	vor.u32 v28, v27;
	v29 =	vshll.u32 v57, $0x9;
	v26 =	vand.u32 $0x380, v26  }
0x1fa: {  	vm1 =	vmor vm0, vm1;
	v58 =	vand.u32 $0xFFFFF000, v29;
	v26 =	vor.u32 v26, v27  }
0x1fb: {  	v26 =	vor.u32 v58, v26;
	_ =	sdelay $0x3  }
0x1fc: {  	v27 =	vsel vm0, $0x3F800000, v20  }
0x1fd: {  	[tilespmem:v26+s0+$0x0] =	vst.idx.msk vm1, v27  }
0x1fe: {  	v26 =	vld [tilespmem:s14+$0x0];
	_ =	sdelay $0x3  }
0x1ff: {  	v59 =	vmov s13  }
0x200: {  	v28 =	vshll.u32 v59, $0x3;
	v27 =	vadd.s32 $0xFFFFFD80, v26  }
0x201: {  	v28 =	vand.u32 $0xC00, v28;
	v60 =	vadd.s32 $0xFFFFFDD0, v26;
	vm14 =	vlt.u32 v27, $0x28  }
0x202: {  	v27 =	vor.u32 s13, v14;
	vm15 =	vlt.u32 v60, $0x28;
	v61 =	vsel vm14, $0x7FFD80, v13  }
0x203: {  	v27 =	vand.u32 $0x7F, v27;
	v62 =	vadd.s32 v26, v61;
	v26 =	vshll.u32 v26, $0x7  }
0x204: {  	v27 =	vor.u32 v28, v27;
	v29 =	vshll.u32 v62, $0x9;
	v26 =	vand.u32 $0x380, v26  }
0x205: {  	s12 =	sadd.s32 $0x2, s12;
	vm1 =	vmor vm14, vm15;
	v63 =	vand.u32 $0xFFFFF000, v29;
	v26 =	vor.u32 v26, v27  }
0x206: {  	p0 =	slt.u32 s12, $0x1E;
	v26 =	vor.u32 v63, v26  }
.Ltmp16:
0x207: {  	_ = 	snop;
	(pc) =	sbr.rel @p0 .LBB2_34-.Ltmp16, $3  }
0x208: {  	_ =	sdelay $0x1  }
0x209: {  	v27 =	vsel vm14, $0x3F800000, v20  }
0x20a: {  	s14 =	sadd.s32 $0x20, s14;
	s13 =	sadd.s32 $0x20, s13;
	[tilespmem:v26+s0+$0x0] =	vst.idx.msk vm1, v27  }
0x20b: {  	[hbm4b:s20+s7] =	stream.strided.scatter [tilespmem:s0], [sflag:$0x1], $0x5000, s8, s7, $0x38;
	[tilespmem:$0xA200] =	vst v63  }
0x20c: {  	_ =	swait.ge [sflag:s10], $0x5000  }
0x20d: {  	s12 =	simm.s32 $0xFFFFFFFE;
	[sflag:s10] =	ssyncset.done $0x0  }
0x20e: {  	s13 =	simm.s32 $0x10;
	s14 =	simm.s32 $0x10;
	[sflag:s10] =	ssyncadd.s32 $0xFFFFB000  }
.LBB2_36:
0x20f: {  	v26 =	vld [tilespmem:s14+$0xFFFFFFF0];
	_ =	sdelay $0x2  }
0x210: {  	s15 =	sadd.s32 $0xFFFFFFF0, s13  }
0x211: {  	v28 =	vmov s15  }
0x212: {  	v28 =	vshll.u32 v28, $0x3;
	v27 =	vadd.s32 $0xFFFFFD58, v26  }
0x213: {  	v28 =	vand.u32 $0xC00, v28;
	v29 =	vadd.s32 $0xFFFFFDA8, v26;
	vm0 =	vlt.u32 v27, $0x28  }
0x214: {  	v27 =	vor.u32 s15, v14;
	vm1 =	vlt.u32 v29, $0x28;
	v30 =	vsel vm0, $0x7FFD58, v16  }
0x215: {  	v27 =	vand.u32 $0x6F, v27;
	v57 =	vadd.s32 v26, v30;
	v26 =	vshll.u32 v26, $0x7  }
0x216: {  	v27 =	vor.u32 v28, v27;
	v29 =	vshll.u32 v57, $0x9;
	v26 =	vand.u32 $0x380, v26  }
0x217: {  	vm1 =	vmor vm0, vm1;
	v58 =	vand.u32 $0xFFFFF000, v29;
	v26 =	vor.u32 v26, v27  }
0x218: {  	v26 =	vor.u32 v58, v26;
	_ =	sdelay $0x3  }
0x219: {  	v27 =	vsel vm0, $0x3F800000, v20  }
0x21a: {  	[tilespmem:v26+s1+$0x0] =	vst.idx.msk vm1, v27  }
0x21b: {  	v26 =	vld [tilespmem:s14+$0x0];
	_ =	sdelay $0x3  }
0x21c: {  	v59 =	vmov s13  }
0x21d: {  	v28 =	vshll.u32 v59, $0x3;
	v27 =	vadd.s32 $0xFFFFFD58, v26  }
0x21e: {  	v28 =	vand.u32 $0xC00, v28;
	v60 =	vadd.s32 $0xFFFFFDA8, v26;
	vm14 =	vlt.u32 v27, $0x28  }
0x21f: {  	v27 =	vor.u32 s13, v14;
	vm15 =	vlt.u32 v60, $0x28;
	v61 =	vsel vm14, $0x7FFD58, v16  }
0x220: {  	v27 =	vand.u32 $0x7F, v27;
	v62 =	vadd.s32 v26, v61;
	v26 =	vshll.u32 v26, $0x7  }
0x221: {  	v27 =	vor.u32 v28, v27;
	v29 =	vshll.u32 v62, $0x9;
	v26 =	vand.u32 $0x380, v26  }
0x222: {  	s12 =	sadd.s32 $0x2, s12;
	vm1 =	vmor vm14, vm15;
	v63 =	vand.u32 $0xFFFFF000, v29;
	v26 =	vor.u32 v26, v27  }
0x223: {  	p0 =	slt.u32 s12, $0x1E;
	v26 =	vor.u32 v63, v26  }
.Ltmp17:
0x224: {  	_ = 	snop;
	(pc) =	sbr.rel @p0 .LBB2_36-.Ltmp17, $3  }
0x225: {  	_ =	sdelay $0x1  }
0x226: {  	v27 =	vsel vm14, $0x3F800000, v20  }
0x227: {  	s14 =	sadd.s32 $0x20, s14;
	s13 =	sadd.s32 $0x20, s13;
	[tilespmem:v26+s1+$0x0] =	vst.idx.msk vm1, v27  }
0x228: {  	[hbm4b:s21+s7] =	stream.strided.scatter [tilespmem:s1], [sflag:$0x2], $0x5000, s8, s7, $0x38;
	[tilespmem:$0xA200] =	vst v63  }
0x229: {  	_ =	swait.ge [sflag:s9], $0x5000  }
0x22a: {  	s12 =	simm.s32 $0xFFFFFFFE;
	[sflag:s9] =	ssyncset.done $0x0  }
0x22b: {  	s13 =	simm.s32 $0x10;
	s14 =	simm.s32 $0x10;
	[sflag:s9] =	ssyncadd.s32 $0xFFFFB000  }
.LBB2_38:
0x22c: {  	v26 =	vld [tilespmem:s14+$0xFFFFFFF0];
	_ =	sdelay $0x2  }
0x22d: {  	s15 =	sadd.s32 $0xFFFFFFF0, s13  }
0x22e: {  	v28 =	vmov s15  }
0x22f: {  	v28 =	vshll.u32 v28, $0x3;
	v27 =	vadd.s32 $0xFFFFFD30, v26  }
0x230: {  	v28 =	vand.u32 $0xC00, v28;
	v29 =	vadd.s32 $0xFFFFFD80, v26;
	vm0 =	vlt.u32 v27, $0x28  }
0x231: {  	v27 =	vor.u32 s15, v14;
	vm1 =	vlt.u32 v29, $0x28;
	v30 =	vsel vm0, $0x7FFD30, v18  }
0x232: {  	v27 =	vand.u32 $0x6F, v27;
	v57 =	vadd.s32 v26, v30;
	v26 =	vshll.u32 v26, $0x7  }
0x233: {  	v27 =	vor.u32 v28, v27;
	v29 =	vshll.u32 v57, $0x9;
	v26 =	vand.u32 $0x380, v26  }
0x234: {  	vm1 =	vmor vm0, vm1;
	v58 =	vand.u32 $0xFFFFF000, v29;
	v26 =	vor.u32 v26, v27  }
0x235: {  	v26 =	vor.u32 v58, v26;
	_ =	sdelay $0x3  }
0x236: {  	v27 =	vsel vm0, $0x3F800000, v20  }
0x237: {  	[tilespmem:v26+s0+$0x0] =	vst.idx.msk vm1, v27  }
0x238: {  	v26 =	vld [tilespmem:s14+$0x0];
	_ =	sdelay $0x3  }
0x239: {  	v59 =	vmov s13  }
0x23a: {  	v28 =	vshll.u32 v59, $0x3;
	v27 =	vadd.s32 $0xFFFFFD30, v26  }
0x23b: {  	v28 =	vand.u32 $0xC00, v28;
	v60 =	vadd.s32 $0xFFFFFD80, v26;
	vm14 =	vlt.u32 v27, $0x28  }
0x23c: {  	v27 =	vor.u32 s13, v14;
	vm15 =	vlt.u32 v60, $0x28;
	v61 =	vsel vm14, $0x7FFD30, v18  }
0x23d: {  	v27 =	vand.u32 $0x7F, v27;
	v62 =	vadd.s32 v26, v61;
	v26 =	vshll.u32 v26, $0x7  }
0x23e: {  	v27 =	vor.u32 v28, v27;
	v29 =	vshll.u32 v62, $0x9;
	v26 =	vand.u32 $0x380, v26  }
0x23f: {  	s12 =	sadd.s32 $0x2, s12;
	vm1 =	vmor vm14, vm15;
	v63 =	vand.u32 $0xFFFFF000, v29;
	v26 =	vor.u32 v26, v27  }
0x240: {  	p0 =	slt.u32 s12, $0x1E;
	v26 =	vor.u32 v63, v26  }
.Ltmp18:
0x241: {  	_ = 	snop;
	(pc) =	sbr.rel @p0 .LBB2_38-.Ltmp18, $3  }
0x242: {  	_ =	sdelay $0x1  }
0x243: {  	v27 =	vsel vm14, $0x3F800000, v20  }
0x244: {  	s14 =	sadd.s32 $0x20, s14;
	s13 =	sadd.s32 $0x20, s13;
	[tilespmem:v26+s0+$0x0] =	vst.idx.msk vm1, v27  }
0x245: {  	[hbm4b:s22+s7] =	stream.strided.scatter [tilespmem:s0], [sflag:$0x1], $0x5000, s8, s7, $0x38;
	[tilespmem:$0xA200] =	vst v63  }
0x246: {  	_ =	swait.ge [sflag:s10], $0x5000  }
0x247: {  	s12 =	simm.s32 $0xFFFFFFFE;
	[sflag:s10] =	ssyncset.done $0x0  }
0x248: {  	s13 =	simm.s32 $0x10;
	s14 =	simm.s32 $0x10;
	[sflag:s10] =	ssyncadd.s32 $0xFFFFB000  }
.LBB2_40:
0x249: {  	v26 =	vld [tilespmem:s14+$0xFFFFFFF0];
	_ =	sdelay $0x2  }
0x24a: {  	s15 =	sadd.s32 $0xFFFFFFF0, s13  }
0x24b: {  	v28 =	vmov s15  }
0x24c: {  	v28 =	vshll.u32 v28, $0x3;
	v27 =	vadd.s32 $0xFFFFFD08, v26  }
0x24d: {  	v28 =	vand.u32 $0xC00, v28;
	v29 =	vadd.s32 $0xFFFFFD58, v26;
	vm0 =	vlt.u32 v27, $0x28  }
0x24e: {  	v27 =	vor.u32 s15, v14;
	vm1 =	vlt.u32 v29, $0x28;
	v30 =	vsel vm0, $0x7FFD08, v19  }
0x24f: {  	v27 =	vand.u32 $0x6F, v27;
	v57 =	vadd.s32 v26, v30;
	v26 =	vshll.u32 v26, $0x7  }
0x250: {  	v27 =	vor.u32 v28, v27;
	v29 =	vshll.u32 v57, $0x9;
	v26 =	vand.u32 $0x380, v26  }
0x251: {  	vm1 =	vmor vm0, vm1;
	v58 =	vand.u32 $0xFFFFF000, v29;
	v26 =	vor.u32 v26, v27  }
0x252: {  	v26 =	vor.u32 v58, v26;
	_ =	sdelay $0x3  }
0x253: {  	v27 =	vsel vm0, $0x3F800000, v20  }
0x254: {  	[tilespmem:v26+s1+$0x0] =	vst.idx.msk vm1, v27  }
0x255: {  	v26 =	vld [tilespmem:s14+$0x0];
	_ =	sdelay $0x3  }
0x256: {  	v59 =	vmov s13  }
0x257: {  	v28 =	vshll.u32 v59, $0x3;
	v27 =	vadd.s32 $0xFFFFFD08, v26  }
0x258: {  	v28 =	vand.u32 $0xC00, v28;
	v60 =	vadd.s32 $0xFFFFFD58, v26;
	vm14 =	vlt.u32 v27, $0x28  }
0x259: {  	v27 =	vor.u32 s13, v14;
	vm15 =	vlt.u32 v60, $0x28;
	v61 =	vsel vm14, $0x7FFD08, v19  }
0x25a: {  	v27 =	vand.u32 $0x7F, v27;
	v62 =	vadd.s32 v26, v61;
	v26 =	vshll.u32 v26, $0x7  }
0x25b: {  	v27 =	vor.u32 v28, v27;
	v29 =	vshll.u32 v62, $0x9;
	v26 =	vand.u32 $0x380, v26  }
0x25c: {  	s12 =	sadd.s32 $0x2, s12;
	vm1 =	vmor vm14, vm15;
	v63 =	vand.u32 $0xFFFFF000, v29;
	v26 =	vor.u32 v26, v27  }
0x25d: {  	p0 =	slt.u32 s12, $0x1E;
	v26 =	vor.u32 v63, v26  }
.Ltmp19:
0x25e: {  	_ = 	snop;
	(pc) =	sbr.rel @p0 .LBB2_40-.Ltmp19, $3  }
0x25f: {  	_ =	sdelay $0x1  }
0x260: {  	v27 =	vsel vm14, $0x3F800000, v20  }
0x261: {  	s14 =	sadd.s32 $0x20, s14;
	s13 =	sadd.s32 $0x20, s13;
	[tilespmem:v26+s1+$0x0] =	vst.idx.msk vm1, v27  }
0x262: {  	[hbm4b:s23+s7] =	stream.strided.scatter [tilespmem:s1], [sflag:$0x2], $0x5000, s8, s7, $0x38;
	[tilespmem:$0xA200] =	vst v63  }
0x263: {  	_ =	swait.ge [sflag:s9], $0x5000  }
0x264: {  	s12 =	simm.s32 $0xFFFFFFFE;
	[sflag:s9] =	ssyncset.done $0x0  }
0x265: {  	s13 =	simm.s32 $0x10;
	s14 =	simm.s32 $0x10;
	[sflag:s9] =	ssyncadd.s32 $0xFFFFB000  }
.LBB2_42:
0x266: {  	v26 =	vld [tilespmem:s14+$0xFFFFFFF0];
	_ =	sdelay $0x2  }
0x267: {  	s15 =	sadd.s32 $0xFFFFFFF0, s13  }
0x268: {  	v28 =	vmov s15  }
0x269: {  	v28 =	vshll.u32 v28, $0x3;
	v27 =	vadd.s32 $0xFFFFFCE0, v26  }
0x26a: {  	v28 =	vand.u32 $0xC00, v28;
	v29 =	vadd.s32 $0xFFFFFD30, v26;
	vm0 =	vlt.u32 v27, $0x28  }
0x26b: {  	v27 =	vor.u32 s15, v14;
	vm1 =	vlt.u32 v29, $0x28;
	v30 =	vsel vm0, $0x7FFCE0, v21  }
0x26c: {  	v27 =	vand.u32 $0x6F, v27;
	v57 =	vadd.s32 v26, v30;
	v26 =	vshll.u32 v26, $0x7  }
0x26d: {  	v27 =	vor.u32 v28, v27;
	v29 =	vshll.u32 v57, $0x9;
	v26 =	vand.u32 $0x380, v26  }
0x26e: {  	vm1 =	vmor vm0, vm1;
	v58 =	vand.u32 $0xFFFFF000, v29;
	v26 =	vor.u32 v26, v27  }
0x26f: {  	v26 =	vor.u32 v58, v26;
	_ =	sdelay $0x3  }
0x270: {  	v27 =	vsel vm0, $0x3F800000, v20  }
0x271: {  	[tilespmem:v26+s0+$0x0] =	vst.idx.msk vm1, v27  }
0x272: {  	v26 =	vld [tilespmem:s14+$0x0];
	_ =	sdelay $0x3  }
0x273: {  	v59 =	vmov s13  }
0x274: {  	v28 =	vshll.u32 v59, $0x3;
	v27 =	vadd.s32 $0xFFFFFCE0, v26  }
0x275: {  	v28 =	vand.u32 $0xC00, v28;
	v60 =	vadd.s32 $0xFFFFFD30, v26;
	vm14 =	vlt.u32 v27, $0x28  }
0x276: {  	v27 =	vor.u32 s13, v14;
	vm15 =	vlt.u32 v60, $0x28;
	v61 =	vsel vm14, $0x7FFCE0, v21  }
0x277: {  	v27 =	vand.u32 $0x7F, v27;
	v62 =	vadd.s32 v26, v61;
	v26 =	vshll.u32 v26, $0x7  }
0x278: {  	v27 =	vor.u32 v28, v27;
	v29 =	vshll.u32 v62, $0x9;
	v26 =	vand.u32 $0x380, v26  }
0x279: {  	s12 =	sadd.s32 $0x2, s12;
	vm1 =	vmor vm14, vm15;
	v63 =	vand.u32 $0xFFFFF000, v29;
	v26 =	vor.u32 v26, v27  }
0x27a: {  	p0 =	slt.u32 s12, $0x1E;
	v26 =	vor.u32 v63, v26  }
.Ltmp20:
0x27b: {  	_ = 	snop;
	(pc) =	sbr.rel @p0 .LBB2_42-.Ltmp20, $3  }
0x27c: {  	_ =	sdelay $0x1  }
0x27d: {  	v27 =	vsel vm14, $0x3F800000, v20  }
0x27e: {  	s14 =	sadd.s32 $0x20, s14;
	s13 =	sadd.s32 $0x20, s13;
	[tilespmem:v26+s0+$0x0] =	vst.idx.msk vm1, v27  }
0x27f: {  	[hbm4b:s26+s7] =	stream.strided.scatter [tilespmem:s0], [sflag:$0x1], $0x5000, s8, s7, $0x38;
	[tilespmem:$0xA200] =	vst v63  }
0x280: {  	_ =	swait.ge [sflag:s10], $0x5000  }
0x281: {  	s12 =	simm.s32 $0xFFFFFFFE;
	[sflag:s10] =	ssyncset.done $0x0  }
0x282: {  	s13 =	simm.s32 $0x10;
	s14 =	simm.s32 $0x10;
	[sflag:s10] =	ssyncadd.s32 $0xFFFFB000  }
.LBB2_44:
0x283: {  	v26 =	vld [tilespmem:s14+$0xFFFFFFF0];
	_ =	sdelay $0x2  }
0x284: {  	s15 =	sadd.s32 $0xFFFFFFF0, s13  }
0x285: {  	v28 =	vmov s15  }
0x286: {  	v28 =	vshll.u32 v28, $0x3;
	v27 =	vadd.s32 $0xFFFFFCB8, v26  }
0x287: {  	v28 =	vand.u32 $0xC00, v28;
	v29 =	vadd.s32 $0xFFFFFD08, v26;
	vm0 =	vlt.u32 v27, $0x28  }
0x288: {  	v27 =	vor.u32 s15, v14;
	vm1 =	vlt.u32 v29, $0x28;
	v30 =	vsel vm0, $0x7FFCB8, v22  }
0x289: {  	v27 =	vand.u32 $0x6F, v27;
	v57 =	vadd.s32 v26, v30;
	v26 =	vshll.u32 v26, $0x7  }
0x28a: {  	v27 =	vor.u32 v28, v27;
	v29 =	vshll.u32 v57, $0x9;
	v26 =	vand.u32 $0x380, v26  }
0x28b: {  	vm1 =	vmor vm0, vm1;
	v58 =	vand.u32 $0xFFFFF000, v29;
	v26 =	vor.u32 v26, v27  }
0x28c: {  	v26 =	vor.u32 v58, v26;
	_ =	sdelay $0x3  }
0x28d: {  	v27 =	vsel vm0, $0x3F800000, v20  }
0x28e: {  	[tilespmem:v26+s1+$0x0] =	vst.idx.msk vm1, v27  }
0x28f: {  	v26 =	vld [tilespmem:s14+$0x0];
	_ =	sdelay $0x3  }
0x290: {  	v59 =	vmov s13  }
0x291: {  	v28 =	vshll.u32 v59, $0x3;
	v27 =	vadd.s32 $0xFFFFFCB8, v26  }
0x292: {  	v28 =	vand.u32 $0xC00, v28;
	v60 =	vadd.s32 $0xFFFFFD08, v26;
	vm14 =	vlt.u32 v27, $0x28  }
0x293: {  	v27 =	vor.u32 s13, v14;
	vm15 =	vlt.u32 v60, $0x28;
	v61 =	vsel vm14, $0x7FFCB8, v22  }
0x294: {  	v27 =	vand.u32 $0x7F, v27;
	v62 =	vadd.s32 v26, v61;
	v26 =	vshll.u32 v26, $0x7  }
0x295: {  	v27 =	vor.u32 v28, v27;
	v29 =	vshll.u32 v62, $0x9;
	v26 =	vand.u32 $0x380, v26  }
0x296: {  	s12 =	sadd.s32 $0x2, s12;
	vm1 =	vmor vm14, vm15;
	v63 =	vand.u32 $0xFFFFF000, v29;
	v26 =	vor.u32 v26, v27  }
0x297: {  	p0 =	slt.u32 s12, $0x1E;
	v26 =	vor.u32 v63, v26  }
.Ltmp21:
0x298: {  	_ = 	snop;
	(pc) =	sbr.rel @p0 .LBB2_44-.Ltmp21, $3  }
0x299: {  	_ =	sdelay $0x1  }
0x29a: {  	v27 =	vsel vm14, $0x3F800000, v20  }
0x29b: {  	s14 =	sadd.s32 $0x20, s14;
	s13 =	sadd.s32 $0x20, s13;
	[tilespmem:v26+s1+$0x0] =	vst.idx.msk vm1, v27  }
0x29c: {  	[hbm4b:s28+s7] =	stream.strided.scatter [tilespmem:s1], [sflag:$0x2], $0x5000, s8, s7, $0x38;
	[tilespmem:$0xA200] =	vst v63  }
0x29d: {  	_ =	swait.ge [sflag:s9], $0x5000  }
0x29e: {  	s12 =	simm.s32 $0xFFFFFFFE;
	[sflag:s9] =	ssyncset.done $0x0  }
0x29f: {  	s13 =	simm.s32 $0x10;
	s14 =	simm.s32 $0x10;
	[sflag:s9] =	ssyncadd.s32 $0xFFFFB000  }
.LBB2_46:
0x2a0: {  	v26 =	vld [tilespmem:s14+$0xFFFFFFF0];
	_ =	sdelay $0x2  }
0x2a1: {  	s15 =	sadd.s32 $0xFFFFFFF0, s13  }
0x2a2: {  	v28 =	vmov s15  }
0x2a3: {  	v28 =	vshll.u32 v28, $0x3;
	v27 =	vadd.s32 $0xFFFFFC90, v26  }
0x2a4: {  	v28 =	vand.u32 $0xC00, v28;
	v29 =	vadd.s32 $0xFFFFFCE0, v26;
	vm0 =	vlt.u32 v27, $0x28  }
0x2a5: {  	v27 =	vor.u32 s15, v14;
	vm1 =	vlt.u32 v29, $0x28;
	v30 =	vsel vm0, $0x7FFC90, v23  }
0x2a6: {  	v27 =	vand.u32 $0x6F, v27;
	v57 =	vadd.s32 v26, v30;
	v26 =	vshll.u32 v26, $0x7  }
0x2a7: {  	v27 =	vor.u32 v28, v27;
	v29 =	vshll.u32 v57, $0x9;
	v26 =	vand.u32 $0x380, v26  }
0x2a8: {  	vm1 =	vmor vm0, vm1;
	v58 =	vand.u32 $0xFFFFF000, v29;
	v26 =	vor.u32 v26, v27  }
0x2a9: {  	v26 =	vor.u32 v58, v26;
	_ =	sdelay $0x3  }
0x2aa: {  	v27 =	vsel vm0, $0x3F800000, v20  }
0x2ab: {  	[tilespmem:v26+s0+$0x0] =	vst.idx.msk vm1, v27  }
0x2ac: {  	v26 =	vld [tilespmem:s14+$0x0];
	_ =	sdelay $0x3  }
0x2ad: {  	v59 =	vmov s13  }
0x2ae: {  	v28 =	vshll.u32 v59, $0x3;
	v27 =	vadd.s32 $0xFFFFFC90, v26  }
0x2af: {  	v28 =	vand.u32 $0xC00, v28;
	v60 =	vadd.s32 $0xFFFFFCE0, v26;
	vm14 =	vlt.u32 v27, $0x28  }
0x2b0: {  	v27 =	vor.u32 s13, v14;
	vm15 =	vlt.u32 v60, $0x28;
	v61 =	vsel vm14, $0x7FFC90, v23  }
0x2b1: {  	v27 =	vand.u32 $0x7F, v27;
	v62 =	vadd.s32 v26, v61;
	v26 =	vshll.u32 v26, $0x7  }
0x2b2: {  	v27 =	vor.u32 v28, v27;
	v29 =	vshll.u32 v62, $0x9;
	v26 =	vand.u32 $0x380, v26  }
0x2b3: {  	s12 =	sadd.s32 $0x2, s12;
	vm1 =	vmor vm14, vm15;
	v63 =	vand.u32 $0xFFFFF000, v29;
	v26 =	vor.u32 v26, v27  }
0x2b4: {  	p0 =	slt.u32 s12, $0x1E;
	v26 =	vor.u32 v63, v26  }
.Ltmp22:
0x2b5: {  	_ = 	snop;
	(pc) =	sbr.rel @p0 .LBB2_46-.Ltmp22, $3  }
0x2b6: {  	_ =	sdelay $0x1  }
0x2b7: {  	v27 =	vsel vm14, $0x3F800000, v20  }
0x2b8: {  	s14 =	sadd.s32 $0x20, s14;
	s13 =	sadd.s32 $0x20, s13;
	[tilespmem:v26+s0+$0x0] =	vst.idx.msk vm1, v27  }
0x2b9: {  	[hbm4b:s29+s7] =	stream.strided.scatter [tilespmem:s0], [sflag:$0x1], $0x5000, s8, s7, $0x38;
	[tilespmem:$0xA200] =	vst v63  }
0x2ba: {  	_ =	swait.ge [sflag:s10], $0x5000  }
0x2bb: {  	s12 =	simm.s32 $0xFFFFFFFE;
	[sflag:s10] =	ssyncset.done $0x0  }
0x2bc: {  	s13 =	simm.s32 $0x10;
	s14 =	simm.s32 $0x10;
	[sflag:s10] =	ssyncadd.s32 $0xFFFFB000  }
.LBB2_48:
0x2bd: {  	v26 =	vld [tilespmem:s14+$0xFFFFFFF0];
	_ =	sdelay $0x2  }
0x2be: {  	s15 =	sadd.s32 $0xFFFFFFF0, s13  }
0x2bf: {  	v28 =	vmov s15  }
0x2c0: {  	v28 =	vshll.u32 v28, $0x3;
	v27 =	vadd.s32 $0xFFFFFC68, v26  }
0x2c1: {  	v28 =	vand.u32 $0xC00, v28;
	v29 =	vadd.s32 $0xFFFFFCB8, v26;
	vm0 =	vlt.u32 v27, $0x28  }
0x2c2: {  	v27 =	vor.u32 s15, v14;
	vm1 =	vlt.u32 v29, $0x28;
	v30 =	vsel vm0, $0x7FFC68, v24  }
0x2c3: {  	v27 =	vand.u32 $0x6F, v27;
	v57 =	vadd.s32 v26, v30;
	v26 =	vshll.u32 v26, $0x7  }
0x2c4: {  	v27 =	vor.u32 v28, v27;
	v29 =	vshll.u32 v57, $0x9;
	v26 =	vand.u32 $0x380, v26  }
0x2c5: {  	vm1 =	vmor vm0, vm1;
	v58 =	vand.u32 $0xFFFFF000, v29;
	v26 =	vor.u32 v26, v27  }
0x2c6: {  	v26 =	vor.u32 v58, v26;
	_ =	sdelay $0x3  }
0x2c7: {  	v27 =	vsel vm0, $0x3F800000, v20  }
0x2c8: {  	[tilespmem:v26+s1+$0x0] =	vst.idx.msk vm1, v27  }
0x2c9: {  	v26 =	vld [tilespmem:s14+$0x0];
	_ =	sdelay $0x3  }
0x2ca: {  	v59 =	vmov s13  }
0x2cb: {  	v28 =	vshll.u32 v59, $0x3;
	v27 =	vadd.s32 $0xFFFFFC68, v26  }
0x2cc: {  	v28 =	vand.u32 $0xC00, v28;
	v60 =	vadd.s32 $0xFFFFFCB8, v26;
	vm14 =	vlt.u32 v27, $0x28  }
0x2cd: {  	v27 =	vor.u32 s13, v14;
	vm15 =	vlt.u32 v60, $0x28;
	v61 =	vsel vm14, $0x7FFC68, v24  }
0x2ce: {  	v27 =	vand.u32 $0x7F, v27;
	v62 =	vadd.s32 v26, v61;
	v26 =	vshll.u32 v26, $0x7  }
0x2cf: {  	v27 =	vor.u32 v28, v27;
	v29 =	vshll.u32 v62, $0x9;
	v26 =	vand.u32 $0x380, v26  }
0x2d0: {  	s12 =	sadd.s32 $0x2, s12;
	vm1 =	vmor vm14, vm15;
	v63 =	vand.u32 $0xFFFFF000, v29;
	v26 =	vor.u32 v26, v27  }
0x2d1: {  	p0 =	slt.u32 s12, $0x1E;
	v26 =	vor.u32 v63, v26  }
.Ltmp23:
0x2d2: {  	_ = 	snop;
	(pc) =	sbr.rel @p0 .LBB2_48-.Ltmp23, $3  }
0x2d3: {  	_ =	sdelay $0x1  }
0x2d4: {  	v27 =	vsel vm14, $0x3F800000, v20  }
0x2d5: {  	s14 =	sadd.s32 $0x20, s14;
	s13 =	sadd.s32 $0x20, s13;
	[tilespmem:v26+s1+$0x0] =	vst.idx.msk vm1, v27  }
0x2d6: {  	[hbm4b:s30+s7] =	stream.strided.scatter [tilespmem:s1], [sflag:$0x2], $0x5000, s8, s7, $0x38;
	[tilespmem:$0xA200] =	vst v63  }
0x2d7: {  	_ =	swait.ge [sflag:s9], $0x5000  }
0x2d8: {  	s12 =	simm.s32 $0xFFFFFFFE;
	[sflag:s9] =	ssyncset.done $0x0  }
0x2d9: {  	s13 =	simm.s32 $0x10;
	s14 =	simm.s32 $0x10;
	[sflag:s9] =	ssyncadd.s32 $0xFFFFB000  }
.LBB2_50:
0x2da: {  	v26 =	vld [tilespmem:s14+$0xFFFFFFF0];
	_ =	sdelay $0x2  }
0x2db: {  	s15 =	sadd.s32 $0xFFFFFFF0, s13  }
0x2dc: {  	v28 =	vmov s15  }
0x2dd: {  	v28 =	vshll.u32 v28, $0x3;
	v27 =	vadd.s32 $0xFFFFFC40, v26  }
0x2de: {  	v28 =	vand.u32 $0xC00, v28;
	v29 =	vadd.s32 $0xFFFFFC90, v26;
	vm0 =	vlt.u32 v27, $0x28  }
0x2df: {  	v27 =	vor.u32 s15, v14;
	vm1 =	vlt.u32 v29, $0x28;
	v30 =	vsel vm0, $0x7FFC40, v25  }
0x2e0: {  	v27 =	vand.u32 $0x6F, v27;
	v57 =	vadd.s32 v26, v30;
	v26 =	vshll.u32 v26, $0x7  }
0x2e1: {  	v27 =	vor.u32 v28, v27;
	v29 =	vshll.u32 v57, $0x9;
	v26 =	vand.u32 $0x380, v26  }
0x2e2: {  	vm1 =	vmor vm0, vm1;
	v58 =	vand.u32 $0xFFFFF000, v29;
	v26 =	vor.u32 v26, v27  }
0x2e3: {  	v26 =	vor.u32 v58, v26;
	_ =	sdelay $0x3  }
0x2e4: {  	v27 =	vsel vm0, $0x3F800000, v20  }
0x2e5: {  	[tilespmem:v26+s0+$0x0] =	vst.idx.msk vm1, v27  }
0x2e6: {  	v26 =	vld [tilespmem:s14+$0x0];
	_ =	sdelay $0x3  }
0x2e7: {  	v59 =	vmov s13  }
0x2e8: {  	v28 =	vshll.u32 v59, $0x3;
	v27 =	vadd.s32 $0xFFFFFC40, v26  }
0x2e9: {  	v28 =	vand.u32 $0xC00, v28;
	v60 =	vadd.s32 $0xFFFFFC90, v26;
	vm14 =	vlt.u32 v27, $0x28  }
0x2ea: {  	v27 =	vor.u32 s13, v14;
	vm15 =	vlt.u32 v60, $0x28;
	v61 =	vsel vm14, $0x7FFC40, v25  }
0x2eb: {  	v27 =	vand.u32 $0x7F, v27;
	v62 =	vadd.s32 v26, v61;
	v26 =	vshll.u32 v26, $0x7  }
0x2ec: {  	v27 =	vor.u32 v28, v27;
	v29 =	vshll.u32 v62, $0x9;
	v26 =	vand.u32 $0x380, v26  }
0x2ed: {  	s12 =	sadd.s32 $0x2, s12;
	vm1 =	vmor vm14, vm15;
	v63 =	vand.u32 $0xFFFFF000, v29;
	v26 =	vor.u32 v26, v27  }
0x2ee: {  	p0 =	slt.u32 s12, $0x1E;
	v26 =	vor.u32 v63, v26  }
.Ltmp24:
0x2ef: {  	_ = 	snop;
	(pc) =	sbr.rel @p0 .LBB2_50-.Ltmp24, $3  }
0x2f0: {  	_ =	sdelay $0x1  }
0x2f1: {  	v27 =	vsel vm14, $0x3F800000, v20  }
0x2f2: {  	s14 =	sadd.s32 $0x20, s14;
	s13 =	sadd.s32 $0x20, s13;
	[tilespmem:v26+s0+$0x0] =	vst.idx.msk vm1, v27  }
0x2f3: {  	[hbm4b:s31+s7] =	stream.strided.scatter [tilespmem:s0], [sflag:$0x1], $0x5000, s8, s7, $0x38;
	[tilespmem:$0xA200] =	vst v63  }
0x2f4: {  	s11 =	sadd.s32 $0x1, s11  }
0x2f5: {  	_ =	swait.ge [sflag:s10], $0x5000;
	p0 =	sne.s32 s11, s25  }
.Ltmp25:
0x2f6: {  	[sflag:s10] =	ssyncset.done $0x0;
	(pc) =	sbr.rel @p0 .LBB2_1-.Ltmp25, $4  }
0x2f7: {  	[sflag:s10] =	ssyncadd.s32 $0xFFFFB000  }
0x2f8: {  	_ =	swait.ge [sflag:s9], $0x5000  }
0x2f9: {  	[sflag:s9] =	ssyncset.done $0x0  }
0x2fa: {  	[sflag:s9] =	ssyncadd.s32 $0xFFFFB000  }
0x2fb: {  	_ =	sfence.sel $0x180000  }
0x2fc: {  	[bflag:$0x0] =	sbarrier.arrive $0xFFFF  }
0x2fd: {  	_ =	strace $0x90000047  }
0x2fe: {  	s0 =	stileid.u32;
	[bflag:$0x2] =	sbarrier.arrive $0xFFFF  }
0x2ff: {  	p0 =	sne.s32 s0, $0x0;
	s0 =	rddreg [dreg:$0x3]  }
0x300: {  	s0 =	sadd.s32 @!p0 $0x100000, s0  }
0x301: {  	[sflag:s0] =	ssyncadd.tile.s32 @!p0 $0x1;
	_ =	shalt  }
.Lfunc_end2:
_tile_overlayer_lowered:
.L_overlay_start_2:
0x302: {  	(tag) =	ssettag $0x2  }
0x303: {  	s0 =	rddreg [dreg:$0x0];
	s2 =	stileid.u32  }
0x304: {  	s1 =	rddreg [dreg:$0x1];
	p0 =	sne.s32 s2, $0x0  }
0x305: {  	s3 =	rddreg [dreg:$0x2];
	[bflag:$0x3] =	sbarrier.arrive $0xFFFF;
	s2 =	simm.s32 @!p0 $0x1C04  }
0x306: {  	[timem:s3], [sflag:s2] =	dma.local @!p0 [hbm:s0], s1  }
0x307: {  	s0 =	simm.s32 @!p0 $0x4  }
0x308: {  	_ =	swait.ge @!p0 [sflag:s0], s1  }
0x309: {  	s1 =	ssub.s32 @!p0 $0x0, s1;
	[sflag:s0] =	ssyncset.done @!p0 $0x0  }
0x30a: {  	[sflag:s0] =	ssyncadd.s32 @!p0 s1  }
0x30b: {  	[bflag:$0x3] =	sbarrier.arrive $0xFFFF  }
0x30c: {  	_ =	shalt  }

</sc_bundles>
